<compile_context>
chip_gen: v7x
topology: tpu7x:2x2x1
jax: 0.10.2.dev20260603
libtpu: 0.0.44.dev20260713+nightly
codegen_flags: <defaults>
</compile_context>

<pallas_src>
import functools

import jax
import jax.numpy as jnp
from jax import lax
from jax.experimental import pallas as pl
from jax.experimental.pallas import tpu as pltpu
from jax.experimental.pallas import tpu_sc as plsc

T = 4096
N_SPANS = 4096
D_HEAD = 1024
D_CTX = 1024
F = 128
ZCOLS = 128
DC = D_HEAD + ZCOLS
D_OUT = D_CTX + D_CTX + F + D_HEAD

BLK = 512
L = 16
NC, NS = 2, 16
NW = NC * NS
SPANS_PER_W = N_SPANS // NW


def _prefix_body(ctx_ref, head_ref, w_ref, b_ref, out_ref, carry_ref):
    i = pl.program_id(0)

    @pl.when(i == 0)
    def _():
        carry_ref[...] = jnp.zeros_like(carry_ref)

    ctx = ctx_ref[...]
    head = head_ref[...]
    w = w_ref[...]
    b = b_ref[0, 0]
    s = jnp.sum(ctx * w, axis=1, keepdims=True) + b
    e = jnp.exp(s)
    gfull = jnp.concatenate(
        [e * head, jnp.broadcast_to(e, (BLK, ZCOLS))], axis=1)
    r = lax.broadcasted_iota(jnp.int32, (BLK, BLK), 0)
    c = lax.broadcasted_iota(jnp.int32, (BLK, BLK), 1)
    strict_l = (r > c).astype(jnp.float32)
    ex = jnp.dot(strict_l, gfull, preferred_element_type=jnp.float32)
    out_ref[...] = ex + carry_ref[...]
    carry_ref[...] = carry_ref[...] + jnp.sum(gfull, axis=0, keepdims=True)


def _prefix_table(context_outputs, head_emb, attn_w, attn_b):
    return pl.pallas_call(
        _prefix_body,
        grid=(T // BLK,),
        in_specs=[
            pl.BlockSpec((BLK, D_CTX), lambda i: (i, 0)),
            pl.BlockSpec((BLK, D_HEAD), lambda i: (i, 0)),
            pl.BlockSpec((1, D_CTX), lambda i: (0, 0)),
            pl.BlockSpec((1, 1), lambda i: (0, 0)),
        ],
        out_specs=pl.BlockSpec((BLK, DC), lambda i: (i, 0)),
        out_shape=jax.ShapeDtypeStruct((T, DC), jnp.float32),
        scratch_shapes=[pltpu.VMEM((1, DC), jnp.float32)],
    )(context_outputs, head_emb, attn_w, attn_b)


def _worker_base():
    wid = lax.axis_index("s") * NC + lax.axis_index("c")
    return wid * SPANS_PER_W


def _sc_ctx_body(ctx_hbm, swe_hbm, st_hbm, en_hbm, out_hbm,
                 st_all, en_all, wi_all, we_all,
                 cxs0, cxs1, cxs2, cxs3, cxe0, cxe1, cxe2, cxe3,
                 gsem0, gsem1, gsem2, gsem3,
                 osem0, osem1, osem2, osem3, wsem):
    cxs = (cxs0, cxs1, cxs2, cxs3)
    cxe = (cxe0, cxe1, cxe2, cxe3)
    gsem = (gsem0, gsem1, gsem2, gsem3)
    osem = (osem0, osem1, osem2, osem3)
    base = _worker_base()

    pltpu.sync_copy(st_hbm.at[pl.ds(base, SPANS_PER_W)], st_all)
    pltpu.sync_copy(en_hbm.at[pl.ds(base, SPANS_PER_W)], en_all)

    @plsc.parallel_loop(0, SPANS_PER_W, step=L)
    def _(t):
        sl = pl.ds(t, L)
        wi_all[sl] = en_all[sl] - st_all[sl]

    pltpu.async_copy(swe_hbm.at[wi_all], we_all, gsem0).wait()

    def fire_g(c, b):
        sl = pl.ds(c * CHUNK_A, CHUNK_A)
        pltpu.async_copy(ctx_hbm.at[st_all.at[sl]], cxs[b], gsem[b])
        pltpu.async_copy(ctx_hbm.at[en_all.at[sl]], cxe[b], gsem[b])

    def wait_g(b):
        pltpu.make_async_copy(ctx_hbm.at[pl.ds(0, CHUNK_A)], cxs[b],
                              gsem[b]).wait()
        pltpu.make_async_copy(ctx_hbm.at[pl.ds(0, CHUNK_A)], cxe[b],
                              gsem[b]).wait()

    def fire_out(c, b):
        rows = pl.ds(base + c * CHUNK_A, CHUNK_A)
        pltpu.async_copy(cxs[b], out_hbm.at[rows, pl.ds(0, D_CTX)], osem[b])
        pltpu.async_copy(cxe[b], out_hbm.at[rows, pl.ds(D_CTX, D_CTX)],
                         osem[b])

    def wait_out(b):
        rows = pl.ds(base, CHUNK_A)
        pltpu.make_async_copy(cxs[b], out_hbm.at[rows, pl.ds(0, D_CTX)],
                              osem[b]).wait()
        pltpu.make_async_copy(cxe[b], out_hbm.at[rows, pl.ds(D_CTX, D_CTX)],
                              osem[b]).wait()

    we_out = out_hbm.at[pl.ds(base, SPANS_PER_W), pl.ds(2 * D_CTX, F)]
    pltpu.async_copy(we_all, we_out, wsem)
    fire_g(0, 0)
    fire_g(1, 1)
    fire_g(2, 2)

    def outer(k, _):
        for b in range(NBUF):
            c = NBUF * k + b
            nb = (b + 3) % NBUF
            wait_g(b)
            fire_out(c, b)

            @pl.when(c + 3 < N_CHUNKS_A)
            def _():
                @pl.when(c > 0)
                def _():
                    wait_out(nb)

                fire_g(c + 3, nb)

        return 0

    lax.fori_loop(0, N_CHUNKS_A // NBUF, outer, 0)
    for b in range(NBUF):
        wait_out(b)
    pltpu.make_async_copy(we_all, we_out, wsem).wait()


def _sc_head_body(cz_hbm, st_hbm, en_hbm, out_hbm,
                  st_all, enp_all, czs0, czs1, czs2, czs3,
                  cze0, cze1, cze2, cze3, sh0, sh1, sh2, sh3,
                  rcp_buf, gsem0, gsem1, gsem2, gsem3,
                  osem0, osem1, osem2, osem3):
    czs = (czs0, czs1, czs2, czs3)
    cze = (cze0, cze1, cze2, cze3)
    sh = (sh0, sh1, sh2, sh3)
    gsem = (gsem0, gsem1, gsem2, gsem3)
    osem = (osem0, osem1, osem2, osem3)
    base = _worker_base()

    pltpu.sync_copy(st_hbm.at[pl.ds(base, SPANS_PER_W)], st_all)
    pltpu.sync_copy(en_hbm.at[pl.ds(base, SPANS_PER_W)], enp_all)

    @plsc.parallel_loop(0, SPANS_PER_W, step=L)
    def _(t):
        sl = pl.ds(t, L)
        enp_all[sl] = enp_all[sl] + 1

    def fire_g(c, b):
        sl = pl.ds(c * CHUNK_B, CHUNK_B)
        pltpu.async_copy(cz_hbm.at[st_all.at[sl]], czs[b], gsem[b])
        pltpu.async_copy(cz_hbm.at[enp_all.at[sl]], cze[b], gsem[b])

    def wait_g(b):
        pltpu.make_async_copy(cz_hbm.at[pl.ds(0, CHUNK_B)], czs[b],
                              gsem[b]).wait()
        pltpu.make_async_copy(cz_hbm.at[pl.ds(0, CHUNK_B)], cze[b],
                              gsem[b]).wait()

    def fire_out(c, b):
        rows = pl.ds(base + c * CHUNK_B, CHUNK_B)
        pltpu.async_copy(sh[b], out_hbm.at[rows, pl.ds(2 * D_CTX + F, D_HEAD)],
                         osem[b])

    def wait_out(b):
        rows = pl.ds(base, CHUNK_B)
        pltpu.make_async_copy(sh[b], out_hbm.at[rows, pl.ds(2 * D_CTX + F,
                                                            D_HEAD)],
                              osem[b]).wait()

    def compute(b):
        @plsc.parallel_loop(0, CHUNK_B)
        def _(i):
            den = cze[b][i, pl.ds(D_HEAD, L)] - czs[b][i, pl.ds(D_HEAD, L)]
            rcp_buf[pl.ds(i * L, L)] = 1.0 / den

        def span_body(i, _):
            rcp = rcp_buf[pl.ds(i * L, L)]

            @plsc.parallel_loop(0, D_HEAD, step=L, unroll=8)
            def _(t):
                vsl = pl.ds(t, L)
                sh[b][i, vsl] = (cze[b][i, vsl] - czs[b][i, vsl]) * rcp

            return 0

        lax.fori_loop(0, CHUNK_B, span_body, 0)

    fire_g(0, 0)
    fire_g(1, 1)
    fire_g(2, 2)

    def outer(k, _):
        for b in range(NBUF):
            c = NBUF * k + b
            nb = (b + 3) % NBUF
            wait_g(b)

            @pl.when(c + 3 < N_CHUNKS_B)
            def _():
                fire_g(c + 3, nb)

            @pl.when(c > NBUF - 1)
            def _():
                wait_out(b)

            compute(b)
            fire_out(c, b)

        return 0

    lax.fori_loop(0, N_CHUNKS_B // NBUF, outer, 0)
    for b in range(NBUF):
        wait_out(b)


CHUNK_A = 8
N_CHUNKS_A = SPANS_PER_W // CHUNK_A
CHUNK_B = 8
N_CHUNKS_B = SPANS_PER_W // CHUNK_B
NBUF = 4

_SC_MESH = dict(core_axis_name="c", subcore_axis_name="s")


@functools.cache
def _sc_ctx():
    return pl.kernel(
        _sc_ctx_body,
        mesh=plsc.VectorSubcoreMesh(**_SC_MESH),
        out_type=(),
        scratch_types=(
            [pltpu.VMEM((SPANS_PER_W,), jnp.int32)] * 3
            + [pltpu.VMEM((SPANS_PER_W, F), jnp.float32)]
            + [pltpu.VMEM((CHUNK_A, D_CTX), jnp.float32)] * (2 * NBUF)
            + [pltpu.SemaphoreType.DMA] * (2 * NBUF + 1)
        ),
    )


@functools.cache
def _sc_head():
    return pl.kernel(
        _sc_head_body,
        mesh=plsc.VectorSubcoreMesh(**_SC_MESH),
        out_type=(),
        scratch_types=(
            [pltpu.VMEM((SPANS_PER_W,), jnp.int32)] * 2
            + [pltpu.VMEM((CHUNK_B, DC), jnp.float32)] * (2 * NBUF)
            + [pltpu.VMEM((CHUNK_B, D_HEAD), jnp.float32)] * NBUF
            + [pltpu.VMEM((CHUNK_B * L,), jnp.float32)]
            + [pltpu.SemaphoreType.DMA] * (2 * NBUF)
        ),
    )


def kernel(head_emb, text_lens, context_outputs, span_starts, span_ends,
           is_training, span_width_embeddings, attn_W, attn_b):
    del text_lens, is_training
    starts = span_starts.astype(jnp.int32)
    ends = span_ends.astype(jnp.int32)

    out_ref = jax.new_ref(jax.lax.empty((N_SPANS, D_OUT), jnp.float32))
    _sc_ctx()(context_outputs, span_width_embeddings, starts, ends, out_ref)
    cz = _prefix_table(context_outputs, head_emb, attn_W,
                       attn_b.reshape(1, 1).astype(jnp.float32))
    _sc_head()(cz, starts, ends, out_ref)
    return jax.freeze(out_ref)

# --- scband reference (transcript-rebuilt; emitter-appended) ---
"""Pipeline reference for scband-span-representation-64029372448871 (READ-ONLY COPY).

The authoritative reference and input builder live on the scoring server;
editing this copy changes nothing except your own understanding.
"""

import jax, jax.numpy as jnp
import numpy as np

MAX_SPAN_WIDTH = 24
FEATURE_SIZE = 128
CONTEXT_EMB_SIZE = 1024
HEAD_DIM = 1024
T = 4096
N_SPANS = 4096


def setup_inputs(seed: int = 0) -> dict:
    key = jax.random.key(seed)
    ks = jax.random.split(key, 8)
    head_emb = jax.random.normal(ks[0], (T, HEAD_DIM), dtype=jnp.float32)
    context_outputs = jax.random.normal(ks[1], (T, CONTEXT_EMB_SIZE), dtype=jnp.float32)
    text_lens = jax.random.randint(ks[2], (8,), 1, 512)
    span_starts = jax.random.randint(ks[3], (N_SPANS,), 0, T - MAX_SPAN_WIDTH)
    widths = jax.random.randint(ks[4], (N_SPANS,), 0, MAX_SPAN_WIDTH)
    span_ends = span_starts + widths  # guarantees 1 <= span_width <= MAX_SPAN_WIDTH and ends < T
    span_width_embeddings = jax.random.normal(ks[5], (MAX_SPAN_WIDTH, FEATURE_SIZE), dtype=jnp.float32) * 0.02
    attn_W = jax.random.normal(ks[6], (1, CONTEXT_EMB_SIZE), dtype=jnp.float32) * 0.02
    attn_b = jnp.zeros((1,), dtype=jnp.float32)
    return {
        "head_emb": head_emb,
        "text_lens": text_lens,
        "context_outputs": context_outputs,
        "span_starts": span_starts,
        "span_ends": span_ends,
        "is_training": False,
        "span_width_embeddings": span_width_embeddings,
        "attn_W": attn_W,
        "attn_b": attn_b,
    }


def reference(head_emb, text_lens, context_outputs, span_starts, span_ends, is_training, span_width_embeddings, attn_W, attn_b):
    span_width = 1 + span_ends - span_starts
    span_width_index = span_width - 1
    span_width_index = jnp.minimum(span_width_index, MAX_SPAN_WIDTH - 1)
    span_width_emb = jnp.take(span_width_embeddings, span_width_index, axis=0)
    # is_training=False: dropout is identity (eval mode), matching deterministic reference
    span_indices = jnp.arange(MAX_SPAN_WIDTH)[None, :] + span_starts[:, None]
    span_indices = jnp.minimum(span_indices, context_outputs.shape[0] - 1)
    span_text_emb = jnp.take(head_emb, span_indices, axis=0)  # [N, W, d_head]
    head_scores = context_outputs @ attn_W.T + attn_b  # [T, 1]
    span_head_scores = jnp.take(head_scores, span_indices, axis=0)  # [N, W, 1]
    span_mask = (jnp.arange(MAX_SPAN_WIDTH)[None, :] < span_width[:, None]).astype(jnp.float32)
    span_mask = span_mask[:, :, None]  # [N, W, 1] == unsqueeze(1).transpose(2,1)
    span_head_scores = span_head_scores + jnp.log(span_mask)
    span_attention = jax.nn.softmax(span_head_scores, axis=1)
    span_head_emb = jnp.sum(span_attention * span_text_emb, axis=1)  # [N, d_head]
    representation = jnp.concatenate(
        [
            jnp.take(context_outputs, span_starts, axis=0),
            jnp.take(context_outputs, span_ends, axis=0),
            span_width_emb,
            span_head_emb,
        ],
        axis=1,
    )
    return representation

if __name__ == "__main__":
    import jax
    _d = setup_inputs()
    print(jax.jit(kernel)(*tuple(_d.values())))

</pallas_src>

<mosaic_0001>
#map = affine_map<(d0, d1) -> (0, 0)>
#map1 = affine_map<(d0, d1) -> (0)>
module attributes {stable_mosaic.version = 14 : i64} {
  func.func @new_body(%arg0: i32, %arg1: i32, %arg2: memref<4096x1152xf32, #tpu.memory_space<hbm>>, %arg3: memref<4096xi32, #tpu.memory_space<hbm>>, %arg4: memref<4096xi32, #tpu.memory_space<hbm>>, %arg5: memref<4096x3200xf32, #tpu.memory_space<hbm>>, %arg6: memref<4096x3200xf32, #tpu.memory_space<hbm>>, %arg7: memref<128xi32, #tpu.memory_space<vmem>>, %arg8: memref<128xi32, #tpu.memory_space<vmem>>, %arg9: memref<8x1152xf32, #tpu.memory_space<vmem>>, %arg10: memref<8x1152xf32, #tpu.memory_space<vmem>>, %arg11: memref<8x1152xf32, #tpu.memory_space<vmem>>, %arg12: memref<8x1152xf32, #tpu.memory_space<vmem>>, %arg13: memref<8x1152xf32, #tpu.memory_space<vmem>>, %arg14: memref<8x1152xf32, #tpu.memory_space<vmem>>, %arg15: memref<8x1152xf32, #tpu.memory_space<vmem>>, %arg16: memref<8x1152xf32, #tpu.memory_space<vmem>>, %arg17: memref<8x1024xf32, #tpu.memory_space<vmem>>, %arg18: memref<8x1024xf32, #tpu.memory_space<vmem>>, %arg19: memref<8x1024xf32, #tpu.memory_space<vmem>>, %arg20: memref<8x1024xf32, #tpu.memory_space<vmem>>, %arg21: memref<128xf32, #tpu.memory_space<vmem>>, %arg22: memref<!tpu.dma_semaphore, #tpu.memory_space<semaphore_mem>>, %arg23: memref<!tpu.dma_semaphore, #tpu.memory_space<semaphore_mem>>, %arg24: memref<!tpu.dma_semaphore, #tpu.memory_space<semaphore_mem>>, %arg25: memref<!tpu.dma_semaphore, #tpu.memory_space<semaphore_mem>>, %arg26: memref<!tpu.dma_semaphore, #tpu.memory_space<semaphore_mem>>, %arg27: memref<!tpu.dma_semaphore, #tpu.memory_space<semaphore_mem>>, %arg28: memref<!tpu.dma_semaphore, #tpu.memory_space<semaphore_mem>>, %arg29: memref<!tpu.dma_semaphore, #tpu.memory_space<semaphore_mem>>) attributes {dimension_semantics = [#tpu.dimension_semantics<core_parallel>, #tpu.dimension_semantics<subcore_parallel>], iteration_bounds = array<i64: 2, 16>, scalar_prefetch = 0 : i64, scratch_operands = 23 : i64, tpu.core_type = #tpu.core_type<sc_vector_subcore>, window_params = [{transform_indices = #map}, {transform_indices = #map1}, {transform_indices = #map1}, {transform_indices = #map}, {transform_indices = #map}]} {
    %mul3A = arith.constant 2 : i32
    %mul3A_0 = arith.muli %arg1, %mul3A : i32
    %add3A = arith.addi %mul3A_0, %arg0 : i32
    %mul3A_1 = arith.constant 128 : i32
    %mul3A_2 = arith.muli %add3A, %mul3A_1 : i32
    "tpu.region"() ({
      %run_scoped3A = tpu.sem_alloc : memref<!tpu.dma_semaphore, #tpu.memory_space<semaphore_mem>>
      %dma_start3A_55 = tpu.memref_slice %arg3[%mul3A_2] : memref<4096xi32, #tpu.memory_space<hbm>> -> memref<128xi32, #tpu.memory_space<hbm>>
      %dma_start3A_56 = tpu.memref_slice %arg3[%mul3A_2] : memref<4096xi32, #tpu.memory_space<hbm>> -> memref<128xi32, #tpu.memory_space<hbm>>
      tpu.enqueue_dma source(%dma_start3A_56 : memref<128xi32, #tpu.memory_space<hbm>>) target(%arg7 : memref<128xi32, #tpu.memory_space<vmem>>) target_semaphore(%run_scoped3A : memref<!tpu.dma_semaphore, #tpu.memory_space<semaphore_mem>>)
      %dma_wait3A_57 = tpu.memref_slice %arg3[%mul3A_2] : memref<4096xi32, #tpu.memory_space<hbm>> -> memref<128xi32, #tpu.memory_space<hbm>>
      %dma_wait3A_58 = tpu.memref_slice %arg3[%mul3A_2] : memref<4096xi32, #tpu.memory_space<hbm>> -> memref<128xi32, #tpu.memory_space<hbm>>
      tpu.wait_dma2 semaphore(%run_scoped3A : memref<!tpu.dma_semaphore, #tpu.memory_space<semaphore_mem>>) src(%dma_wait3A_58 : memref<128xi32, #tpu.memory_space<hbm>>) dst(%arg7 : memref<128xi32, #tpu.memory_space<vmem>>)
      tpu.yield
    }) : () -> ()
    "tpu.region"() ({
      %run_scoped3A = tpu.sem_alloc : memref<!tpu.dma_semaphore, #tpu.memory_space<semaphore_mem>>
      %dma_start3A_55 = tpu.memref_slice %arg4[%mul3A_2] : memref<4096xi32, #tpu.memory_space<hbm>> -> memref<128xi32, #tpu.memory_space<hbm>>
      %dma_start3A_56 = tpu.memref_slice %arg4[%mul3A_2] : memref<4096xi32, #tpu.memory_space<hbm>> -> memref<128xi32, #tpu.memory_space<hbm>>
      tpu.enqueue_dma source(%dma_start3A_56 : memref<128xi32, #tpu.memory_space<hbm>>) target(%arg8 : memref<128xi32, #tpu.memory_space<vmem>>) target_semaphore(%run_scoped3A : memref<!tpu.dma_semaphore, #tpu.memory_space<semaphore_mem>>)
      %dma_wait3A_57 = tpu.memref_slice %arg4[%mul3A_2] : memref<4096xi32, #tpu.memory_space<hbm>> -> memref<128xi32, #tpu.memory_space<hbm>>
      %dma_wait3A_58 = tpu.memref_slice %arg4[%mul3A_2] : memref<4096xi32, #tpu.memory_space<hbm>> -> memref<128xi32, #tpu.memory_space<hbm>>
      tpu.wait_dma2 semaphore(%run_scoped3A : memref<!tpu.dma_semaphore, #tpu.memory_space<semaphore_mem>>) src(%dma_wait3A_58 : memref<128xi32, #tpu.memory_space<hbm>>) dst(%arg8 : memref<128xi32, #tpu.memory_space<vmem>>)
      tpu.yield
    }) : () -> ()
    %parallel_loop3A = arith.constant 0 : i32
    %parallel_loop3A_3 = arith.constant 128 : i32
    %parallel_loop3A_4 = arith.constant 16 : i32
    scf.for %parallel_loop3A_55 = %parallel_loop3A to %parallel_loop3A_3 step %parallel_loop3A_4  : i32 {
      %parallel_loop3A_56 = arith.index_cast %parallel_loop3A_55 : i32 to index
      %parallel_loop3A_57 = tpu.vector_load %arg8[%parallel_loop3A_56] {strides = array<i32>} : memref<128xi32, #tpu.memory_space<vmem>>, vector<16xi32>,
      %parallel_loop3A_58 = vector.shape_cast %parallel_loop3A_57 : vector<16xi32> to vector<16xi32>
      %parallel_loop3A_59 = arith.constant 1 : i32
      %parallel_loop3A_60 = vector.broadcast %parallel_loop3A_59 : i32 to vector<16xi32>
      %parallel_loop3A_61 = arith.addi %parallel_loop3A_58, %parallel_loop3A_60 : vector<16xi32>
      %parallel_loop3A_62 = arith.index_cast %parallel_loop3A_55 : i32 to index
      %parallel_loop3A_63 = tpu.vector_load %arg8[%parallel_loop3A_62] {strides = array<i32>} : memref<128xi32, #tpu.memory_space<vmem>>, vector<16xi32>,
      %parallel_loop3A_64 = vector.shape_cast %parallel_loop3A_63 : vector<16xi32> to vector<16xi32>
      %parallel_loop3A_65 = vector.shape_cast %parallel_loop3A_61 : vector<16xi32> to vector<16xi32>
      tpu.vector_store %arg8[%parallel_loop3A_62], %parallel_loop3A_65 {strides = array<i32>} : memref<128xi32, #tpu.memory_space<vmem>>, vector<16xi32>,
    } {sc.loop_unroll_factor = 1 : i64, sc.parallel_access}
    %dma_start3A = arith.constant 0 : i32
    %dma_start3A_5 = tpu.memref_slice %arg7[%dma_start3A] : memref<128xi32, #tpu.memory_space<vmem>> -> memref<8xi32, #tpu.memory_space<vmem>>
    %dma_start3A_6 = arith.constant 0 : i32
    %dma_start3A_7 = arith.constant 0 : i32
    %dma_start3A_8 = tpu.memref_slice %arg2[%dma_start3A_6, %dma_start3A_7] : memref<4096x1152xf32, #tpu.memory_space<hbm>> -> memref<4096x1152xf32, #tpu.memory_space<hbm>>
    tpu.enqueue_indirect_dma source(%dma_start3A_8 : memref<4096x1152xf32, #tpu.memory_space<hbm>>) target(%arg9 : memref<8x1152xf32, #tpu.memory_space<vmem>>) offsets(%dma_start3A_5 : memref<8xi32, #tpu.memory_space<vmem>>) semaphore(%arg22 : memref<!tpu.dma_semaphore, #tpu.memory_space<semaphore_mem>>)
    %dma_start3A_9 = arith.constant 0 : i32
    %dma_start3A_10 = tpu.memref_slice %arg8[%dma_start3A_9] : memref<128xi32, #tpu.memory_space<vmem>> -> memref<8xi32, #tpu.memory_space<vmem>>
    %dma_start3A_11 = arith.constant 0 : i32
    %dma_start3A_12 = arith.constant 0 : i32
    %dma_start3A_13 = tpu.memref_slice %arg2[%dma_start3A_11, %dma_start3A_12] : memref<4096x1152xf32, #tpu.memory_space<hbm>> -> memref<4096x1152xf32, #tpu.memory_space<hbm>>
    tpu.enqueue_indirect_dma source(%dma_start3A_13 : memref<4096x1152xf32, #tpu.memory_space<hbm>>) target(%arg13 : memref<8x1152xf32, #tpu.memory_space<vmem>>) offsets(%dma_start3A_10 : memref<8xi32, #tpu.memory_space<vmem>>) semaphore(%arg22 : memref<!tpu.dma_semaphore, #tpu.memory_space<semaphore_mem>>)
    %dma_start3A_14 = arith.constant 8 : i32
    %dma_start3A_15 = tpu.memref_slice %arg7[%dma_start3A_14] : memref<128xi32, #tpu.memory_space<vmem>> -> memref<8xi32, #tpu.memory_space<vmem>>
    %dma_start3A_16 = arith.constant 0 : i32
    %dma_start3A_17 = arith.constant 0 : i32
    %dma_start3A_18 = tpu.memref_slice %arg2[%dma_start3A_16, %dma_start3A_17] : memref<4096x1152xf32, #tpu.memory_space<hbm>> -> memref<4096x1152xf32, #tpu.memory_space<hbm>>
    tpu.enqueue_indirect_dma source(%dma_start3A_18 : memref<4096x1152xf32, #tpu.memory_space<hbm>>) target(%arg10 : memref<8x1152xf32, #tpu.memory_space<vmem>>) offsets(%dma_start3A_15 : memref<8xi32, #tpu.memory_space<vmem>>) semaphore(%arg23 : memref<!tpu.dma_semaphore, #tpu.memory_space<semaphore_mem>>)
    %dma_start3A_19 = arith.constant 8 : i32
    %dma_start3A_20 = tpu.memref_slice %arg8[%dma_start3A_19] : memref<128xi32, #tpu.memory_space<vmem>> -> memref<8xi32, #tpu.memory_space<vmem>>
    %dma_start3A_21 = arith.constant 0 : i32
    %dma_start3A_22 = arith.constant 0 : i32
    %dma_start3A_23 = tpu.memref_slice %arg2[%dma_start3A_21, %dma_start3A_22] : memref<4096x1152xf32, #tpu.memory_space<hbm>> -> memref<4096x1152xf32, #tpu.memory_space<hbm>>
    tpu.enqueue_indirect_dma source(%dma_start3A_23 : memref<4096x1152xf32, #tpu.memory_space<hbm>>) target(%arg14 : memref<8x1152xf32, #tpu.memory_space<vmem>>) offsets(%dma_start3A_20 : memref<8xi32, #tpu.memory_space<vmem>>) semaphore(%arg23 : memref<!tpu.dma_semaphore, #tpu.memory_space<semaphore_mem>>)
    %dma_start3A_24 = arith.constant 16 : i32
    %dma_start3A_25 = tpu.memref_slice %arg7[%dma_start3A_24] : memref<128xi32, #tpu.memory_space<vmem>> -> memref<8xi32, #tpu.memory_space<vmem>>
    %dma_start3A_26 = arith.constant 0 : i32
    %dma_start3A_27 = arith.constant 0 : i32
    %dma_start3A_28 = tpu.memref_slice %arg2[%dma_start3A_26, %dma_start3A_27] : memref<4096x1152xf32, #tpu.memory_space<hbm>> -> memref<4096x1152xf32, #tpu.memory_space<hbm>>
    tpu.enqueue_indirect_dma source(%dma_start3A_28 : memref<4096x1152xf32, #tpu.memory_space<hbm>>) target(%arg11 : memref<8x1152xf32, #tpu.memory_space<vmem>>) offsets(%dma_start3A_25 : memref<8xi32, #tpu.memory_space<vmem>>) semaphore(%arg24 : memref<!tpu.dma_semaphore, #tpu.memory_space<semaphore_mem>>)
    %dma_start3A_29 = arith.constant 16 : i32
    %dma_start3A_30 = tpu.memref_slice %arg8[%dma_start3A_29] : memref<128xi32, #tpu.memory_space<vmem>> -> memref<8xi32, #tpu.memory_space<vmem>>
    %dma_start3A_31 = arith.constant 0 : i32
    %dma_start3A_32 = arith.constant 0 : i32
    %dma_start3A_33 = tpu.memref_slice %arg2[%dma_start3A_31, %dma_start3A_32] : memref<4096x1152xf32, #tpu.memory_space<hbm>> -> memref<4096x1152xf32, #tpu.memory_space<hbm>>
    tpu.enqueue_indirect_dma source(%dma_start3A_33 : memref<4096x1152xf32, #tpu.memory_space<hbm>>) target(%arg15 : memref<8x1152xf32, #tpu.memory_space<vmem>>) offsets(%dma_start3A_30 : memref<8xi32, #tpu.memory_space<vmem>>) semaphore(%arg24 : memref<!tpu.dma_semaphore, #tpu.memory_space<semaphore_mem>>)
    %scan3A = arith.constant 0 : i32
    %scan3A_34 = arith.constant 0 : i32
    %scan3A_35 = arith.constant 4 : i32
    %scan3A_36 = arith.addi %scan3A_34, %scan3A_35 : i32
    %scan3A_37 = arith.constant 1 : i32
    %scan3A_38 = scf.for %scan3A_55 = %scan3A_34 to %scan3A_36 step %scan3A_37 iter_args(%scan3A_56 = %scan3A) -> (i32)  : i32 {
      %mul3A_57 = arith.constant 4 : i32
      %mul3A_58 = arith.muli %mul3A_57, %scan3A_55 : i32
      %add3A_59 = arith.constant 0 : i32
      %add3A_60 = arith.addi %mul3A_58, %add3A_59 : i32
      %dma_wait3A_61 = arith.constant 0 : i32
      %dma_wait3A_62 = arith.constant 0 : i32
      %dma_wait3A_63 = tpu.memref_slice %arg2[%dma_wait3A_61, %dma_wait3A_62] : memref<4096x1152xf32, #tpu.memory_space<hbm>> -> memref<8x1152xf32, #tpu.memory_space<hbm>>
      %dma_wait3A_64 = arith.constant 0 : i32
      %dma_wait3A_65 = arith.constant 0 : i32
      %dma_wait3A_66 = tpu.memref_slice %arg2[%dma_wait3A_64, %dma_wait3A_65] : memref<4096x1152xf32, #tpu.memory_space<hbm>> -> memref<8x1152xf32, #tpu.memory_space<hbm>>
      tpu.wait_dma2 semaphore(%arg22 : memref<!tpu.dma_semaphore, #tpu.memory_space<semaphore_mem>>) src(%dma_wait3A_66 : memref<8x1152xf32, #tpu.memory_space<hbm>>) dst(%arg9 : memref<8x1152xf32, #tpu.memory_space<vmem>>)
      %dma_wait3A_67 = arith.constant 0 : i32
      %dma_wait3A_68 = arith.constant 0 : i32
      %dma_wait3A_69 = tpu.memref_slice %arg2[%dma_wait3A_67, %dma_wait3A_68] : memref<4096x1152xf32, #tpu.memory_space<hbm>> -> memref<8x1152xf32, #tpu.memory_space<hbm>>
      %dma_wait3A_70 = arith.constant 0 : i32
      %dma_wait3A_71 = arith.constant 0 : i32
      %dma_wait3A_72 = tpu.memref_slice %arg2[%dma_wait3A_70, %dma_wait3A_71] : memref<4096x1152xf32, #tpu.memory_space<hbm>> -> memref<8x1152xf32, #tpu.memory_space<hbm>>
      tpu.wait_dma2 semaphore(%arg22 : memref<!tpu.dma_semaphore, #tpu.memory_space<semaphore_mem>>) src(%dma_wait3A_72 : memref<8x1152xf32, #tpu.memory_space<hbm>>) dst(%arg13 : memref<8x1152xf32, #tpu.memory_space<vmem>>)
      %add3A_73 = arith.constant 3 : i32
      %add3A_74 = arith.addi %add3A_60, %add3A_73 : i32
      %lt3A = arith.constant 16 : i32
      %lt3A_75 = arith.cmpi slt, %add3A_74, %lt3A : i32
      %convert_element_type3A = arith.extui %lt3A_75 : i1 to i32
      %cond3A = arith.constant 0 : i32
      %cond3A_76 = arith.cmpi ne, %convert_element_type3A, %cond3A : i32
      scf.if %cond3A_76 {
        %add3A_234 = arith.constant 3 : i32
        %add3A_235 = arith.addi %add3A_60, %add3A_234 : i32
        %mul3A_236 = arith.constant 8 : i32
        %mul3A_237 = arith.muli %add3A_235, %mul3A_236 : i32
        %dma_start3A_238 = tpu.memref_slice %arg7[%mul3A_237] : memref<128xi32, #tpu.memory_space<vmem>> -> memref<8xi32, #tpu.memory_space<vmem>>
        %dma_start3A_239 = arith.constant 0 : i32
        %dma_start3A_240 = arith.constant 0 : i32
        %dma_start3A_241 = tpu.memref_slice %arg2[%dma_start3A_239, %dma_start3A_240] : memref<4096x1152xf32, #tpu.memory_space<hbm>> -> memref<4096x1152xf32, #tpu.memory_space<hbm>>
        tpu.enqueue_indirect_dma source(%dma_start3A_241 : memref<4096x1152xf32, #tpu.memory_space<hbm>>) target(%arg12 : memref<8x1152xf32, #tpu.memory_space<vmem>>) offsets(%dma_start3A_238 : memref<8xi32, #tpu.memory_space<vmem>>) semaphore(%arg25 : memref<!tpu.dma_semaphore, #tpu.memory_space<semaphore_mem>>)
        %dma_start3A_242 = tpu.memref_slice %arg8[%mul3A_237] : memref<128xi32, #tpu.memory_space<vmem>> -> memref<8xi32, #tpu.memory_space<vmem>>
        %dma_start3A_243 = arith.constant 0 : i32
        %dma_start3A_244 = arith.constant 0 : i32
        %dma_start3A_245 = tpu.memref_slice %arg2[%dma_start3A_243, %dma_start3A_244] : memref<4096x1152xf32, #tpu.memory_space<hbm>> -> memref<4096x1152xf32, #tpu.memory_space<hbm>>
        tpu.enqueue_indirect_dma source(%dma_start3A_245 : memref<4096x1152xf32, #tpu.memory_space<hbm>>) target(%arg16 : memref<8x1152xf32, #tpu.memory_space<vmem>>) offsets(%dma_start3A_242 : memref<8xi32, #tpu.memory_space<vmem>>) semaphore(%arg25 : memref<!tpu.dma_semaphore, #tpu.memory_space<semaphore_mem>>)
      } else {
      }
      %gt3A = arith.constant 3 : i32
      %gt3A_77 = arith.cmpi sgt, %add3A_60, %gt3A : i32
      %convert_element_type3A_78 = arith.extui %gt3A_77 : i1 to i32
      %cond3A_79 = arith.constant 0 : i32
      %cond3A_80 = arith.cmpi ne, %convert_element_type3A_78, %cond3A_79 : i32
      scf.if %cond3A_80 {
        %dma_wait3A_234 = arith.constant 2176 : i32
        %dma_wait3A_235 = tpu.memref_slice %arg5[%mul3A_2, %dma_wait3A_234] : memref<4096x3200xf32, #tpu.memory_space<hbm>> -> memref<8x1024xf32, #tpu.memory_space<hbm>>
        %dma_wait3A_236 = arith.constant 2176 : i32
        %dma_wait3A_237 = tpu.memref_slice %arg5[%mul3A_2, %dma_wait3A_236] : memref<4096x3200xf32, #tpu.memory_space<hbm>> -> memref<8x1024xf32, #tpu.memory_space<hbm>>
        tpu.wait_dma2 semaphore(%arg26 : memref<!tpu.dma_semaphore, #tpu.memory_space<semaphore_mem>>) src(%arg17 : memref<8x1024xf32, #tpu.memory_space<vmem>>) dst(%dma_wait3A_237 : memref<8x1024xf32, #tpu.memory_space<hbm>>)
      } else {
      }
      %parallel_loop3A_81 = arith.constant 0 : i32
      %parallel_loop3A_82 = arith.constant 8 : i32
      %parallel_loop3A_83 = arith.constant 1 : i32
      scf.for %parallel_loop3A_234 = %parallel_loop3A_81 to %parallel_loop3A_82 step %parallel_loop3A_83  : i32 {
        %parallel_loop3A_235 = arith.index_cast %parallel_loop3A_234 : i32 to index
        %parallel_loop3A_236 = arith.constant 1024 : index
        %parallel_loop3A_237 = tpu.vector_load %arg13[%parallel_loop3A_235, %parallel_loop3A_236] {strides = array<i32>} : memref<8x1152xf32, #tpu.memory_space<vmem>>, vector<1x16xf32>,
        %parallel_loop3A_238 = vector.shape_cast %parallel_loop3A_237 : vector<1x16xf32> to vector<16xf32>
        %parallel_loop3A_239 = arith.index_cast %parallel_loop3A_234 : i32 to index
        %parallel_loop3A_240 = arith.constant 1024 : index
        %parallel_loop3A_241 = tpu.vector_load %arg9[%parallel_loop3A_239, %parallel_loop3A_240] {strides = array<i32>} : memref<8x1152xf32, #tpu.memory_space<vmem>>, vector<1x16xf32>,
        %parallel_loop3A_242 = vector.shape_cast %parallel_loop3A_241 : vector<1x16xf32> to vector<16xf32>
        %parallel_loop3A_243 = arith.subf %parallel_loop3A_238, %parallel_loop3A_242 : vector<16xf32>
        %parallel_loop3A_244 = arith.constant 1.000000e+00 : f32
        %parallel_loop3A_245 = vector.broadcast %parallel_loop3A_244 : f32 to vector<16xf32>
        %parallel_loop3A_246 = arith.divf %parallel_loop3A_245, %parallel_loop3A_243 : vector<16xf32>
        %parallel_loop3A_247 = arith.constant 16 : i32
        %parallel_loop3A_248 = arith.muli %parallel_loop3A_234, %parallel_loop3A_247 : i32
        %parallel_loop3A_249 = arith.index_cast %parallel_loop3A_248 : i32 to index
        %parallel_loop3A_250 = tpu.vector_load %arg21[%parallel_loop3A_249] {strides = array<i32>} : memref<128xf32, #tpu.memory_space<vmem>>, vector<16xf32>,
        %parallel_loop3A_251 = vector.shape_cast %parallel_loop3A_250 : vector<16xf32> to vector<16xf32>
        %parallel_loop3A_252 = vector.shape_cast %parallel_loop3A_246 : vector<16xf32> to vector<16xf32>
        tpu.vector_store %arg21[%parallel_loop3A_249], %parallel_loop3A_252 {strides = array<i32>} : memref<128xf32, #tpu.memory_space<vmem>>, vector<16xf32>,
      } {sc.loop_unroll_factor = 1 : i64, sc.parallel_access}
      %scan3A_84 = arith.constant 0 : i32
      %scan3A_85 = arith.constant 0 : i32
      %scan3A_86 = arith.constant 8 : i32
      %scan3A_87 = arith.addi %scan3A_85, %scan3A_86 : i32
      %scan3A_88 = arith.constant 1 : i32
      %scan3A_89 = scf.for %scan3A_234 = %scan3A_85 to %scan3A_87 step %scan3A_88 iter_args(%scan3A_235 = %scan3A_84) -> (i32)  : i32 {
        %mul3A_236 = arith.constant 16 : i32
        %mul3A_237 = arith.muli %scan3A_234, %mul3A_236 : i32
        %get3A = arith.index_cast %mul3A_237 : i32 to index
        %get3A_238 = tpu.vector_load %arg21[%get3A] {strides = array<i32>} : memref<128xf32, #tpu.memory_space<vmem>>, vector<16xf32>,
        %get3A_239 = vector.shape_cast %get3A_238 : vector<16xf32> to vector<16xf32>
        %parallel_loop3A_240 = arith.constant 0 : i32
        %parallel_loop3A_241 = arith.constant 1024 : i32
        %parallel_loop3A_242 = arith.constant 16 : i32
        scf.for %parallel_loop3A_244 = %parallel_loop3A_240 to %parallel_loop3A_241 step %parallel_loop3A_242  : i32 {
          %parallel_loop3A_245 = arith.index_cast %scan3A_234 : i32 to index
          %parallel_loop3A_246 = arith.index_cast %parallel_loop3A_244 : i32 to index
          %parallel_loop3A_247 = tpu.vector_load %arg13[%parallel_loop3A_245, %parallel_loop3A_246] {strides = array<i32>} : memref<8x1152xf32, #tpu.memory_space<vmem>>, vector<1x16xf32>,
          %parallel_loop3A_248 = vector.shape_cast %parallel_loop3A_247 : vector<1x16xf32> to vector<16xf32>
          %parallel_loop3A_249 = arith.index_cast %scan3A_234 : i32 to index
          %parallel_loop3A_250 = arith.index_cast %parallel_loop3A_244 : i32 to index
          %parallel_loop3A_251 = tpu.vector_load %arg9[%parallel_loop3A_249, %parallel_loop3A_250] {strides = array<i32>} : memref<8x1152xf32, #tpu.memory_space<vmem>>, vector<1x16xf32>,
          %parallel_loop3A_252 = vector.shape_cast %parallel_loop3A_251 : vector<1x16xf32> to vector<16xf32>
          %parallel_loop3A_253 = arith.subf %parallel_loop3A_248, %parallel_loop3A_252 : vector<16xf32>
          %parallel_loop3A_254 = arith.mulf %parallel_loop3A_253, %get3A_239 : vector<16xf32>
          %parallel_loop3A_255 = arith.index_cast %scan3A_234 : i32 to index
          %parallel_loop3A_256 = arith.index_cast %parallel_loop3A_244 : i32 to index
          %parallel_loop3A_257 = tpu.vector_load %arg17[%parallel_loop3A_255, %parallel_loop3A_256] {strides = array<i32>} : memref<8x1024xf32, #tpu.memory_space<vmem>>, vector<1x16xf32>,
          %parallel_loop3A_258 = vector.shape_cast %parallel_loop3A_257 : vector<1x16xf32> to vector<16xf32>
          %parallel_loop3A_259 = vector.shape_cast %parallel_loop3A_254 : vector<16xf32> to vector<1x16xf32>
          tpu.vector_store %arg17[%parallel_loop3A_255, %parallel_loop3A_256], %parallel_loop3A_259 {strides = array<i32>} : memref<8x1024xf32, #tpu.memory_space<vmem>>, vector<1x16xf32>,
        } {sc.loop_unroll_factor = 8 : i64, sc.parallel_access}
        %scan3A_243 = arith.constant 0 : i32
        scf.yield %scan3A_243 : i32
      }
      %scan3A_90 = arith.constant 8 : i32
      %mul3A_91 = arith.constant 8 : i32
      %mul3A_92 = arith.muli %add3A_60, %mul3A_91 : i32
      %add3A_93 = arith.addi %mul3A_2, %mul3A_92 : i32
      %dma_start3A_94 = arith.constant 2176 : i32
      %dma_start3A_95 = tpu.memref_slice %arg5[%add3A_93, %dma_start3A_94] : memref<4096x3200xf32, #tpu.memory_space<hbm>> -> memref<8x1024xf32, #tpu.memory_space<hbm>>
      %dma_start3A_96 = arith.constant 2176 : i32
      %dma_start3A_97 = tpu.memref_slice %arg5[%add3A_93, %dma_start3A_96] : memref<4096x3200xf32, #tpu.memory_space<hbm>> -> memref<8x1024xf32, #tpu.memory_space<hbm>>
      tpu.enqueue_dma source(%arg17 : memref<8x1024xf32, #tpu.memory_space<vmem>>) target(%dma_start3A_97 : memref<8x1024xf32, #tpu.memory_space<hbm>>) target_semaphore(%arg26 : memref<!tpu.dma_semaphore, #tpu.memory_space<semaphore_mem>>)
      %mul3A_98 = arith.constant 4 : i32
      %mul3A_99 = arith.muli %mul3A_98, %scan3A_55 : i32
      %add3A_100 = arith.constant 1 : i32
      %add3A_101 = arith.addi %mul3A_99, %add3A_100 : i32
      %dma_wait3A_102 = arith.constant 0 : i32
      %dma_wait3A_103 = arith.constant 0 : i32
      %dma_wait3A_104 = tpu.memref_slice %arg2[%dma_wait3A_102, %dma_wait3A_103] : memref<4096x1152xf32, #tpu.memory_space<hbm>> -> memref<8x1152xf32, #tpu.memory_space<hbm>>
      %dma_wait3A_105 = arith.constant 0 : i32
      %dma_wait3A_106 = arith.constant 0 : i32
      %dma_wait3A_107 = tpu.memref_slice %arg2[%dma_wait3A_105, %dma_wait3A_106] : memref<4096x1152xf32, #tpu.memory_space<hbm>> -> memref<8x1152xf32, #tpu.memory_space<hbm>>
      tpu.wait_dma2 semaphore(%arg23 : memref<!tpu.dma_semaphore, #tpu.memory_space<semaphore_mem>>) src(%dma_wait3A_107 : memref<8x1152xf32, #tpu.memory_space<hbm>>) dst(%arg10 : memref<8x1152xf32, #tpu.memory_space<vmem>>)
      %dma_wait3A_108 = arith.constant 0 : i32
      %dma_wait3A_109 = arith.constant 0 : i32
      %dma_wait3A_110 = tpu.memref_slice %arg2[%dma_wait3A_108, %dma_wait3A_109] : memref<4096x1152xf32, #tpu.memory_space<hbm>> -> memref<8x1152xf32, #tpu.memory_space<hbm>>
      %dma_wait3A_111 = arith.constant 0 : i32
      %dma_wait3A_112 = arith.constant 0 : i32
      %dma_wait3A_113 = tpu.memref_slice %arg2[%dma_wait3A_111, %dma_wait3A_112] : memref<4096x1152xf32, #tpu.memory_space<hbm>> -> memref<8x1152xf32, #tpu.memory_space<hbm>>
      tpu.wait_dma2 semaphore(%arg23 : memref<!tpu.dma_semaphore, #tpu.memory_space<semaphore_mem>>) src(%dma_wait3A_113 : memref<8x1152xf32, #tpu.memory_space<hbm>>) dst(%arg14 : memref<8x1152xf32, #tpu.memory_space<vmem>>)
      %add3A_114 = arith.constant 3 : i32
      %add3A_115 = arith.addi %add3A_101, %add3A_114 : i32
      %lt3A_116 = arith.constant 16 : i32
      %lt3A_117 = arith.cmpi slt, %add3A_115, %lt3A_116 : i32
      %convert_element_type3A_118 = arith.extui %lt3A_117 : i1 to i32
      %cond3A_119 = arith.constant 0 : i32
      %cond3A_120 = arith.cmpi ne, %convert_element_type3A_118, %cond3A_119 : i32
      scf.if %cond3A_120 {
        %add3A_234 = arith.constant 3 : i32
        %add3A_235 = arith.addi %add3A_101, %add3A_234 : i32
        %mul3A_236 = arith.constant 8 : i32
        %mul3A_237 = arith.muli %add3A_235, %mul3A_236 : i32
        %dma_start3A_238 = tpu.memref_slice %arg7[%mul3A_237] : memref<128xi32, #tpu.memory_space<vmem>> -> memref<8xi32, #tpu.memory_space<vmem>>
        %dma_start3A_239 = arith.constant 0 : i32
        %dma_start3A_240 = arith.constant 0 : i32
        %dma_start3A_241 = tpu.memref_slice %arg2[%dma_start3A_239, %dma_start3A_240] : memref<4096x1152xf32, #tpu.memory_space<hbm>> -> memref<4096x1152xf32, #tpu.memory_space<hbm>>
        tpu.enqueue_indirect_dma source(%dma_start3A_241 : memref<4096x1152xf32, #tpu.memory_space<hbm>>) target(%arg9 : memref<8x1152xf32, #tpu.memory_space<vmem>>) offsets(%dma_start3A_238 : memref<8xi32, #tpu.memory_space<vmem>>) semaphore(%arg22 : memref<!tpu.dma_semaphore, #tpu.memory_space<semaphore_mem>>)
        %dma_start3A_242 = tpu.memref_slice %arg8[%mul3A_237] : memref<128xi32, #tpu.memory_space<vmem>> -> memref<8xi32, #tpu.memory_space<vmem>>
        %dma_start3A_243 = arith.constant 0 : i32
        %dma_start3A_244 = arith.constant 0 : i32
        %dma_start3A_245 = tpu.memref_slice %arg2[%dma_start3A_243, %dma_start3A_244] : memref<4096x1152xf32, #tpu.memory_space<hbm>> -> memref<4096x1152xf32, #tpu.memory_space<hbm>>
        tpu.enqueue_indirect_dma source(%dma_start3A_245 : memref<4096x1152xf32, #tpu.memory_space<hbm>>) target(%arg13 : memref<8x1152xf32, #tpu.memory_space<vmem>>) offsets(%dma_start3A_242 : memref<8xi32, #tpu.memory_space<vmem>>) semaphore(%arg22 : memref<!tpu.dma_semaphore, #tpu.memory_space<semaphore_mem>>)
      } else {
      }
      %gt3A_121 = arith.constant 3 : i32
      %gt3A_122 = arith.cmpi sgt, %add3A_101, %gt3A_121 : i32
      %convert_element_type3A_123 = arith.extui %gt3A_122 : i1 to i32
      %cond3A_124 = arith.constant 0 : i32
      %cond3A_125 = arith.cmpi ne, %convert_element_type3A_123, %cond3A_124 : i32
      scf.if %cond3A_125 {
        %dma_wait3A_234 = arith.constant 2176 : i32
        %dma_wait3A_235 = tpu.memref_slice %arg5[%mul3A_2, %dma_wait3A_234] : memref<4096x3200xf32, #tpu.memory_space<hbm>> -> memref<8x1024xf32, #tpu.memory_space<hbm>>
        %dma_wait3A_236 = arith.constant 2176 : i32
        %dma_wait3A_237 = tpu.memref_slice %arg5[%mul3A_2, %dma_wait3A_236] : memref<4096x3200xf32, #tpu.memory_space<hbm>> -> memref<8x1024xf32, #tpu.memory_space<hbm>>
        tpu.wait_dma2 semaphore(%arg27 : memref<!tpu.dma_semaphore, #tpu.memory_space<semaphore_mem>>) src(%arg18 : memref<8x1024xf32, #tpu.memory_space<vmem>>) dst(%dma_wait3A_237 : memref<8x1024xf32, #tpu.memory_space<hbm>>)
      } else {
      }
      %parallel_loop3A_126 = arith.constant 0 : i32
      %parallel_loop3A_127 = arith.constant 8 : i32
      %parallel_loop3A_128 = arith.constant 1 : i32
      scf.for %parallel_loop3A_234 = %parallel_loop3A_126 to %parallel_loop3A_127 step %parallel_loop3A_128  : i32 {
        %parallel_loop3A_235 = arith.index_cast %parallel_loop3A_234 : i32 to index
        %parallel_loop3A_236 = arith.constant 1024 : index
        %parallel_loop3A_237 = tpu.vector_load %arg14[%parallel_loop3A_235, %parallel_loop3A_236] {strides = array<i32>} : memref<8x1152xf32, #tpu.memory_space<vmem>>, vector<1x16xf32>,
        %parallel_loop3A_238 = vector.shape_cast %parallel_loop3A_237 : vector<1x16xf32> to vector<16xf32>
        %parallel_loop3A_239 = arith.index_cast %parallel_loop3A_234 : i32 to index
        %parallel_loop3A_240 = arith.constant 1024 : index
        %parallel_loop3A_241 = tpu.vector_load %arg10[%parallel_loop3A_239, %parallel_loop3A_240] {strides = array<i32>} : memref<8x1152xf32, #tpu.memory_space<vmem>>, vector<1x16xf32>,
        %parallel_loop3A_242 = vector.shape_cast %parallel_loop3A_241 : vector<1x16xf32> to vector<16xf32>
        %parallel_loop3A_243 = arith.subf %parallel_loop3A_238, %parallel_loop3A_242 : vector<16xf32>
        %parallel_loop3A_244 = arith.constant 1.000000e+00 : f32
        %parallel_loop3A_245 = vector.broadcast %parallel_loop3A_244 : f32 to vector<16xf32>
        %parallel_loop3A_246 = arith.divf %parallel_loop3A_245, %parallel_loop3A_243 : vector<16xf32>
        %parallel_loop3A_247 = arith.constant 16 : i32
        %parallel_loop3A_248 = arith.muli %parallel_loop3A_234, %parallel_loop3A_247 : i32
        %parallel_loop3A_249 = arith.index_cast %parallel_loop3A_248 : i32 to index
        %parallel_loop3A_250 = tpu.vector_load %arg21[%parallel_loop3A_249] {strides = array<i32>} : memref<128xf32, #tpu.memory_space<vmem>>, vector<16xf32>,
        %parallel_loop3A_251 = vector.shape_cast %parallel_loop3A_250 : vector<16xf32> to vector<16xf32>
        %parallel_loop3A_252 = vector.shape_cast %parallel_loop3A_246 : vector<16xf32> to vector<16xf32>
        tpu.vector_store %arg21[%parallel_loop3A_249], %parallel_loop3A_252 {strides = array<i32>} : memref<128xf32, #tpu.memory_space<vmem>>, vector<16xf32>,
      } {sc.loop_unroll_factor = 1 : i64, sc.parallel_access}
      %scan3A_129 = arith.constant 0 : i32
      %scan3A_130 = arith.constant 0 : i32
      %scan3A_131 = arith.constant 8 : i32
      %scan3A_132 = arith.addi %scan3A_130, %scan3A_131 : i32
      %scan3A_133 = arith.constant 1 : i32
      %scan3A_134 = scf.for %scan3A_234 = %scan3A_130 to %scan3A_132 step %scan3A_133 iter_args(%scan3A_235 = %scan3A_129) -> (i32)  : i32 {
        %mul3A_236 = arith.constant 16 : i32
        %mul3A_237 = arith.muli %scan3A_234, %mul3A_236 : i32
        %get3A = arith.index_cast %mul3A_237 : i32 to index
        %get3A_238 = tpu.vector_load %arg21[%get3A] {strides = array<i32>} : memref<128xf32, #tpu.memory_space<vmem>>, vector<16xf32>,
        %get3A_239 = vector.shape_cast %get3A_238 : vector<16xf32> to vector<16xf32>
        %parallel_loop3A_240 = arith.constant 0 : i32
        %parallel_loop3A_241 = arith.constant 1024 : i32
        %parallel_loop3A_242 = arith.constant 16 : i32
        scf.for %parallel_loop3A_244 = %parallel_loop3A_240 to %parallel_loop3A_241 step %parallel_loop3A_242  : i32 {
          %parallel_loop3A_245 = arith.index_cast %scan3A_234 : i32 to index
          %parallel_loop3A_246 = arith.index_cast %parallel_loop3A_244 : i32 to index
          %parallel_loop3A_247 = tpu.vector_load %arg14[%parallel_loop3A_245, %parallel_loop3A_246] {strides = array<i32>} : memref<8x1152xf32, #tpu.memory_space<vmem>>, vector<1x16xf32>,
          %parallel_loop3A_248 = vector.shape_cast %parallel_loop3A_247 : vector<1x16xf32> to vector<16xf32>
          %parallel_loop3A_249 = arith.index_cast %scan3A_234 : i32 to index
          %parallel_loop3A_250 = arith.index_cast %parallel_loop3A_244 : i32 to index
          %parallel_loop3A_251 = tpu.vector_load %arg10[%parallel_loop3A_249, %parallel_loop3A_250] {strides = array<i32>} : memref<8x1152xf32, #tpu.memory_space<vmem>>, vector<1x16xf32>,
          %parallel_loop3A_252 = vector.shape_cast %parallel_loop3A_251 : vector<1x16xf32> to vector<16xf32>
          %parallel_loop3A_253 = arith.subf %parallel_loop3A_248, %parallel_loop3A_252 : vector<16xf32>
          %parallel_loop3A_254 = arith.mulf %parallel_loop3A_253, %get3A_239 : vector<16xf32>
          %parallel_loop3A_255 = arith.index_cast %scan3A_234 : i32 to index
          %parallel_loop3A_256 = arith.index_cast %parallel_loop3A_244 : i32 to index
          %parallel_loop3A_257 = tpu.vector_load %arg18[%parallel_loop3A_255, %parallel_loop3A_256] {strides = array<i32>} : memref<8x1024xf32, #tpu.memory_space<vmem>>, vector<1x16xf32>,
          %parallel_loop3A_258 = vector.shape_cast %parallel_loop3A_257 : vector<1x16xf32> to vector<16xf32>
          %parallel_loop3A_259 = vector.shape_cast %parallel_loop3A_254 : vector<16xf32> to vector<1x16xf32>
          tpu.vector_store %arg18[%parallel_loop3A_255, %parallel_loop3A_256], %parallel_loop3A_259 {strides = array<i32>} : memref<8x1024xf32, #tpu.memory_space<vmem>>, vector<1x16xf32>,
        } {sc.loop_unroll_factor = 8 : i64, sc.parallel_access}
        %scan3A_243 = arith.constant 0 : i32
        scf.yield %scan3A_243 : i32
      }
      %scan3A_135 = arith.constant 8 : i32
      %mul3A_136 = arith.constant 8 : i32
      %mul3A_137 = arith.muli %add3A_101, %mul3A_136 : i32
      %add3A_138 = arith.addi %mul3A_2, %mul3A_137 : i32
      %dma_start3A_139 = arith.constant 2176 : i32
      %dma_start3A_140 = tpu.memref_slice %arg5[%add3A_138, %dma_start3A_139] : memref<4096x3200xf32, #tpu.memory_space<hbm>> -> memref<8x1024xf32, #tpu.memory_space<hbm>>
      %dma_start3A_141 = arith.constant 2176 : i32
      %dma_start3A_142 = tpu.memref_slice %arg5[%add3A_138, %dma_start3A_141] : memref<4096x3200xf32, #tpu.memory_space<hbm>> -> memref<8x1024xf32, #tpu.memory_space<hbm>>
      tpu.enqueue_dma source(%arg18 : memref<8x1024xf32, #tpu.memory_space<vmem>>) target(%dma_start3A_142 : memref<8x1024xf32, #tpu.memory_space<hbm>>) target_semaphore(%arg27 : memref<!tpu.dma_semaphore, #tpu.memory_space<semaphore_mem>>)
      %mul3A_143 = arith.constant 4 : i32
      %mul3A_144 = arith.muli %mul3A_143, %scan3A_55 : i32
      %add3A_145 = arith.constant 2 : i32
      %add3A_146 = arith.addi %mul3A_144, %add3A_145 : i32
      %dma_wait3A_147 = arith.constant 0 : i32
      %dma_wait3A_148 = arith.constant 0 : i32
      %dma_wait3A_149 = tpu.memref_slice %arg2[%dma_wait3A_147, %dma_wait3A_148] : memref<4096x1152xf32, #tpu.memory_space<hbm>> -> memref<8x1152xf32, #tpu.memory_space<hbm>>
      %dma_wait3A_150 = arith.constant 0 : i32
      %dma_wait3A_151 = arith.constant 0 : i32
      %dma_wait3A_152 = tpu.memref_slice %arg2[%dma_wait3A_150, %dma_wait3A_151] : memref<4096x1152xf32, #tpu.memory_space<hbm>> -> memref<8x1152xf32, #tpu.memory_space<hbm>>
      tpu.wait_dma2 semaphore(%arg24 : memref<!tpu.dma_semaphore, #tpu.memory_space<semaphore_mem>>) src(%dma_wait3A_152 : memref<8x1152xf32, #tpu.memory_space<hbm>>) dst(%arg11 : memref<8x1152xf32, #tpu.memory_space<vmem>>)
      %dma_wait3A_153 = arith.constant 0 : i32
      %dma_wait3A_154 = arith.constant 0 : i32
      %dma_wait3A_155 = tpu.memref_slice %arg2[%dma_wait3A_153, %dma_wait3A_154] : memref<4096x1152xf32, #tpu.memory_space<hbm>> -> memref<8x1152xf32, #tpu.memory_space<hbm>>
      %dma_wait3A_156 = arith.constant 0 : i32
      %dma_wait3A_157 = arith.constant 0 : i32
      %dma_wait3A_158 = tpu.memref_slice %arg2[%dma_wait3A_156, %dma_wait3A_157] : memref<4096x1152xf32, #tpu.memory_space<hbm>> -> memref<8x1152xf32, #tpu.memory_space<hbm>>
      tpu.wait_dma2 semaphore(%arg24 : memref<!tpu.dma_semaphore, #tpu.memory_space<semaphore_mem>>) src(%dma_wait3A_158 : memref<8x1152xf32, #tpu.memory_space<hbm>>) dst(%arg15 : memref<8x1152xf32, #tpu.memory_space<vmem>>)
      %add3A_159 = arith.constant 3 : i32
      %add3A_160 = arith.addi %add3A_146, %add3A_159 : i32
      %lt3A_161 = arith.constant 16 : i32
      %lt3A_162 = arith.cmpi slt, %add3A_160, %lt3A_161 : i32
      %convert_element_type3A_163 = arith.extui %lt3A_162 : i1 to i32
      %cond3A_164 = arith.constant 0 : i32
      %cond3A_165 = arith.cmpi ne, %convert_element_type3A_163, %cond3A_164 : i32
      scf.if %cond3A_165 {
        %add3A_234 = arith.constant 3 : i32
        %add3A_235 = arith.addi %add3A_146, %add3A_234 : i32
        %mul3A_236 = arith.constant 8 : i32
        %mul3A_237 = arith.muli %add3A_235, %mul3A_236 : i32
        %dma_start3A_238 = tpu.memref_slice %arg7[%mul3A_237] : memref<128xi32, #tpu.memory_space<vmem>> -> memref<8xi32, #tpu.memory_space<vmem>>
        %dma_start3A_239 = arith.constant 0 : i32
        %dma_start3A_240 = arith.constant 0 : i32
        %dma_start3A_241 = tpu.memref_slice %arg2[%dma_start3A_239, %dma_start3A_240] : memref<4096x1152xf32, #tpu.memory_space<hbm>> -> memref<4096x1152xf32, #tpu.memory_space<hbm>>
        tpu.enqueue_indirect_dma source(%dma_start3A_241 : memref<4096x1152xf32, #tpu.memory_space<hbm>>) target(%arg10 : memref<8x1152xf32, #tpu.memory_space<vmem>>) offsets(%dma_start3A_238 : memref<8xi32, #tpu.memory_space<vmem>>) semaphore(%arg23 : memref<!tpu.dma_semaphore, #tpu.memory_space<semaphore_mem>>)
        %dma_start3A_242 = tpu.memref_slice %arg8[%mul3A_237] : memref<128xi32, #tpu.memory_space<vmem>> -> memref<8xi32, #tpu.memory_space<vmem>>
        %dma_start3A_243 = arith.constant 0 : i32
        %dma_start3A_244 = arith.constant 0 : i32
        %dma_start3A_245 = tpu.memref_slice %arg2[%dma_start3A_243, %dma_start3A_244] : memref<4096x1152xf32, #tpu.memory_space<hbm>> -> memref<4096x1152xf32, #tpu.memory_space<hbm>>
        tpu.enqueue_indirect_dma source(%dma_start3A_245 : memref<4096x1152xf32, #tpu.memory_space<hbm>>) target(%arg14 : memref<8x1152xf32, #tpu.memory_space<vmem>>) offsets(%dma_start3A_242 : memref<8xi32, #tpu.memory_space<vmem>>) semaphore(%arg23 : memref<!tpu.dma_semaphore, #tpu.memory_space<semaphore_mem>>)
      } else {
      }
      %gt3A_166 = arith.constant 3 : i32
      %gt3A_167 = arith.cmpi sgt, %add3A_146, %gt3A_166 : i32
      %convert_element_type3A_168 = arith.extui %gt3A_167 : i1 to i32
      %cond3A_169 = arith.constant 0 : i32
      %cond3A_170 = arith.cmpi ne, %convert_element_type3A_168, %cond3A_169 : i32
      scf.if %cond3A_170 {
        %dma_wait3A_234 = arith.constant 2176 : i32
        %dma_wait3A_235 = tpu.memref_slice %arg5[%mul3A_2, %dma_wait3A_234] : memref<4096x3200xf32, #tpu.memory_space<hbm>> -> memref<8x1024xf32, #tpu.memory_space<hbm>>
        %dma_wait3A_236 = arith.constant 2176 : i32
        %dma_wait3A_237 = tpu.memref_slice %arg5[%mul3A_2, %dma_wait3A_236] : memref<4096x3200xf32, #tpu.memory_space<hbm>> -> memref<8x1024xf32, #tpu.memory_space<hbm>>
        tpu.wait_dma2 semaphore(%arg28 : memref<!tpu.dma_semaphore, #tpu.memory_space<semaphore_mem>>) src(%arg19 : memref<8x1024xf32, #tpu.memory_space<vmem>>) dst(%dma_wait3A_237 : memref<8x1024xf32, #tpu.memory_space<hbm>>)
      } else {
      }
      %parallel_loop3A_171 = arith.constant 0 : i32
      %parallel_loop3A_172 = arith.constant 8 : i32
      %parallel_loop3A_173 = arith.constant 1 : i32
      scf.for %parallel_loop3A_234 = %parallel_loop3A_171 to %parallel_loop3A_172 step %parallel_loop3A_173  : i32 {
        %parallel_loop3A_235 = arith.index_cast %parallel_loop3A_234 : i32 to index
        %parallel_loop3A_236 = arith.constant 1024 : index
        %parallel_loop3A_237 = tpu.vector_load %arg15[%parallel_loop3A_235, %parallel_loop3A_236] {strides = array<i32>} : memref<8x1152xf32, #tpu.memory_space<vmem>>, vector<1x16xf32>,
        %parallel_loop3A_238 = vector.shape_cast %parallel_loop3A_237 : vector<1x16xf32> to vector<16xf32>
        %parallel_loop3A_239 = arith.index_cast %parallel_loop3A_234 : i32 to index
        %parallel_loop3A_240 = arith.constant 1024 : index
        %parallel_loop3A_241 = tpu.vector_load %arg11[%parallel_loop3A_239, %parallel_loop3A_240] {strides = array<i32>} : memref<8x1152xf32, #tpu.memory_space<vmem>>, vector<1x16xf32>,
        %parallel_loop3A_242 = vector.shape_cast %parallel_loop3A_241 : vector<1x16xf32> to vector<16xf32>
        %parallel_loop3A_243 = arith.subf %parallel_loop3A_238, %parallel_loop3A_242 : vector<16xf32>
        %parallel_loop3A_244 = arith.constant 1.000000e+00 : f32
        %parallel_loop3A_245 = vector.broadcast %parallel_loop3A_244 : f32 to vector<16xf32>
        %parallel_loop3A_246 = arith.divf %parallel_loop3A_245, %parallel_loop3A_243 : vector<16xf32>
        %parallel_loop3A_247 = arith.constant 16 : i32
        %parallel_loop3A_248 = arith.muli %parallel_loop3A_234, %parallel_loop3A_247 : i32
        %parallel_loop3A_249 = arith.index_cast %parallel_loop3A_248 : i32 to index
        %parallel_loop3A_250 = tpu.vector_load %arg21[%parallel_loop3A_249] {strides = array<i32>} : memref<128xf32, #tpu.memory_space<vmem>>, vector<16xf32>,
        %parallel_loop3A_251 = vector.shape_cast %parallel_loop3A_250 : vector<16xf32> to vector<16xf32>
        %parallel_loop3A_252 = vector.shape_cast %parallel_loop3A_246 : vector<16xf32> to vector<16xf32>
        tpu.vector_store %arg21[%parallel_loop3A_249], %parallel_loop3A_252 {strides = array<i32>} : memref<128xf32, #tpu.memory_space<vmem>>, vector<16xf32>,
      } {sc.loop_unroll_factor = 1 : i64, sc.parallel_access}
      %scan3A_174 = arith.constant 0 : i32
      %scan3A_175 = arith.constant 0 : i32
      %scan3A_176 = arith.constant 8 : i32
      %scan3A_177 = arith.addi %scan3A_175, %scan3A_176 : i32
      %scan3A_178 = arith.constant 1 : i32
      %scan3A_179 = scf.for %scan3A_234 = %scan3A_175 to %scan3A_177 step %scan3A_178 iter_args(%scan3A_235 = %scan3A_174) -> (i32)  : i32 {
        %mul3A_236 = arith.constant 16 : i32
        %mul3A_237 = arith.muli %scan3A_234, %mul3A_236 : i32
        %get3A = arith.index_cast %mul3A_237 : i32 to index
        %get3A_238 = tpu.vector_load %arg21[%get3A] {strides = array<i32>} : memref<128xf32, #tpu.memory_space<vmem>>, vector<16xf32>,
        %get3A_239 = vector.shape_cast %get3A_238 : vector<16xf32> to vector<16xf32>
        %parallel_loop3A_240 = arith.constant 0 : i32
        %parallel_loop3A_241 = arith.constant 1024 : i32
        %parallel_loop3A_242 = arith.constant 16 : i32
        scf.for %parallel_loop3A_244 = %parallel_loop3A_240 to %parallel_loop3A_241 step %parallel_loop3A_242  : i32 {
          %parallel_loop3A_245 = arith.index_cast %scan3A_234 : i32 to index
          %parallel_loop3A_246 = arith.index_cast %parallel_loop3A_244 : i32 to index
          %parallel_loop3A_247 = tpu.vector_load %arg15[%parallel_loop3A_245, %parallel_loop3A_246] {strides = array<i32>} : memref<8x1152xf32, #tpu.memory_space<vmem>>, vector<1x16xf32>,
          %parallel_loop3A_248 = vector.shape_cast %parallel_loop3A_247 : vector<1x16xf32> to vector<16xf32>
          %parallel_loop3A_249 = arith.index_cast %scan3A_234 : i32 to index
          %parallel_loop3A_250 = arith.index_cast %parallel_loop3A_244 : i32 to index
          %parallel_loop3A_251 = tpu.vector_load %arg11[%parallel_loop3A_249, %parallel_loop3A_250] {strides = array<i32>} : memref<8x1152xf32, #tpu.memory_space<vmem>>, vector<1x16xf32>,
          %parallel_loop3A_252 = vector.shape_cast %parallel_loop3A_251 : vector<1x16xf32> to vector<16xf32>
          %parallel_loop3A_253 = arith.subf %parallel_loop3A_248, %parallel_loop3A_252 : vector<16xf32>
          %parallel_loop3A_254 = arith.mulf %parallel_loop3A_253, %get3A_239 : vector<16xf32>
          %parallel_loop3A_255 = arith.index_cast %scan3A_234 : i32 to index
          %parallel_loop3A_256 = arith.index_cast %parallel_loop3A_244 : i32 to index
          %parallel_loop3A_257 = tpu.vector_load %arg19[%parallel_loop3A_255, %parallel_loop3A_256] {strides = array<i32>} : memref<8x1024xf32, #tpu.memory_space<vmem>>, vector<1x16xf32>,
          %parallel_loop3A_258 = vector.shape_cast %parallel_loop3A_257 : vector<1x16xf32> to vector<16xf32>
          %parallel_loop3A_259 = vector.shape_cast %parallel_loop3A_254 : vector<16xf32> to vector<1x16xf32>
          tpu.vector_store %arg19[%parallel_loop3A_255, %parallel_loop3A_256], %parallel_loop3A_259 {strides = array<i32>} : memref<8x1024xf32, #tpu.memory_space<vmem>>, vector<1x16xf32>,
        } {sc.loop_unroll_factor = 8 : i64, sc.parallel_access}
        %scan3A_243 = arith.constant 0 : i32
        scf.yield %scan3A_243 : i32
      }
      %scan3A_180 = arith.constant 8 : i32
      %mul3A_181 = arith.constant 8 : i32
      %mul3A_182 = arith.muli %add3A_146, %mul3A_181 : i32
      %add3A_183 = arith.addi %mul3A_2, %mul3A_182 : i32
      %dma_start3A_184 = arith.constant 2176 : i32
      %dma_start3A_185 = tpu.memref_slice %arg5[%add3A_183, %dma_start3A_184] : memref<4096x3200xf32, #tpu.memory_space<hbm>> -> memref<8x1024xf32, #tpu.memory_space<hbm>>
      %dma_start3A_186 = arith.constant 2176 : i32
      %dma_start3A_187 = tpu.memref_slice %arg5[%add3A_183, %dma_start3A_186] : memref<4096x3200xf32, #tpu.memory_space<hbm>> -> memref<8x1024xf32, #tpu.memory_space<hbm>>
      tpu.enqueue_dma source(%arg19 : memref<8x1024xf32, #tpu.memory_space<vmem>>) target(%dma_start3A_187 : memref<8x1024xf32, #tpu.memory_space<hbm>>) target_semaphore(%arg28 : memref<!tpu.dma_semaphore, #tpu.memory_space<semaphore_mem>>)
      %mul3A_188 = arith.constant 4 : i32
      %mul3A_189 = arith.muli %mul3A_188, %scan3A_55 : i32
      %add3A_190 = arith.constant 3 : i32
      %add3A_191 = arith.addi %mul3A_189, %add3A_190 : i32
      %dma_wait3A_192 = arith.constant 0 : i32
      %dma_wait3A_193 = arith.constant 0 : i32
      %dma_wait3A_194 = tpu.memref_slice %arg2[%dma_wait3A_192, %dma_wait3A_193] : memref<4096x1152xf32, #tpu.memory_space<hbm>> -> memref<8x1152xf32, #tpu.memory_space<hbm>>
      %dma_wait3A_195 = arith.constant 0 : i32
      %dma_wait3A_196 = arith.constant 0 : i32
      %dma_wait3A_197 = tpu.memref_slice %arg2[%dma_wait3A_195, %dma_wait3A_196] : memref<4096x1152xf32, #tpu.memory_space<hbm>> -> memref<8x1152xf32, #tpu.memory_space<hbm>>
      tpu.wait_dma2 semaphore(%arg25 : memref<!tpu.dma_semaphore, #tpu.memory_space<semaphore_mem>>) src(%dma_wait3A_197 : memref<8x1152xf32, #tpu.memory_space<hbm>>) dst(%arg12 : memref<8x1152xf32, #tpu.memory_space<vmem>>)
      %dma_wait3A_198 = arith.constant 0 : i32
      %dma_wait3A_199 = arith.constant 0 : i32
      %dma_wait3A_200 = tpu.memref_slice %arg2[%dma_wait3A_198, %dma_wait3A_199] : memref<4096x1152xf32, #tpu.memory_space<hbm>> -> memref<8x1152xf32, #tpu.memory_space<hbm>>
      %dma_wait3A_201 = arith.constant 0 : i32
      %dma_wait3A_202 = arith.constant 0 : i32
      %dma_wait3A_203 = tpu.memref_slice %arg2[%dma_wait3A_201, %dma_wait3A_202] : memref<4096x1152xf32, #tpu.memory_space<hbm>> -> memref<8x1152xf32, #tpu.memory_space<hbm>>
      tpu.wait_dma2 semaphore(%arg25 : memref<!tpu.dma_semaphore, #tpu.memory_space<semaphore_mem>>) src(%dma_wait3A_203 : memref<8x1152xf32, #tpu.memory_space<hbm>>) dst(%arg16 : memref<8x1152xf32, #tpu.memory_space<vmem>>)
      %add3A_204 = arith.constant 3 : i32
      %add3A_205 = arith.addi %add3A_191, %add3A_204 : i32
      %lt3A_206 = arith.constant 16 : i32
      %lt3A_207 = arith.cmpi slt, %add3A_205, %lt3A_206 : i32
      %convert_element_type3A_208 = arith.extui %lt3A_207 : i1 to i32
      %cond3A_209 = arith.constant 0 : i32
      %cond3A_210 = arith.cmpi ne, %convert_element_type3A_208, %cond3A_209 : i32
      scf.if %cond3A_210 {
        %add3A_234 = arith.constant 3 : i32
        %add3A_235 = arith.addi %add3A_191, %add3A_234 : i32
        %mul3A_236 = arith.constant 8 : i32
        %mul3A_237 = arith.muli %add3A_235, %mul3A_236 : i32
        %dma_start3A_238 = tpu.memref_slice %arg7[%mul3A_237] : memref<128xi32, #tpu.memory_space<vmem>> -> memref<8xi32, #tpu.memory_space<vmem>>
        %dma_start3A_239 = arith.constant 0 : i32
        %dma_start3A_240 = arith.constant 0 : i32
        %dma_start3A_241 = tpu.memref_slice %arg2[%dma_start3A_239, %dma_start3A_240] : memref<4096x1152xf32, #tpu.memory_space<hbm>> -> memref<4096x1152xf32, #tpu.memory_space<hbm>>
        tpu.enqueue_indirect_dma source(%dma_start3A_241 : memref<4096x1152xf32, #tpu.memory_space<hbm>>) target(%arg11 : memref<8x1152xf32, #tpu.memory_space<vmem>>) offsets(%dma_start3A_238 : memref<8xi32, #tpu.memory_space<vmem>>) semaphore(%arg24 : memref<!tpu.dma_semaphore, #tpu.memory_space<semaphore_mem>>)
        %dma_start3A_242 = tpu.memref_slice %arg8[%mul3A_237] : memref<128xi32, #tpu.memory_space<vmem>> -> memref<8xi32, #tpu.memory_space<vmem>>
        %dma_start3A_243 = arith.constant 0 : i32
        %dma_start3A_244 = arith.constant 0 : i32
        %dma_start3A_245 = tpu.memref_slice %arg2[%dma_start3A_243, %dma_start3A_244] : memref<4096x1152xf32, #tpu.memory_space<hbm>> -> memref<4096x1152xf32, #tpu.memory_space<hbm>>
        tpu.enqueue_indirect_dma source(%dma_start3A_245 : memref<4096x1152xf32, #tpu.memory_space<hbm>>) target(%arg15 : memref<8x1152xf32, #tpu.memory_space<vmem>>) offsets(%dma_start3A_242 : memref<8xi32, #tpu.memory_space<vmem>>) semaphore(%arg24 : memref<!tpu.dma_semaphore, #tpu.memory_space<semaphore_mem>>)
      } else {
      }
      %gt3A_211 = arith.constant 3 : i32
      %gt3A_212 = arith.cmpi sgt, %add3A_191, %gt3A_211 : i32
      %convert_element_type3A_213 = arith.extui %gt3A_212 : i1 to i32
      %cond3A_214 = arith.constant 0 : i32
      %cond3A_215 = arith.cmpi ne, %convert_element_type3A_213, %cond3A_214 : i32
      scf.if %cond3A_215 {
        %dma_wait3A_234 = arith.constant 2176 : i32
        %dma_wait3A_235 = tpu.memref_slice %arg5[%mul3A_2, %dma_wait3A_234] : memref<4096x3200xf32, #tpu.memory_space<hbm>> -> memref<8x1024xf32, #tpu.memory_space<hbm>>
        %dma_wait3A_236 = arith.constant 2176 : i32
        %dma_wait3A_237 = tpu.memref_slice %arg5[%mul3A_2, %dma_wait3A_236] : memref<4096x3200xf32, #tpu.memory_space<hbm>> -> memref<8x1024xf32, #tpu.memory_space<hbm>>
        tpu.wait_dma2 semaphore(%arg29 : memref<!tpu.dma_semaphore, #tpu.memory_space<semaphore_mem>>) src(%arg20 : memref<8x1024xf32, #tpu.memory_space<vmem>>) dst(%dma_wait3A_237 : memref<8x1024xf32, #tpu.memory_space<hbm>>)
      } else {
      }
      %parallel_loop3A_216 = arith.constant 0 : i32
      %parallel_loop3A_217 = arith.constant 8 : i32
      %parallel_loop3A_218 = arith.constant 1 : i32
      scf.for %parallel_loop3A_234 = %parallel_loop3A_216 to %parallel_loop3A_217 step %parallel_loop3A_218  : i32 {
        %parallel_loop3A_235 = arith.index_cast %parallel_loop3A_234 : i32 to index
        %parallel_loop3A_236 = arith.constant 1024 : index
        %parallel_loop3A_237 = tpu.vector_load %arg16[%parallel_loop3A_235, %parallel_loop3A_236] {strides = array<i32>} : memref<8x1152xf32, #tpu.memory_space<vmem>>, vector<1x16xf32>,
        %parallel_loop3A_238 = vector.shape_cast %parallel_loop3A_237 : vector<1x16xf32> to vector<16xf32>
        %parallel_loop3A_239 = arith.index_cast %parallel_loop3A_234 : i32 to index
        %parallel_loop3A_240 = arith.constant 1024 : index
        %parallel_loop3A_241 = tpu.vector_load %arg12[%parallel_loop3A_239, %parallel_loop3A_240] {strides = array<i32>} : memref<8x1152xf32, #tpu.memory_space<vmem>>, vector<1x16xf32>,
        %parallel_loop3A_242 = vector.shape_cast %parallel_loop3A_241 : vector<1x16xf32> to vector<16xf32>
        %parallel_loop3A_243 = arith.subf %parallel_loop3A_238, %parallel_loop3A_242 : vector<16xf32>
        %parallel_loop3A_244 = arith.constant 1.000000e+00 : f32
        %parallel_loop3A_245 = vector.broadcast %parallel_loop3A_244 : f32 to vector<16xf32>
        %parallel_loop3A_246 = arith.divf %parallel_loop3A_245, %parallel_loop3A_243 : vector<16xf32>
        %parallel_loop3A_247 = arith.constant 16 : i32
        %parallel_loop3A_248 = arith.muli %parallel_loop3A_234, %parallel_loop3A_247 : i32
        %parallel_loop3A_249 = arith.index_cast %parallel_loop3A_248 : i32 to index
        %parallel_loop3A_250 = tpu.vector_load %arg21[%parallel_loop3A_249] {strides = array<i32>} : memref<128xf32, #tpu.memory_space<vmem>>, vector<16xf32>,
        %parallel_loop3A_251 = vector.shape_cast %parallel_loop3A_250 : vector<16xf32> to vector<16xf32>
        %parallel_loop3A_252 = vector.shape_cast %parallel_loop3A_246 : vector<16xf32> to vector<16xf32>
        tpu.vector_store %arg21[%parallel_loop3A_249], %parallel_loop3A_252 {strides = array<i32>} : memref<128xf32, #tpu.memory_space<vmem>>, vector<16xf32>,
      } {sc.loop_unroll_factor = 1 : i64, sc.parallel_access}
      %scan3A_219 = arith.constant 0 : i32
      %scan3A_220 = arith.constant 0 : i32
      %scan3A_221 = arith.constant 8 : i32
      %scan3A_222 = arith.addi %scan3A_220, %scan3A_221 : i32
      %scan3A_223 = arith.constant 1 : i32
      %scan3A_224 = scf.for %scan3A_234 = %scan3A_220 to %scan3A_222 step %scan3A_223 iter_args(%scan3A_235 = %scan3A_219) -> (i32)  : i32 {
        %mul3A_236 = arith.constant 16 : i32
        %mul3A_237 = arith.muli %scan3A_234, %mul3A_236 : i32
        %get3A = arith.index_cast %mul3A_237 : i32 to index
        %get3A_238 = tpu.vector_load %arg21[%get3A] {strides = array<i32>} : memref<128xf32, #tpu.memory_space<vmem>>, vector<16xf32>,
        %get3A_239 = vector.shape_cast %get3A_238 : vector<16xf32> to vector<16xf32>
        %parallel_loop3A_240 = arith.constant 0 : i32
        %parallel_loop3A_241 = arith.constant 1024 : i32
        %parallel_loop3A_242 = arith.constant 16 : i32
        scf.for %parallel_loop3A_244 = %parallel_loop3A_240 to %parallel_loop3A_241 step %parallel_loop3A_242  : i32 {
          %parallel_loop3A_245 = arith.index_cast %scan3A_234 : i32 to index
          %parallel_loop3A_246 = arith.index_cast %parallel_loop3A_244 : i32 to index
          %parallel_loop3A_247 = tpu.vector_load %arg16[%parallel_loop3A_245, %parallel_loop3A_246] {strides = array<i32>} : memref<8x1152xf32, #tpu.memory_space<vmem>>, vector<1x16xf32>,
          %parallel_loop3A_248 = vector.shape_cast %parallel_loop3A_247 : vector<1x16xf32> to vector<16xf32>
          %parallel_loop3A_249 = arith.index_cast %scan3A_234 : i32 to index
          %parallel_loop3A_250 = arith.index_cast %parallel_loop3A_244 : i32 to index
          %parallel_loop3A_251 = tpu.vector_load %arg12[%parallel_loop3A_249, %parallel_loop3A_250] {strides = array<i32>} : memref<8x1152xf32, #tpu.memory_space<vmem>>, vector<1x16xf32>,
          %parallel_loop3A_252 = vector.shape_cast %parallel_loop3A_251 : vector<1x16xf32> to vector<16xf32>
          %parallel_loop3A_253 = arith.subf %parallel_loop3A_248, %parallel_loop3A_252 : vector<16xf32>
          %parallel_loop3A_254 = arith.mulf %parallel_loop3A_253, %get3A_239 : vector<16xf32>
          %parallel_loop3A_255 = arith.index_cast %scan3A_234 : i32 to index
          %parallel_loop3A_256 = arith.index_cast %parallel_loop3A_244 : i32 to index
          %parallel_loop3A_257 = tpu.vector_load %arg20[%parallel_loop3A_255, %parallel_loop3A_256] {strides = array<i32>} : memref<8x1024xf32, #tpu.memory_space<vmem>>, vector<1x16xf32>,
          %parallel_loop3A_258 = vector.shape_cast %parallel_loop3A_257 : vector<1x16xf32> to vector<16xf32>
          %parallel_loop3A_259 = vector.shape_cast %parallel_loop3A_254 : vector<16xf32> to vector<1x16xf32>
          tpu.vector_store %arg20[%parallel_loop3A_255, %parallel_loop3A_256], %parallel_loop3A_259 {strides = array<i32>} : memref<8x1024xf32, #tpu.memory_space<vmem>>, vector<1x16xf32>,
        } {sc.loop_unroll_factor = 8 : i64, sc.parallel_access}
        %scan3A_243 = arith.constant 0 : i32
        scf.yield %scan3A_243 : i32
      }
      %scan3A_225 = arith.constant 8 : i32
      %mul3A_226 = arith.constant 8 : i32
      %mul3A_227 = arith.muli %add3A_191, %mul3A_226 : i32
      %add3A_228 = arith.addi %mul3A_2, %mul3A_227 : i32
      %dma_start3A_229 = arith.constant 2176 : i32
      %dma_start3A_230 = tpu.memref_slice %arg5[%add3A_228, %dma_start3A_229] : memref<4096x3200xf32, #tpu.memory_space<hbm>> -> memref<8x1024xf32, #tpu.memory_space<hbm>>
      %dma_start3A_231 = arith.constant 2176 : i32
      %dma_start3A_232 = tpu.memref_slice %arg5[%add3A_228, %dma_start3A_231] : memref<4096x3200xf32, #tpu.memory_space<hbm>> -> memref<8x1024xf32, #tpu.memory_space<hbm>>
      tpu.enqueue_dma source(%arg20 : memref<8x1024xf32, #tpu.memory_space<vmem>>) target(%dma_start3A_232 : memref<8x1024xf32, #tpu.memory_space<hbm>>) target_semaphore(%arg29 : memref<!tpu.dma_semaphore, #tpu.memory_space<semaphore_mem>>)
      %scan3A_233 = arith.constant 0 : i32
      scf.yield %scan3A_233 : i32
    }
    %scan3A_39 = arith.constant 4 : i32
    %dma_wait3A = arith.constant 2176 : i32
    %dma_wait3A_40 = tpu.memref_slice %arg5[%mul3A_2, %dma_wait3A] : memref<4096x3200xf32, #tpu.memory_space<hbm>> -> memref<8x1024xf32, #tpu.memory_space<hbm>>
    %dma_wait3A_41 = arith.constant 2176 : i32
    %dma_wait3A_42 = tpu.memref_slice %arg5[%mul3A_2, %dma_wait3A_41] : memref<4096x3200xf32, #tpu.memory_space<hbm>> -> memref<8x1024xf32, #tpu.memory_space<hbm>>
    tpu.wait_dma2 semaphore(%arg26 : memref<!tpu.dma_semaphore, #tpu.memory_space<semaphore_mem>>) src(%arg17 : memref<8x1024xf32, #tpu.memory_space<vmem>>) dst(%dma_wait3A_42 : memref<8x1024xf32, #tpu.memory_space<hbm>>)
    %dma_wait3A_43 = arith.constant 2176 : i32
    %dma_wait3A_44 = tpu.memref_slice %arg5[%mul3A_2, %dma_wait3A_43] : memref<4096x3200xf32, #tpu.memory_space<hbm>> -> memref<8x1024xf32, #tpu.memory_space<hbm>>
    %dma_wait3A_45 = arith.constant 2176 : i32
    %dma_wait3A_46 = tpu.memref_slice %arg5[%mul3A_2, %dma_wait3A_45] : memref<4096x3200xf32, #tpu.memory_space<hbm>> -> memref<8x1024xf32, #tpu.memory_space<hbm>>
    tpu.wait_dma2 semaphore(%arg27 : memref<!tpu.dma_semaphore, #tpu.memory_space<semaphore_mem>>) src(%arg18 : memref<8x1024xf32, #tpu.memory_space<vmem>>) dst(%dma_wait3A_46 : memref<8x1024xf32, #tpu.memory_space<hbm>>)
    %dma_wait3A_47 = arith.constant 2176 : i32
    %dma_wait3A_48 = tpu.memref_slice %arg5[%mul3A_2, %dma_wait3A_47] : memref<4096x3200xf32, #tpu.memory_space<hbm>> -> memref<8x1024xf32, #tpu.memory_space<hbm>>
    %dma_wait3A_49 = arith.constant 2176 : i32
    %dma_wait3A_50 = tpu.memref_slice %arg5[%mul3A_2, %dma_wait3A_49] : memref<4096x3200xf32, #tpu.memory_space<hbm>> -> memref<8x1024xf32, #tpu.memory_space<hbm>>
    tpu.wait_dma2 semaphore(%arg28 : memref<!tpu.dma_semaphore, #tpu.memory_space<semaphore_mem>>) src(%arg19 : memref<8x1024xf32, #tpu.memory_space<vmem>>) dst(%dma_wait3A_50 : memref<8x1024xf32, #tpu.memory_space<hbm>>)
    %dma_wait3A_51 = arith.constant 2176 : i32
    %dma_wait3A_52 = tpu.memref_slice %arg5[%mul3A_2, %dma_wait3A_51] : memref<4096x3200xf32, #tpu.memory_space<hbm>> -> memref<8x1024xf32, #tpu.memory_space<hbm>>
    %dma_wait3A_53 = arith.constant 2176 : i32
    %dma_wait3A_54 = tpu.memref_slice %arg5[%mul3A_2, %dma_wait3A_53] : memref<4096x3200xf32, #tpu.memory_space<hbm>> -> memref<8x1024xf32, #tpu.memory_space<hbm>>
    tpu.wait_dma2 semaphore(%arg29 : memref<!tpu.dma_semaphore, #tpu.memory_space<semaphore_mem>>) src(%arg20 : memref<8x1024xf32, #tpu.memory_space<vmem>>) dst(%dma_wait3A_54 : memref<8x1024xf32, #tpu.memory_space<hbm>>)
    return
  }
}

#map = affine_map<(d0, d1) -> (0, 0)>
#map1 = affine_map<(d0, d1) -> (0)>
module attributes {stable_mosaic.version = 14 : i64} {
  func.func @new_body(%arg0: i32, %arg1: i32, %arg2: memref<4096x1024xf32, #tpu.memory_space<hbm>>, %arg3: memref<24x128xf32, #tpu.memory_space<hbm>>, %arg4: memref<4096xi32, #tpu.memory_space<hbm>>, %arg5: memref<4096xi32, #tpu.memory_space<hbm>>, %arg6: memref<4096x3200xf32, #tpu.memory_space<hbm>>, %arg7: memref<4096x3200xf32, #tpu.memory_space<hbm>>, %arg8: memref<128xi32, #tpu.memory_space<vmem>>, %arg9: memref<128xi32, #tpu.memory_space<vmem>>, %arg10: memref<128xi32, #tpu.memory_space<vmem>>, %arg11: memref<128x128xf32, #tpu.memory_space<vmem>>, %arg12: memref<8x1024xf32, #tpu.memory_space<vmem>>, %arg13: memref<8x1024xf32, #tpu.memory_space<vmem>>, %arg14: memref<8x1024xf32, #tpu.memory_space<vmem>>, %arg15: memref<8x1024xf32, #tpu.memory_space<vmem>>, %arg16: memref<8x1024xf32, #tpu.memory_space<vmem>>, %arg17: memref<8x1024xf32, #tpu.memory_space<vmem>>, %arg18: memref<8x1024xf32, #tpu.memory_space<vmem>>, %arg19: memref<8x1024xf32, #tpu.memory_space<vmem>>, %arg20: memref<!tpu.dma_semaphore, #tpu.memory_space<semaphore_mem>>, %arg21: memref<!tpu.dma_semaphore, #tpu.memory_space<semaphore_mem>>, %arg22: memref<!tpu.dma_semaphore, #tpu.memory_space<semaphore_mem>>, %arg23: memref<!tpu.dma_semaphore, #tpu.memory_space<semaphore_mem>>, %arg24: memref<!tpu.dma_semaphore, #tpu.memory_space<semaphore_mem>>, %arg25: memref<!tpu.dma_semaphore, #tpu.memory_space<semaphore_mem>>, %arg26: memref<!tpu.dma_semaphore, #tpu.memory_space<semaphore_mem>>, %arg27: memref<!tpu.dma_semaphore, #tpu.memory_space<semaphore_mem>>, %arg28: memref<!tpu.dma_semaphore, #tpu.memory_space<semaphore_mem>>) attributes {dimension_semantics = [#tpu.dimension_semantics<core_parallel>, #tpu.dimension_semantics<subcore_parallel>], iteration_bounds = array<i64: 2, 16>, scalar_prefetch = 0 : i64, scratch_operands = 21 : i64, tpu.core_type = #tpu.core_type<sc_vector_subcore>, window_params = [{transform_indices = #map}, {transform_indices = #map}, {transform_indices = #map1}, {transform_indices = #map1}, {transform_indices = #map}, {transform_indices = #map}]} {
    %mul3A = arith.constant 2 : i32
    %mul3A_0 = arith.muli %arg1, %mul3A : i32
    %add3A = arith.addi %mul3A_0, %arg0 : i32
    %mul3A_1 = arith.constant 128 : i32
    %mul3A_2 = arith.muli %add3A, %mul3A_1 : i32
    "tpu.region"() ({
      %run_scoped3A = tpu.sem_alloc : memref<!tpu.dma_semaphore, #tpu.memory_space<semaphore_mem>>
      %dma_start3A_85 = tpu.memref_slice %arg4[%mul3A_2] : memref<4096xi32, #tpu.memory_space<hbm>> -> memref<128xi32, #tpu.memory_space<hbm>>
      %dma_start3A_86 = tpu.memref_slice %arg4[%mul3A_2] : memref<4096xi32, #tpu.memory_space<hbm>> -> memref<128xi32, #tpu.memory_space<hbm>>
      tpu.enqueue_dma source(%dma_start3A_86 : memref<128xi32, #tpu.memory_space<hbm>>) target(%arg8 : memref<128xi32, #tpu.memory_space<vmem>>) target_semaphore(%run_scoped3A : memref<!tpu.dma_semaphore, #tpu.memory_space<semaphore_mem>>)
      %dma_wait3A_87 = tpu.memref_slice %arg4[%mul3A_2] : memref<4096xi32, #tpu.memory_space<hbm>> -> memref<128xi32, #tpu.memory_space<hbm>>
      %dma_wait3A_88 = tpu.memref_slice %arg4[%mul3A_2] : memref<4096xi32, #tpu.memory_space<hbm>> -> memref<128xi32, #tpu.memory_space<hbm>>
      tpu.wait_dma2 semaphore(%run_scoped3A : memref<!tpu.dma_semaphore, #tpu.memory_space<semaphore_mem>>) src(%dma_wait3A_88 : memref<128xi32, #tpu.memory_space<hbm>>) dst(%arg8 : memref<128xi32, #tpu.memory_space<vmem>>)
      tpu.yield
    }) : () -> ()
    "tpu.region"() ({
      %run_scoped3A = tpu.sem_alloc : memref<!tpu.dma_semaphore, #tpu.memory_space<semaphore_mem>>
      %dma_start3A_85 = tpu.memref_slice %arg5[%mul3A_2] : memref<4096xi32, #tpu.memory_space<hbm>> -> memref<128xi32, #tpu.memory_space<hbm>>
      %dma_start3A_86 = tpu.memref_slice %arg5[%mul3A_2] : memref<4096xi32, #tpu.memory_space<hbm>> -> memref<128xi32, #tpu.memory_space<hbm>>
      tpu.enqueue_dma source(%dma_start3A_86 : memref<128xi32, #tpu.memory_space<hbm>>) target(%arg9 : memref<128xi32, #tpu.memory_space<vmem>>) target_semaphore(%run_scoped3A : memref<!tpu.dma_semaphore, #tpu.memory_space<semaphore_mem>>)
      %dma_wait3A_87 = tpu.memref_slice %arg5[%mul3A_2] : memref<4096xi32, #tpu.memory_space<hbm>> -> memref<128xi32, #tpu.memory_space<hbm>>
      %dma_wait3A_88 = tpu.memref_slice %arg5[%mul3A_2] : memref<4096xi32, #tpu.memory_space<hbm>> -> memref<128xi32, #tpu.memory_space<hbm>>
      tpu.wait_dma2 semaphore(%run_scoped3A : memref<!tpu.dma_semaphore, #tpu.memory_space<semaphore_mem>>) src(%dma_wait3A_88 : memref<128xi32, #tpu.memory_space<hbm>>) dst(%arg9 : memref<128xi32, #tpu.memory_space<vmem>>)
      tpu.yield
    }) : () -> ()
    %parallel_loop3A = arith.constant 0 : i32
    %parallel_loop3A_3 = arith.constant 128 : i32
    %parallel_loop3A_4 = arith.constant 16 : i32
    scf.for %parallel_loop3A_85 = %parallel_loop3A to %parallel_loop3A_3 step %parallel_loop3A_4  : i32 {
      %parallel_loop3A_86 = arith.index_cast %parallel_loop3A_85 : i32 to index
      %parallel_loop3A_87 = tpu.vector_load %arg9[%parallel_loop3A_86] {strides = array<i32>} : memref<128xi32, #tpu.memory_space<vmem>>, vector<16xi32>,
      %parallel_loop3A_88 = vector.shape_cast %parallel_loop3A_87 : vector<16xi32> to vector<16xi32>
      %parallel_loop3A_89 = arith.index_cast %parallel_loop3A_85 : i32 to index
      %parallel_loop3A_90 = tpu.vector_load %arg8[%parallel_loop3A_89] {strides = array<i32>} : memref<128xi32, #tpu.memory_space<vmem>>, vector<16xi32>,
      %parallel_loop3A_91 = vector.shape_cast %parallel_loop3A_90 : vector<16xi32> to vector<16xi32>
      %parallel_loop3A_92 = arith.subi %parallel_loop3A_88, %parallel_loop3A_91 : vector<16xi32>
      %parallel_loop3A_93 = arith.index_cast %parallel_loop3A_85 : i32 to index
      %parallel_loop3A_94 = tpu.vector_load %arg10[%parallel_loop3A_93] {strides = array<i32>} : memref<128xi32, #tpu.memory_space<vmem>>, vector<16xi32>,
      %parallel_loop3A_95 = vector.shape_cast %parallel_loop3A_94 : vector<16xi32> to vector<16xi32>
      %parallel_loop3A_96 = vector.shape_cast %parallel_loop3A_92 : vector<16xi32> to vector<16xi32>
      tpu.vector_store %arg10[%parallel_loop3A_93], %parallel_loop3A_96 {strides = array<i32>} : memref<128xi32, #tpu.memory_space<vmem>>, vector<16xi32>,
    } {sc.loop_unroll_factor = 1 : i64, sc.parallel_access}
    %dma_start3A = arith.constant 0 : i32
    %dma_start3A_5 = arith.constant 0 : i32
    %dma_start3A_6 = tpu.memref_slice %arg3[%dma_start3A, %dma_start3A_5] : memref<24x128xf32, #tpu.memory_space<hbm>> -> memref<24x128xf32, #tpu.memory_space<hbm>>
    tpu.enqueue_indirect_dma source(%dma_start3A_6 : memref<24x128xf32, #tpu.memory_space<hbm>>) target(%arg11 : memref<128x128xf32, #tpu.memory_space<vmem>>) offsets(%arg10 : memref<128xi32, #tpu.memory_space<vmem>>) semaphore(%arg20 : memref<!tpu.dma_semaphore, #tpu.memory_space<semaphore_mem>>)
    %dma_wait3A = arith.constant 0 : i32
    %dma_wait3A_7 = arith.constant 0 : i32
    %dma_wait3A_8 = tpu.memref_slice %arg3[%dma_wait3A, %dma_wait3A_7] : memref<24x128xf32, #tpu.memory_space<hbm>> -> memref<24x128xf32, #tpu.memory_space<hbm>>
    tpu.wait_indirect_dma semaphore(%arg20 : memref<!tpu.dma_semaphore, #tpu.memory_space<semaphore_mem>>) src(%dma_wait3A_8 : memref<24x128xf32, #tpu.memory_space<hbm>>) dst(%arg11 : memref<128x128xf32, #tpu.memory_space<vmem>>)
    %dma_start3A_9 = arith.constant 2048 : i32
    %dma_start3A_10 = tpu.memref_slice %arg6[%mul3A_2, %dma_start3A_9] : memref<4096x3200xf32, #tpu.memory_space<hbm>> -> memref<128x128xf32, #tpu.memory_space<hbm>>
    %dma_start3A_11 = arith.constant 2048 : i32
    %dma_start3A_12 = tpu.memref_slice %arg6[%mul3A_2, %dma_start3A_11] : memref<4096x3200xf32, #tpu.memory_space<hbm>> -> memref<128x128xf32, #tpu.memory_space<hbm>>
    tpu.enqueue_dma source(%arg11 : memref<128x128xf32, #tpu.memory_space<vmem>>) target(%dma_start3A_12 : memref<128x128xf32, #tpu.memory_space<hbm>>) target_semaphore(%arg28 : memref<!tpu.dma_semaphore, #tpu.memory_space<semaphore_mem>>)
    %dma_start3A_13 = arith.constant 0 : i32
    %dma_start3A_14 = tpu.memref_slice %arg8[%dma_start3A_13] : memref<128xi32, #tpu.memory_space<vmem>> -> memref<8xi32, #tpu.memory_space<vmem>>
    %dma_start3A_15 = arith.constant 0 : i32
    %dma_start3A_16 = arith.constant 0 : i32
    %dma_start3A_17 = tpu.memref_slice %arg2[%dma_start3A_15, %dma_start3A_16] : memref<4096x1024xf32, #tpu.memory_space<hbm>> -> memref<4096x1024xf32, #tpu.memory_space<hbm>>
    tpu.enqueue_indirect_dma source(%dma_start3A_17 : memref<4096x1024xf32, #tpu.memory_space<hbm>>) target(%arg12 : memref<8x1024xf32, #tpu.memory_space<vmem>>) offsets(%dma_start3A_14 : memref<8xi32, #tpu.memory_space<vmem>>) semaphore(%arg20 : memref<!tpu.dma_semaphore, #tpu.memory_space<semaphore_mem>>)
    %dma_start3A_18 = arith.constant 0 : i32
    %dma_start3A_19 = tpu.memref_slice %arg9[%dma_start3A_18] : memref<128xi32, #tpu.memory_space<vmem>> -> memref<8xi32, #tpu.memory_space<vmem>>
    %dma_start3A_20 = arith.constant 0 : i32
    %dma_start3A_21 = arith.constant 0 : i32
    %dma_start3A_22 = tpu.memref_slice %arg2[%dma_start3A_20, %dma_start3A_21] : memref<4096x1024xf32, #tpu.memory_space<hbm>> -> memref<4096x1024xf32, #tpu.memory_space<hbm>>
    tpu.enqueue_indirect_dma source(%dma_start3A_22 : memref<4096x1024xf32, #tpu.memory_space<hbm>>) target(%arg16 : memref<8x1024xf32, #tpu.memory_space<vmem>>) offsets(%dma_start3A_19 : memref<8xi32, #tpu.memory_space<vmem>>) semaphore(%arg20 : memref<!tpu.dma_semaphore, #tpu.memory_space<semaphore_mem>>)
    %dma_start3A_23 = arith.constant 8 : i32
    %dma_start3A_24 = tpu.memref_slice %arg8[%dma_start3A_23] : memref<128xi32, #tpu.memory_space<vmem>> -> memref<8xi32, #tpu.memory_space<vmem>>
    %dma_start3A_25 = arith.constant 0 : i32
    %dma_start3A_26 = arith.constant 0 : i32
    %dma_start3A_27 = tpu.memref_slice %arg2[%dma_start3A_25, %dma_start3A_26] : memref<4096x1024xf32, #tpu.memory_space<hbm>> -> memref<4096x1024xf32, #tpu.memory_space<hbm>>
    tpu.enqueue_indirect_dma source(%dma_start3A_27 : memref<4096x1024xf32, #tpu.memory_space<hbm>>) target(%arg13 : memref<8x1024xf32, #tpu.memory_space<vmem>>) offsets(%dma_start3A_24 : memref<8xi32, #tpu.memory_space<vmem>>) semaphore(%arg21 : memref<!tpu.dma_semaphore, #tpu.memory_space<semaphore_mem>>)
    %dma_start3A_28 = arith.constant 8 : i32
    %dma_start3A_29 = tpu.memref_slice %arg9[%dma_start3A_28] : memref<128xi32, #tpu.memory_space<vmem>> -> memref<8xi32, #tpu.memory_space<vmem>>
    %dma_start3A_30 = arith.constant 0 : i32
    %dma_start3A_31 = arith.constant 0 : i32
    %dma_start3A_32 = tpu.memref_slice %arg2[%dma_start3A_30, %dma_start3A_31] : memref<4096x1024xf32, #tpu.memory_space<hbm>> -> memref<4096x1024xf32, #tpu.memory_space<hbm>>
    tpu.enqueue_indirect_dma source(%dma_start3A_32 : memref<4096x1024xf32, #tpu.memory_space<hbm>>) target(%arg17 : memref<8x1024xf32, #tpu.memory_space<vmem>>) offsets(%dma_start3A_29 : memref<8xi32, #tpu.memory_space<vmem>>) semaphore(%arg21 : memref<!tpu.dma_semaphore, #tpu.memory_space<semaphore_mem>>)
    %dma_start3A_33 = arith.constant 16 : i32
    %dma_start3A_34 = tpu.memref_slice %arg8[%dma_start3A_33] : memref<128xi32, #tpu.memory_space<vmem>> -> memref<8xi32, #tpu.memory_space<vmem>>
    %dma_start3A_35 = arith.constant 0 : i32
    %dma_start3A_36 = arith.constant 0 : i32
    %dma_start3A_37 = tpu.memref_slice %arg2[%dma_start3A_35, %dma_start3A_36] : memref<4096x1024xf32, #tpu.memory_space<hbm>> -> memref<4096x1024xf32, #tpu.memory_space<hbm>>
    tpu.enqueue_indirect_dma source(%dma_start3A_37 : memref<4096x1024xf32, #tpu.memory_space<hbm>>) target(%arg14 : memref<8x1024xf32, #tpu.memory_space<vmem>>) offsets(%dma_start3A_34 : memref<8xi32, #tpu.memory_space<vmem>>) semaphore(%arg22 : memref<!tpu.dma_semaphore, #tpu.memory_space<semaphore_mem>>)
    %dma_start3A_38 = arith.constant 16 : i32
    %dma_start3A_39 = tpu.memref_slice %arg9[%dma_start3A_38] : memref<128xi32, #tpu.memory_space<vmem>> -> memref<8xi32, #tpu.memory_space<vmem>>
    %dma_start3A_40 = arith.constant 0 : i32
    %dma_start3A_41 = arith.constant 0 : i32
    %dma_start3A_42 = tpu.memref_slice %arg2[%dma_start3A_40, %dma_start3A_41] : memref<4096x1024xf32, #tpu.memory_space<hbm>> -> memref<4096x1024xf32, #tpu.memory_space<hbm>>
    tpu.enqueue_indirect_dma source(%dma_start3A_42 : memref<4096x1024xf32, #tpu.memory_space<hbm>>) target(%arg18 : memref<8x1024xf32, #tpu.memory_space<vmem>>) offsets(%dma_start3A_39 : memref<8xi32, #tpu.memory_space<vmem>>) semaphore(%arg22 : memref<!tpu.dma_semaphore, #tpu.memory_space<semaphore_mem>>)
    %scan3A = arith.constant 0 : i32
    %scan3A_43 = arith.constant 0 : i32
    %scan3A_44 = arith.constant 4 : i32
    %scan3A_45 = arith.addi %scan3A_43, %scan3A_44 : i32
    %scan3A_46 = arith.constant 1 : i32
    %scan3A_47 = scf.for %scan3A_85 = %scan3A_43 to %scan3A_45 step %scan3A_46 iter_args(%scan3A_86 = %scan3A) -> (i32)  : i32 {
      %mul3A_87 = arith.constant 4 : i32
      %mul3A_88 = arith.muli %mul3A_87, %scan3A_85 : i32
      %add3A_89 = arith.constant 0 : i32
      %add3A_90 = arith.addi %mul3A_88, %add3A_89 : i32
      %dma_wait3A_91 = arith.constant 0 : i32
      %dma_wait3A_92 = arith.constant 0 : i32
      %dma_wait3A_93 = tpu.memref_slice %arg2[%dma_wait3A_91, %dma_wait3A_92] : memref<4096x1024xf32, #tpu.memory_space<hbm>> -> memref<8x1024xf32, #tpu.memory_space<hbm>>
      %dma_wait3A_94 = arith.constant 0 : i32
      %dma_wait3A_95 = arith.constant 0 : i32
      %dma_wait3A_96 = tpu.memref_slice %arg2[%dma_wait3A_94, %dma_wait3A_95] : memref<4096x1024xf32, #tpu.memory_space<hbm>> -> memref<8x1024xf32, #tpu.memory_space<hbm>>
      tpu.wait_dma2 semaphore(%arg20 : memref<!tpu.dma_semaphore, #tpu.memory_space<semaphore_mem>>) src(%dma_wait3A_96 : memref<8x1024xf32, #tpu.memory_space<hbm>>) dst(%arg12 : memref<8x1024xf32, #tpu.memory_space<vmem>>)
      %dma_wait3A_97 = arith.constant 0 : i32
      %dma_wait3A_98 = arith.constant 0 : i32
      %dma_wait3A_99 = tpu.memref_slice %arg2[%dma_wait3A_97, %dma_wait3A_98] : memref<4096x1024xf32, #tpu.memory_space<hbm>> -> memref<8x1024xf32, #tpu.memory_space<hbm>>
      %dma_wait3A_100 = arith.constant 0 : i32
      %dma_wait3A_101 = arith.constant 0 : i32
      %dma_wait3A_102 = tpu.memref_slice %arg2[%dma_wait3A_100, %dma_wait3A_101] : memref<4096x1024xf32, #tpu.memory_space<hbm>> -> memref<8x1024xf32, #tpu.memory_space<hbm>>
      tpu.wait_dma2 semaphore(%arg20 : memref<!tpu.dma_semaphore, #tpu.memory_space<semaphore_mem>>) src(%dma_wait3A_102 : memref<8x1024xf32, #tpu.memory_space<hbm>>) dst(%arg16 : memref<8x1024xf32, #tpu.memory_space<vmem>>)
      %mul3A_103 = arith.constant 8 : i32
      %mul3A_104 = arith.muli %add3A_90, %mul3A_103 : i32
      %add3A_105 = arith.addi %mul3A_2, %mul3A_104 : i32
      %dma_start3A_106 = arith.constant 0 : i32
      %dma_start3A_107 = tpu.memref_slice %arg6[%add3A_105, %dma_start3A_106] : memref<4096x3200xf32, #tpu.memory_space<hbm>> -> memref<8x1024xf32, #tpu.memory_space<hbm>>
      %dma_start3A_108 = arith.constant 0 : i32
      %dma_start3A_109 = tpu.memref_slice %arg6[%add3A_105, %dma_start3A_108] : memref<4096x3200xf32, #tpu.memory_space<hbm>> -> memref<8x1024xf32, #tpu.memory_space<hbm>>
      tpu.enqueue_dma source(%arg12 : memref<8x1024xf32, #tpu.memory_space<vmem>>) target(%dma_start3A_109 : memref<8x1024xf32, #tpu.memory_space<hbm>>) target_semaphore(%arg24 : memref<!tpu.dma_semaphore, #tpu.memory_space<semaphore_mem>>)
      %dma_start3A_110 = arith.constant 1024 : i32
      %dma_start3A_111 = tpu.memref_slice %arg6[%add3A_105, %dma_start3A_110] : memref<4096x3200xf32, #tpu.memory_space<hbm>> -> memref<8x1024xf32, #tpu.memory_space<hbm>>
      %dma_start3A_112 = arith.constant 1024 : i32
      %dma_start3A_113 = tpu.memref_slice %arg6[%add3A_105, %dma_start3A_112] : memref<4096x3200xf32, #tpu.memory_space<hbm>> -> memref<8x1024xf32, #tpu.memory_space<hbm>>
      tpu.enqueue_dma source(%arg16 : memref<8x1024xf32, #tpu.memory_space<vmem>>) target(%dma_start3A_113 : memref<8x1024xf32, #tpu.memory_space<hbm>>) target_semaphore(%arg24 : memref<!tpu.dma_semaphore, #tpu.memory_space<semaphore_mem>>)
      %add3A_114 = arith.constant 3 : i32
      %add3A_115 = arith.addi %add3A_90, %add3A_114 : i32
      %lt3A = arith.constant 16 : i32
      %lt3A_116 = arith.cmpi slt, %add3A_115, %lt3A : i32
      %convert_element_type3A = arith.extui %lt3A_116 : i1 to i32
      %cond3A = arith.constant 0 : i32
      %cond3A_117 = arith.cmpi ne, %convert_element_type3A, %cond3A : i32
      scf.if %cond3A_117 {
        %gt3A = arith.constant 0 : i32
        %gt3A_221 = arith.cmpi sgt, %add3A_90, %gt3A : i32
        %convert_element_type3A_222 = arith.extui %gt3A_221 : i1 to i32
        %cond3A_223 = arith.constant 0 : i32
        %cond3A_224 = arith.cmpi ne, %convert_element_type3A_222, %cond3A_223 : i32
        scf.if %cond3A_224 {
          %dma_wait3A_237 = arith.constant 0 : i32
          %dma_wait3A_238 = tpu.memref_slice %arg6[%mul3A_2, %dma_wait3A_237] : memref<4096x3200xf32, #tpu.memory_space<hbm>> -> memref<8x1024xf32, #tpu.memory_space<hbm>>
          %dma_wait3A_239 = arith.constant 0 : i32
          %dma_wait3A_240 = tpu.memref_slice %arg6[%mul3A_2, %dma_wait3A_239] : memref<4096x3200xf32, #tpu.memory_space<hbm>> -> memref<8x1024xf32, #tpu.memory_space<hbm>>
          tpu.wait_dma2 semaphore(%arg27 : memref<!tpu.dma_semaphore, #tpu.memory_space<semaphore_mem>>) src(%arg15 : memref<8x1024xf32, #tpu.memory_space<vmem>>) dst(%dma_wait3A_240 : memref<8x1024xf32, #tpu.memory_space<hbm>>)
          %dma_wait3A_241 = arith.constant 1024 : i32
          %dma_wait3A_242 = tpu.memref_slice %arg6[%mul3A_2, %dma_wait3A_241] : memref<4096x3200xf32, #tpu.memory_space<hbm>> -> memref<8x1024xf32, #tpu.memory_space<hbm>>
          %dma_wait3A_243 = arith.constant 1024 : i32
          %dma_wait3A_244 = tpu.memref_slice %arg6[%mul3A_2, %dma_wait3A_243] : memref<4096x3200xf32, #tpu.memory_space<hbm>> -> memref<8x1024xf32, #tpu.memory_space<hbm>>
          tpu.wait_dma2 semaphore(%arg27 : memref<!tpu.dma_semaphore, #tpu.memory_space<semaphore_mem>>) src(%arg19 : memref<8x1024xf32, #tpu.memory_space<vmem>>) dst(%dma_wait3A_244 : memref<8x1024xf32, #tpu.memory_space<hbm>>)
        } else {
        }
        %add3A_225 = arith.constant 3 : i32
        %add3A_226 = arith.addi %add3A_90, %add3A_225 : i32
        %mul3A_227 = arith.constant 8 : i32
        %mul3A_228 = arith.muli %add3A_226, %mul3A_227 : i32
        %dma_start3A_229 = tpu.memref_slice %arg8[%mul3A_228] : memref<128xi32, #tpu.memory_space<vmem>> -> memref<8xi32, #tpu.memory_space<vmem>>
        %dma_start3A_230 = arith.constant 0 : i32
        %dma_start3A_231 = arith.constant 0 : i32
        %dma_start3A_232 = tpu.memref_slice %arg2[%dma_start3A_230, %dma_start3A_231] : memref<4096x1024xf32, #tpu.memory_space<hbm>> -> memref<4096x1024xf32, #tpu.memory_space<hbm>>
        tpu.enqueue_indirect_dma source(%dma_start3A_232 : memref<4096x1024xf32, #tpu.memory_space<hbm>>) target(%arg15 : memref<8x1024xf32, #tpu.memory_space<vmem>>) offsets(%dma_start3A_229 : memref<8xi32, #tpu.memory_space<vmem>>) semaphore(%arg23 : memref<!tpu.dma_semaphore, #tpu.memory_space<semaphore_mem>>)
        %dma_start3A_233 = tpu.memref_slice %arg9[%mul3A_228] : memref<128xi32, #tpu.memory_space<vmem>> -> memref<8xi32, #tpu.memory_space<vmem>>
        %dma_start3A_234 = arith.constant 0 : i32
        %dma_start3A_235 = arith.constant 0 : i32
        %dma_start3A_236 = tpu.memref_slice %arg2[%dma_start3A_234, %dma_start3A_235] : memref<4096x1024xf32, #tpu.memory_space<hbm>> -> memref<4096x1024xf32, #tpu.memory_space<hbm>>
        tpu.enqueue_indirect_dma source(%dma_start3A_236 : memref<4096x1024xf32, #tpu.memory_space<hbm>>) target(%arg19 : memref<8x1024xf32, #tpu.memory_space<vmem>>) offsets(%dma_start3A_233 : memref<8xi32, #tpu.memory_space<vmem>>) semaphore(%arg23 : memref<!tpu.dma_semaphore, #tpu.memory_space<semaphore_mem>>)
      } else {
      }
      %mul3A_118 = arith.constant 4 : i32
      %mul3A_119 = arith.muli %mul3A_118, %scan3A_85 : i32
      %add3A_120 = arith.constant 1 : i32
      %add3A_121 = arith.addi %mul3A_119, %add3A_120 : i32
      %dma_wait3A_122 = arith.constant 0 : i32
      %dma_wait3A_123 = arith.constant 0 : i32
      %dma_wait3A_124 = tpu.memref_slice %arg2[%dma_wait3A_122, %dma_wait3A_123] : memref<4096x1024xf32, #tpu.memory_space<hbm>> -> memref<8x1024xf32, #tpu.memory_space<hbm>>
      %dma_wait3A_125 = arith.constant 0 : i32
      %dma_wait3A_126 = arith.constant 0 : i32
      %dma_wait3A_127 = tpu.memref_slice %arg2[%dma_wait3A_125, %dma_wait3A_126] : memref<4096x1024xf32, #tpu.memory_space<hbm>> -> memref<8x1024xf32, #tpu.memory_space<hbm>>
      tpu.wait_dma2 semaphore(%arg21 : memref<!tpu.dma_semaphore, #tpu.memory_space<semaphore_mem>>) src(%dma_wait3A_127 : memref<8x1024xf32, #tpu.memory_space<hbm>>) dst(%arg13 : memref<8x1024xf32, #tpu.memory_space<vmem>>)
      %dma_wait3A_128 = arith.constant 0 : i32
      %dma_wait3A_129 = arith.constant 0 : i32
      %dma_wait3A_130 = tpu.memref_slice %arg2[%dma_wait3A_128, %dma_wait3A_129] : memref<4096x1024xf32, #tpu.memory_space<hbm>> -> memref<8x1024xf32, #tpu.memory_space<hbm>>
      %dma_wait3A_131 = arith.constant 0 : i32
      %dma_wait3A_132 = arith.constant 0 : i32
      %dma_wait3A_133 = tpu.memref_slice %arg2[%dma_wait3A_131, %dma_wait3A_132] : memref<4096x1024xf32, #tpu.memory_space<hbm>> -> memref<8x1024xf32, #tpu.memory_space<hbm>>
      tpu.wait_dma2 semaphore(%arg21 : memref<!tpu.dma_semaphore, #tpu.memory_space<semaphore_mem>>) src(%dma_wait3A_133 : memref<8x1024xf32, #tpu.memory_space<hbm>>) dst(%arg17 : memref<8x1024xf32, #tpu.memory_space<vmem>>)
      %mul3A_134 = arith.constant 8 : i32
      %mul3A_135 = arith.muli %add3A_121, %mul3A_134 : i32
      %add3A_136 = arith.addi %mul3A_2, %mul3A_135 : i32
      %dma_start3A_137 = arith.constant 0 : i32
      %dma_start3A_138 = tpu.memref_slice %arg6[%add3A_136, %dma_start3A_137] : memref<4096x3200xf32, #tpu.memory_space<hbm>> -> memref<8x1024xf32, #tpu.memory_space<hbm>>
      %dma_start3A_139 = arith.constant 0 : i32
      %dma_start3A_140 = tpu.memref_slice %arg6[%add3A_136, %dma_start3A_139] : memref<4096x3200xf32, #tpu.memory_space<hbm>> -> memref<8x1024xf32, #tpu.memory_space<hbm>>
      tpu.enqueue_dma source(%arg13 : memref<8x1024xf32, #tpu.memory_space<vmem>>) target(%dma_start3A_140 : memref<8x1024xf32, #tpu.memory_space<hbm>>) target_semaphore(%arg25 : memref<!tpu.dma_semaphore, #tpu.memory_space<semaphore_mem>>)
      %dma_start3A_141 = arith.constant 1024 : i32
      %dma_start3A_142 = tpu.memref_slice %arg6[%add3A_136, %dma_start3A_141] : memref<4096x3200xf32, #tpu.memory_space<hbm>> -> memref<8x1024xf32, #tpu.memory_space<hbm>>
      %dma_start3A_143 = arith.constant 1024 : i32
      %dma_start3A_144 = tpu.memref_slice %arg6[%add3A_136, %dma_start3A_143] : memref<4096x3200xf32, #tpu.memory_space<hbm>> -> memref<8x1024xf32, #tpu.memory_space<hbm>>
      tpu.enqueue_dma source(%arg17 : memref<8x1024xf32, #tpu.memory_space<vmem>>) target(%dma_start3A_144 : memref<8x1024xf32, #tpu.memory_space<hbm>>) target_semaphore(%arg25 : memref<!tpu.dma_semaphore, #tpu.memory_space<semaphore_mem>>)
      %add3A_145 = arith.constant 3 : i32
      %add3A_146 = arith.addi %add3A_121, %add3A_145 : i32
      %lt3A_147 = arith.constant 16 : i32
      %lt3A_148 = arith.cmpi slt, %add3A_146, %lt3A_147 : i32
      %convert_element_type3A_149 = arith.extui %lt3A_148 : i1 to i32
      %cond3A_150 = arith.constant 0 : i32
      %cond3A_151 = arith.cmpi ne, %convert_element_type3A_149, %cond3A_150 : i32
      scf.if %cond3A_151 {
        %gt3A = arith.constant 0 : i32
        %gt3A_221 = arith.cmpi sgt, %add3A_121, %gt3A : i32
        %convert_element_type3A_222 = arith.extui %gt3A_221 : i1 to i32
        %cond3A_223 = arith.constant 0 : i32
        %cond3A_224 = arith.cmpi ne, %convert_element_type3A_222, %cond3A_223 : i32
        scf.if %cond3A_224 {
          %dma_wait3A_237 = arith.constant 0 : i32
          %dma_wait3A_238 = tpu.memref_slice %arg6[%mul3A_2, %dma_wait3A_237] : memref<4096x3200xf32, #tpu.memory_space<hbm>> -> memref<8x1024xf32, #tpu.memory_space<hbm>>
          %dma_wait3A_239 = arith.constant 0 : i32
          %dma_wait3A_240 = tpu.memref_slice %arg6[%mul3A_2, %dma_wait3A_239] : memref<4096x3200xf32, #tpu.memory_space<hbm>> -> memref<8x1024xf32, #tpu.memory_space<hbm>>
          tpu.wait_dma2 semaphore(%arg24 : memref<!tpu.dma_semaphore, #tpu.memory_space<semaphore_mem>>) src(%arg12 : memref<8x1024xf32, #tpu.memory_space<vmem>>) dst(%dma_wait3A_240 : memref<8x1024xf32, #tpu.memory_space<hbm>>)
          %dma_wait3A_241 = arith.constant 1024 : i32
          %dma_wait3A_242 = tpu.memref_slice %arg6[%mul3A_2, %dma_wait3A_241] : memref<4096x3200xf32, #tpu.memory_space<hbm>> -> memref<8x1024xf32, #tpu.memory_space<hbm>>
          %dma_wait3A_243 = arith.constant 1024 : i32
          %dma_wait3A_244 = tpu.memref_slice %arg6[%mul3A_2, %dma_wait3A_243] : memref<4096x3200xf32, #tpu.memory_space<hbm>> -> memref<8x1024xf32, #tpu.memory_space<hbm>>
          tpu.wait_dma2 semaphore(%arg24 : memref<!tpu.dma_semaphore, #tpu.memory_space<semaphore_mem>>) src(%arg16 : memref<8x1024xf32, #tpu.memory_space<vmem>>) dst(%dma_wait3A_244 : memref<8x1024xf32, #tpu.memory_space<hbm>>)
        } else {
        }
        %add3A_225 = arith.constant 3 : i32
        %add3A_226 = arith.addi %add3A_121, %add3A_225 : i32
        %mul3A_227 = arith.constant 8 : i32
        %mul3A_228 = arith.muli %add3A_226, %mul3A_227 : i32
        %dma_start3A_229 = tpu.memref_slice %arg8[%mul3A_228] : memref<128xi32, #tpu.memory_space<vmem>> -> memref<8xi32, #tpu.memory_space<vmem>>
        %dma_start3A_230 = arith.constant 0 : i32
        %dma_start3A_231 = arith.constant 0 : i32
        %dma_start3A_232 = tpu.memref_slice %arg2[%dma_start3A_230, %dma_start3A_231] : memref<4096x1024xf32, #tpu.memory_space<hbm>> -> memref<4096x1024xf32, #tpu.memory_space<hbm>>
        tpu.enqueue_indirect_dma source(%dma_start3A_232 : memref<4096x1024xf32, #tpu.memory_space<hbm>>) target(%arg12 : memref<8x1024xf32, #tpu.memory_space<vmem>>) offsets(%dma_start3A_229 : memref<8xi32, #tpu.memory_space<vmem>>) semaphore(%arg20 : memref<!tpu.dma_semaphore, #tpu.memory_space<semaphore_mem>>)
        %dma_start3A_233 = tpu.memref_slice %arg9[%mul3A_228] : memref<128xi32, #tpu.memory_space<vmem>> -> memref<8xi32, #tpu.memory_space<vmem>>
        %dma_start3A_234 = arith.constant 0 : i32
        %dma_start3A_235 = arith.constant 0 : i32
        %dma_start3A_236 = tpu.memref_slice %arg2[%dma_start3A_234, %dma_start3A_235] : memref<4096x1024xf32, #tpu.memory_space<hbm>> -> memref<4096x1024xf32, #tpu.memory_space<hbm>>
        tpu.enqueue_indirect_dma source(%dma_start3A_236 : memref<4096x1024xf32, #tpu.memory_space<hbm>>) target(%arg16 : memref<8x1024xf32, #tpu.memory_space<vmem>>) offsets(%dma_start3A_233 : memref<8xi32, #tpu.memory_space<vmem>>) semaphore(%arg20 : memref<!tpu.dma_semaphore, #tpu.memory_space<semaphore_mem>>)
      } else {
      }
      %mul3A_152 = arith.constant 4 : i32
      %mul3A_153 = arith.muli %mul3A_152, %scan3A_85 : i32
      %add3A_154 = arith.constant 2 : i32
      %add3A_155 = arith.addi %mul3A_153, %add3A_154 : i32
      %dma_wait3A_156 = arith.constant 0 : i32
      %dma_wait3A_157 = arith.constant 0 : i32
      %dma_wait3A_158 = tpu.memref_slice %arg2[%dma_wait3A_156, %dma_wait3A_157] : memref<4096x1024xf32, #tpu.memory_space<hbm>> -> memref<8x1024xf32, #tpu.memory_space<hbm>>
      %dma_wait3A_159 = arith.constant 0 : i32
      %dma_wait3A_160 = arith.constant 0 : i32
      %dma_wait3A_161 = tpu.memref_slice %arg2[%dma_wait3A_159, %dma_wait3A_160] : memref<4096x1024xf32, #tpu.memory_space<hbm>> -> memref<8x1024xf32, #tpu.memory_space<hbm>>
      tpu.wait_dma2 semaphore(%arg22 : memref<!tpu.dma_semaphore, #tpu.memory_space<semaphore_mem>>) src(%dma_wait3A_161 : memref<8x1024xf32, #tpu.memory_space<hbm>>) dst(%arg14 : memref<8x1024xf32, #tpu.memory_space<vmem>>)
      %dma_wait3A_162 = arith.constant 0 : i32
      %dma_wait3A_163 = arith.constant 0 : i32
      %dma_wait3A_164 = tpu.memref_slice %arg2[%dma_wait3A_162, %dma_wait3A_163] : memref<4096x1024xf32, #tpu.memory_space<hbm>> -> memref<8x1024xf32, #tpu.memory_space<hbm>>
      %dma_wait3A_165 = arith.constant 0 : i32
      %dma_wait3A_166 = arith.constant 0 : i32
      %dma_wait3A_167 = tpu.memref_slice %arg2[%dma_wait3A_165, %dma_wait3A_166] : memref<4096x1024xf32, #tpu.memory_space<hbm>> -> memref<8x1024xf32, #tpu.memory_space<hbm>>
      tpu.wait_dma2 semaphore(%arg22 : memref<!tpu.dma_semaphore, #tpu.memory_space<semaphore_mem>>) src(%dma_wait3A_167 : memref<8x1024xf32, #tpu.memory_space<hbm>>) dst(%arg18 : memref<8x1024xf32, #tpu.memory_space<vmem>>)
      %mul3A_168 = arith.constant 8 : i32
      %mul3A_169 = arith.muli %add3A_155, %mul3A_168 : i32
      %add3A_170 = arith.addi %mul3A_2, %mul3A_169 : i32
      %dma_start3A_171 = arith.constant 0 : i32
      %dma_start3A_172 = tpu.memref_slice %arg6[%add3A_170, %dma_start3A_171] : memref<4096x3200xf32, #tpu.memory_space<hbm>> -> memref<8x1024xf32, #tpu.memory_space<hbm>>
      %dma_start3A_173 = arith.constant 0 : i32
      %dma_start3A_174 = tpu.memref_slice %arg6[%add3A_170, %dma_start3A_173] : memref<4096x3200xf32, #tpu.memory_space<hbm>> -> memref<8x1024xf32, #tpu.memory_space<hbm>>
      tpu.enqueue_dma source(%arg14 : memref<8x1024xf32, #tpu.memory_space<vmem>>) target(%dma_start3A_174 : memref<8x1024xf32, #tpu.memory_space<hbm>>) target_semaphore(%arg26 : memref<!tpu.dma_semaphore, #tpu.memory_space<semaphore_mem>>)
      %dma_start3A_175 = arith.constant 1024 : i32
      %dma_start3A_176 = tpu.memref_slice %arg6[%add3A_170, %dma_start3A_175] : memref<4096x3200xf32, #tpu.memory_space<hbm>> -> memref<8x1024xf32, #tpu.memory_space<hbm>>
      %dma_start3A_177 = arith.constant 1024 : i32
      %dma_start3A_178 = tpu.memref_slice %arg6[%add3A_170, %dma_start3A_177] : memref<4096x3200xf32, #tpu.memory_space<hbm>> -> memref<8x1024xf32, #tpu.memory_space<hbm>>
      tpu.enqueue_dma source(%arg18 : memref<8x1024xf32, #tpu.memory_space<vmem>>) target(%dma_start3A_178 : memref<8x1024xf32, #tpu.memory_space<hbm>>) target_semaphore(%arg26 : memref<!tpu.dma_semaphore, #tpu.memory_space<semaphore_mem>>)
      %add3A_179 = arith.constant 3 : i32
      %add3A_180 = arith.addi %add3A_155, %add3A_179 : i32
      %lt3A_181 = arith.constant 16 : i32
      %lt3A_182 = arith.cmpi slt, %add3A_180, %lt3A_181 : i32
      %convert_element_type3A_183 = arith.extui %lt3A_182 : i1 to i32
      %cond3A_184 = arith.constant 0 : i32
      %cond3A_185 = arith.cmpi ne, %convert_element_type3A_183, %cond3A_184 : i32
      scf.if %cond3A_185 {
        %gt3A = arith.constant 0 : i32
        %gt3A_221 = arith.cmpi sgt, %add3A_155, %gt3A : i32
        %convert_element_type3A_222 = arith.extui %gt3A_221 : i1 to i32
        %cond3A_223 = arith.constant 0 : i32
        %cond3A_224 = arith.cmpi ne, %convert_element_type3A_222, %cond3A_223 : i32
        scf.if %cond3A_224 {
          %dma_wait3A_237 = arith.constant 0 : i32
          %dma_wait3A_238 = tpu.memref_slice %arg6[%mul3A_2, %dma_wait3A_237] : memref<4096x3200xf32, #tpu.memory_space<hbm>> -> memref<8x1024xf32, #tpu.memory_space<hbm>>
          %dma_wait3A_239 = arith.constant 0 : i32
          %dma_wait3A_240 = tpu.memref_slice %arg6[%mul3A_2, %dma_wait3A_239] : memref<4096x3200xf32, #tpu.memory_space<hbm>> -> memref<8x1024xf32, #tpu.memory_space<hbm>>
          tpu.wait_dma2 semaphore(%arg25 : memref<!tpu.dma_semaphore, #tpu.memory_space<semaphore_mem>>) src(%arg13 : memref<8x1024xf32, #tpu.memory_space<vmem>>) dst(%dma_wait3A_240 : memref<8x1024xf32, #tpu.memory_space<hbm>>)
          %dma_wait3A_241 = arith.constant 1024 : i32
          %dma_wait3A_242 = tpu.memref_slice %arg6[%mul3A_2, %dma_wait3A_241] : memref<4096x3200xf32, #tpu.memory_space<hbm>> -> memref<8x1024xf32, #tpu.memory_space<hbm>>
          %dma_wait3A_243 = arith.constant 1024 : i32
          %dma_wait3A_244 = tpu.memref_slice %arg6[%mul3A_2, %dma_wait3A_243] : memref<4096x3200xf32, #tpu.memory_space<hbm>> -> memref<8x1024xf32, #tpu.memory_space<hbm>>
          tpu.wait_dma2 semaphore(%arg25 : memref<!tpu.dma_semaphore, #tpu.memory_space<semaphore_mem>>) src(%arg17 : memref<8x1024xf32, #tpu.memory_space<vmem>>) dst(%dma_wait3A_244 : memref<8x1024xf32, #tpu.memory_space<hbm>>)
        } else {
        }
        %add3A_225 = arith.constant 3 : i32
        %add3A_226 = arith.addi %add3A_155, %add3A_225 : i32
        %mul3A_227 = arith.constant 8 : i32
        %mul3A_228 = arith.muli %add3A_226, %mul3A_227 : i32
        %dma_start3A_229 = tpu.memref_slice %arg8[%mul3A_228] : memref<128xi32, #tpu.memory_space<vmem>> -> memref<8xi32, #tpu.memory_space<vmem>>
        %dma_start3A_230 = arith.constant 0 : i32
        %dma_start3A_231 = arith.constant 0 : i32
        %dma_start3A_232 = tpu.memref_slice %arg2[%dma_start3A_230, %dma_start3A_231] : memref<4096x1024xf32, #tpu.memory_space<hbm>> -> memref<4096x1024xf32, #tpu.memory_space<hbm>>
        tpu.enqueue_indirect_dma source(%dma_start3A_232 : memref<4096x1024xf32, #tpu.memory_space<hbm>>) target(%arg13 : memref<8x1024xf32, #tpu.memory_space<vmem>>) offsets(%dma_start3A_229 : memref<8xi32, #tpu.memory_space<vmem>>) semaphore(%arg21 : memref<!tpu.dma_semaphore, #tpu.memory_space<semaphore_mem>>)
        %dma_start3A_233 = tpu.memref_slice %arg9[%mul3A_228] : memref<128xi32, #tpu.memory_space<vmem>> -> memref<8xi32, #tpu.memory_space<vmem>>
        %dma_start3A_234 = arith.constant 0 : i32
        %dma_start3A_235 = arith.constant 0 : i32
        %dma_start3A_236 = tpu.memref_slice %arg2[%dma_start3A_234, %dma_start3A_235] : memref<4096x1024xf32, #tpu.memory_space<hbm>> -> memref<4096x1024xf32, #tpu.memory_space<hbm>>
        tpu.enqueue_indirect_dma source(%dma_start3A_236 : memref<4096x1024xf32, #tpu.memory_space<hbm>>) target(%arg17 : memref<8x1024xf32, #tpu.memory_space<vmem>>) offsets(%dma_start3A_233 : memref<8xi32, #tpu.memory_space<vmem>>) semaphore(%arg21 : memref<!tpu.dma_semaphore, #tpu.memory_space<semaphore_mem>>)
      } else {
      }
      %mul3A_186 = arith.constant 4 : i32
      %mul3A_187 = arith.muli %mul3A_186, %scan3A_85 : i32
      %add3A_188 = arith.constant 3 : i32
      %add3A_189 = arith.addi %mul3A_187, %add3A_188 : i32
      %dma_wait3A_190 = arith.constant 0 : i32
      %dma_wait3A_191 = arith.constant 0 : i32
      %dma_wait3A_192 = tpu.memref_slice %arg2[%dma_wait3A_190, %dma_wait3A_191] : memref<4096x1024xf32, #tpu.memory_space<hbm>> -> memref<8x1024xf32, #tpu.memory_space<hbm>>
      %dma_wait3A_193 = arith.constant 0 : i32
      %dma_wait3A_194 = arith.constant 0 : i32
      %dma_wait3A_195 = tpu.memref_slice %arg2[%dma_wait3A_193, %dma_wait3A_194] : memref<4096x1024xf32, #tpu.memory_space<hbm>> -> memref<8x1024xf32, #tpu.memory_space<hbm>>
      tpu.wait_dma2 semaphore(%arg23 : memref<!tpu.dma_semaphore, #tpu.memory_space<semaphore_mem>>) src(%dma_wait3A_195 : memref<8x1024xf32, #tpu.memory_space<hbm>>) dst(%arg15 : memref<8x1024xf32, #tpu.memory_space<vmem>>)
      %dma_wait3A_196 = arith.constant 0 : i32
      %dma_wait3A_197 = arith.constant 0 : i32
      %dma_wait3A_198 = tpu.memref_slice %arg2[%dma_wait3A_196, %dma_wait3A_197] : memref<4096x1024xf32, #tpu.memory_space<hbm>> -> memref<8x1024xf32, #tpu.memory_space<hbm>>
      %dma_wait3A_199 = arith.constant 0 : i32
      %dma_wait3A_200 = arith.constant 0 : i32
      %dma_wait3A_201 = tpu.memref_slice %arg2[%dma_wait3A_199, %dma_wait3A_200] : memref<4096x1024xf32, #tpu.memory_space<hbm>> -> memref<8x1024xf32, #tpu.memory_space<hbm>>
      tpu.wait_dma2 semaphore(%arg23 : memref<!tpu.dma_semaphore, #tpu.memory_space<semaphore_mem>>) src(%dma_wait3A_201 : memref<8x1024xf32, #tpu.memory_space<hbm>>) dst(%arg19 : memref<8x1024xf32, #tpu.memory_space<vmem>>)
      %mul3A_202 = arith.constant 8 : i32
      %mul3A_203 = arith.muli %add3A_189, %mul3A_202 : i32
      %add3A_204 = arith.addi %mul3A_2, %mul3A_203 : i32
      %dma_start3A_205 = arith.constant 0 : i32
      %dma_start3A_206 = tpu.memref_slice %arg6[%add3A_204, %dma_start3A_205] : memref<4096x3200xf32, #tpu.memory_space<hbm>> -> memref<8x1024xf32, #tpu.memory_space<hbm>>
      %dma_start3A_207 = arith.constant 0 : i32
      %dma_start3A_208 = tpu.memref_slice %arg6[%add3A_204, %dma_start3A_207] : memref<4096x3200xf32, #tpu.memory_space<hbm>> -> memref<8x1024xf32, #tpu.memory_space<hbm>>
      tpu.enqueue_dma source(%arg15 : memref<8x1024xf32, #tpu.memory_space<vmem>>) target(%dma_start3A_208 : memref<8x1024xf32, #tpu.memory_space<hbm>>) target_semaphore(%arg27 : memref<!tpu.dma_semaphore, #tpu.memory_space<semaphore_mem>>)
      %dma_start3A_209 = arith.constant 1024 : i32
      %dma_start3A_210 = tpu.memref_slice %arg6[%add3A_204, %dma_start3A_209] : memref<4096x3200xf32, #tpu.memory_space<hbm>> -> memref<8x1024xf32, #tpu.memory_space<hbm>>
      %dma_start3A_211 = arith.constant 1024 : i32
      %dma_start3A_212 = tpu.memref_slice %arg6[%add3A_204, %dma_start3A_211] : memref<4096x3200xf32, #tpu.memory_space<hbm>> -> memref<8x1024xf32, #tpu.memory_space<hbm>>
      tpu.enqueue_dma source(%arg19 : memref<8x1024xf32, #tpu.memory_space<vmem>>) target(%dma_start3A_212 : memref<8x1024xf32, #tpu.memory_space<hbm>>) target_semaphore(%arg27 : memref<!tpu.dma_semaphore, #tpu.memory_space<semaphore_mem>>)
      %add3A_213 = arith.constant 3 : i32
      %add3A_214 = arith.addi %add3A_189, %add3A_213 : i32
      %lt3A_215 = arith.constant 16 : i32
      %lt3A_216 = arith.cmpi slt, %add3A_214, %lt3A_215 : i32
      %convert_element_type3A_217 = arith.extui %lt3A_216 : i1 to i32
      %cond3A_218 = arith.constant 0 : i32
      %cond3A_219 = arith.cmpi ne, %convert_element_type3A_217, %cond3A_218 : i32
      scf.if %cond3A_219 {
        %gt3A = arith.constant 0 : i32
        %gt3A_221 = arith.cmpi sgt, %add3A_189, %gt3A : i32
        %convert_element_type3A_222 = arith.extui %gt3A_221 : i1 to i32
        %cond3A_223 = arith.constant 0 : i32
        %cond3A_224 = arith.cmpi ne, %convert_element_type3A_222, %cond3A_223 : i32
        scf.if %cond3A_224 {
          %dma_wait3A_237 = arith.constant 0 : i32
          %dma_wait3A_238 = tpu.memref_slice %arg6[%mul3A_2, %dma_wait3A_237] : memref<4096x3200xf32, #tpu.memory_space<hbm>> -> memref<8x1024xf32, #tpu.memory_space<hbm>>
          %dma_wait3A_239 = arith.constant 0 : i32
          %dma_wait3A_240 = tpu.memref_slice %arg6[%mul3A_2, %dma_wait3A_239] : memref<4096x3200xf32, #tpu.memory_space<hbm>> -> memref<8x1024xf32, #tpu.memory_space<hbm>>
          tpu.wait_dma2 semaphore(%arg26 : memref<!tpu.dma_semaphore, #tpu.memory_space<semaphore_mem>>) src(%arg14 : memref<8x1024xf32, #tpu.memory_space<vmem>>) dst(%dma_wait3A_240 : memref<8x1024xf32, #tpu.memory_space<hbm>>)
          %dma_wait3A_241 = arith.constant 1024 : i32
          %dma_wait3A_242 = tpu.memref_slice %arg6[%mul3A_2, %dma_wait3A_241] : memref<4096x3200xf32, #tpu.memory_space<hbm>> -> memref<8x1024xf32, #tpu.memory_space<hbm>>
          %dma_wait3A_243 = arith.constant 1024 : i32
          %dma_wait3A_244 = tpu.memref_slice %arg6[%mul3A_2, %dma_wait3A_243] : memref<4096x3200xf32, #tpu.memory_space<hbm>> -> memref<8x1024xf32, #tpu.memory_space<hbm>>
          tpu.wait_dma2 semaphore(%arg26 : memref<!tpu.dma_semaphore, #tpu.memory_space<semaphore_mem>>) src(%arg18 : memref<8x1024xf32, #tpu.memory_space<vmem>>) dst(%dma_wait3A_244 : memref<8x1024xf32, #tpu.memory_space<hbm>>)
        } else {
        }
        %add3A_225 = arith.constant 3 : i32
        %add3A_226 = arith.addi %add3A_189, %add3A_225 : i32
        %mul3A_227 = arith.constant 8 : i32
        %mul3A_228 = arith.muli %add3A_226, %mul3A_227 : i32
        %dma_start3A_229 = tpu.memref_slice %arg8[%mul3A_228] : memref<128xi32, #tpu.memory_space<vmem>> -> memref<8xi32, #tpu.memory_space<vmem>>
        %dma_start3A_230 = arith.constant 0 : i32
        %dma_start3A_231 = arith.constant 0 : i32
        %dma_start3A_232 = tpu.memref_slice %arg2[%dma_start3A_230, %dma_start3A_231] : memref<4096x1024xf32, #tpu.memory_space<hbm>> -> memref<4096x1024xf32, #tpu.memory_space<hbm>>
        tpu.enqueue_indirect_dma source(%dma_start3A_232 : memref<4096x1024xf32, #tpu.memory_space<hbm>>) target(%arg14 : memref<8x1024xf32, #tpu.memory_space<vmem>>) offsets(%dma_start3A_229 : memref<8xi32, #tpu.memory_space<vmem>>) semaphore(%arg22 : memref<!tpu.dma_semaphore, #tpu.memory_space<semaphore_mem>>)
        %dma_start3A_233 = tpu.memref_slice %arg9[%mul3A_228] : memref<128xi32, #tpu.memory_space<vmem>> -> memref<8xi32, #tpu.memory_space<vmem>>
        %dma_start3A_234 = arith.constant 0 : i32
        %dma_start3A_235 = arith.constant 0 : i32
        %dma_start3A_236 = tpu.memref_slice %arg2[%dma_start3A_234, %dma_start3A_235] : memref<4096x1024xf32, #tpu.memory_space<hbm>> -> memref<4096x1024xf32, #tpu.memory_space<hbm>>
        tpu.enqueue_indirect_dma source(%dma_start3A_236 : memref<4096x1024xf32, #tpu.memory_space<hbm>>) target(%arg18 : memref<8x1024xf32, #tpu.memory_space<vmem>>) offsets(%dma_start3A_233 : memref<8xi32, #tpu.memory_space<vmem>>) semaphore(%arg22 : memref<!tpu.dma_semaphore, #tpu.memory_space<semaphore_mem>>)
      } else {
      }
      %scan3A_220 = arith.constant 0 : i32
      scf.yield %scan3A_220 : i32
    }
    %scan3A_48 = arith.constant 4 : i32
    %dma_wait3A_49 = arith.constant 0 : i32
    %dma_wait3A_50 = tpu.memref_slice %arg6[%mul3A_2, %dma_wait3A_49] : memref<4096x3200xf32, #tpu.memory_space<hbm>> -> memref<8x1024xf32, #tpu.memory_space<hbm>>
    %dma_wait3A_51 = arith.constant 0 : i32
    %dma_wait3A_52 = tpu.memref_slice %arg6[%mul3A_2, %dma_wait3A_51] : memref<4096x3200xf32, #tpu.memory_space<hbm>> -> memref<8x1024xf32, #tpu.memory_space<hbm>>
    tpu.wait_dma2 semaphore(%arg24 : memref<!tpu.dma_semaphore, #tpu.memory_space<semaphore_mem>>) src(%arg12 : memref<8x1024xf32, #tpu.memory_space<vmem>>) dst(%dma_wait3A_52 : memref<8x1024xf32, #tpu.memory_space<hbm>>)
    %dma_wait3A_53 = arith.constant 1024 : i32
    %dma_wait3A_54 = tpu.memref_slice %arg6[%mul3A_2, %dma_wait3A_53] : memref<4096x3200xf32, #tpu.memory_space<hbm>> -> memref<8x1024xf32, #tpu.memory_space<hbm>>
    %dma_wait3A_55 = arith.constant 1024 : i32
    %dma_wait3A_56 = tpu.memref_slice %arg6[%mul3A_2, %dma_wait3A_55] : memref<4096x3200xf32, #tpu.memory_space<hbm>> -> memref<8x1024xf32, #tpu.memory_space<hbm>>
    tpu.wait_dma2 semaphore(%arg24 : memref<!tpu.dma_semaphore, #tpu.memory_space<semaphore_mem>>) src(%arg16 : memref<8x1024xf32, #tpu.memory_space<vmem>>) dst(%dma_wait3A_56 : memref<8x1024xf32, #tpu.memory_space<hbm>>)
    %dma_wait3A_57 = arith.constant 0 : i32
    %dma_wait3A_58 = tpu.memref_slice %arg6[%mul3A_2, %dma_wait3A_57] : memref<4096x3200xf32, #tpu.memory_space<hbm>> -> memref<8x1024xf32, #tpu.memory_space<hbm>>
    %dma_wait3A_59 = arith.constant 0 : i32
    %dma_wait3A_60 = tpu.memref_slice %arg6[%mul3A_2, %dma_wait3A_59] : memref<4096x3200xf32, #tpu.memory_space<hbm>> -> memref<8x1024xf32, #tpu.memory_space<hbm>>
    tpu.wait_dma2 semaphore(%arg25 : memref<!tpu.dma_semaphore, #tpu.memory_space<semaphore_mem>>) src(%arg13 : memref<8x1024xf32, #tpu.memory_space<vmem>>) dst(%dma_wait3A_60 : memref<8x1024xf32, #tpu.memory_space<hbm>>)
    %dma_wait3A_61 = arith.constant 1024 : i32
    %dma_wait3A_62 = tpu.memref_slice %arg6[%mul3A_2, %dma_wait3A_61] : memref<4096x3200xf32, #tpu.memory_space<hbm>> -> memref<8x1024xf32, #tpu.memory_space<hbm>>
    %dma_wait3A_63 = arith.constant 1024 : i32
    %dma_wait3A_64 = tpu.memref_slice %arg6[%mul3A_2, %dma_wait3A_63] : memref<4096x3200xf32, #tpu.memory_space<hbm>> -> memref<8x1024xf32, #tpu.memory_space<hbm>>
    tpu.wait_dma2 semaphore(%arg25 : memref<!tpu.dma_semaphore, #tpu.memory_space<semaphore_mem>>) src(%arg17 : memref<8x1024xf32, #tpu.memory_space<vmem>>) dst(%dma_wait3A_64 : memref<8x1024xf32, #tpu.memory_space<hbm>>)
    %dma_wait3A_65 = arith.constant 0 : i32
    %dma_wait3A_66 = tpu.memref_slice %arg6[%mul3A_2, %dma_wait3A_65] : memref<4096x3200xf32, #tpu.memory_space<hbm>> -> memref<8x1024xf32, #tpu.memory_space<hbm>>
    %dma_wait3A_67 = arith.constant 0 : i32
    %dma_wait3A_68 = tpu.memref_slice %arg6[%mul3A_2, %dma_wait3A_67] : memref<4096x3200xf32, #tpu.memory_space<hbm>> -> memref<8x1024xf32, #tpu.memory_space<hbm>>
    tpu.wait_dma2 semaphore(%arg26 : memref<!tpu.dma_semaphore, #tpu.memory_space<semaphore_mem>>) src(%arg14 : memref<8x1024xf32, #tpu.memory_space<vmem>>) dst(%dma_wait3A_68 : memref<8x1024xf32, #tpu.memory_space<hbm>>)
    %dma_wait3A_69 = arith.constant 1024 : i32
    %dma_wait3A_70 = tpu.memref_slice %arg6[%mul3A_2, %dma_wait3A_69] : memref<4096x3200xf32, #tpu.memory_space<hbm>> -> memref<8x1024xf32, #tpu.memory_space<hbm>>
    %dma_wait3A_71 = arith.constant 1024 : i32
    %dma_wait3A_72 = tpu.memref_slice %arg6[%mul3A_2, %dma_wait3A_71] : memref<4096x3200xf32, #tpu.memory_space<hbm>> -> memref<8x1024xf32, #tpu.memory_space<hbm>>
    tpu.wait_dma2 semaphore(%arg26 : memref<!tpu.dma_semaphore, #tpu.memory_space<semaphore_mem>>) src(%arg18 : memref<8x1024xf32, #tpu.memory_space<vmem>>) dst(%dma_wait3A_72 : memref<8x1024xf32, #tpu.memory_space<hbm>>)
    %dma_wait3A_73 = arith.constant 0 : i32
    %dma_wait3A_74 = tpu.memref_slice %arg6[%mul3A_2, %dma_wait3A_73] : memref<4096x3200xf32, #tpu.memory_space<hbm>> -> memref<8x1024xf32, #tpu.memory_space<hbm>>
    %dma_wait3A_75 = arith.constant 0 : i32
    %dma_wait3A_76 = tpu.memref_slice %arg6[%mul3A_2, %dma_wait3A_75] : memref<4096x3200xf32, #tpu.memory_space<hbm>> -> memref<8x1024xf32, #tpu.memory_space<hbm>>
    tpu.wait_dma2 semaphore(%arg27 : memref<!tpu.dma_semaphore, #tpu.memory_space<semaphore_mem>>) src(%arg15 : memref<8x1024xf32, #tpu.memory_space<vmem>>) dst(%dma_wait3A_76 : memref<8x1024xf32, #tpu.memory_space<hbm>>)
    %dma_wait3A_77 = arith.constant 1024 : i32
    %dma_wait3A_78 = tpu.memref_slice %arg6[%mul3A_2, %dma_wait3A_77] : memref<4096x3200xf32, #tpu.memory_space<hbm>> -> memref<8x1024xf32, #tpu.memory_space<hbm>>
    %dma_wait3A_79 = arith.constant 1024 : i32
    %dma_wait3A_80 = tpu.memref_slice %arg6[%mul3A_2, %dma_wait3A_79] : memref<4096x3200xf32, #tpu.memory_space<hbm>> -> memref<8x1024xf32, #tpu.memory_space<hbm>>
    tpu.wait_dma2 semaphore(%arg27 : memref<!tpu.dma_semaphore, #tpu.memory_space<semaphore_mem>>) src(%arg19 : memref<8x1024xf32, #tpu.memory_space<vmem>>) dst(%dma_wait3A_80 : memref<8x1024xf32, #tpu.memory_space<hbm>>)
    %dma_wait3A_81 = arith.constant 2048 : i32
    %dma_wait3A_82 = tpu.memref_slice %arg6[%mul3A_2, %dma_wait3A_81] : memref<4096x3200xf32, #tpu.memory_space<hbm>> -> memref<128x128xf32, #tpu.memory_space<hbm>>
    %dma_wait3A_83 = arith.constant 2048 : i32
    %dma_wait3A_84 = tpu.memref_slice %arg6[%mul3A_2, %dma_wait3A_83] : memref<4096x3200xf32, #tpu.memory_space<hbm>> -> memref<128x128xf32, #tpu.memory_space<hbm>>
    tpu.wait_dma2 semaphore(%arg28 : memref<!tpu.dma_semaphore, #tpu.memory_space<semaphore_mem>>) src(%arg11 : memref<128x128xf32, #tpu.memory_space<vmem>>) dst(%dma_wait3A_84 : memref<128x128xf32, #tpu.memory_space<hbm>>)
    return
  }
}

module attributes {stable_mosaic.version = 14 : i64} {
  func.func @_prefix_body(%arg0: i32, %arg1: memref<512x1024xf32, #tpu.memory_space<vmem>>, %arg2: memref<512x1024xf32, #tpu.memory_space<vmem>>, %arg3: memref<1x1024xf32, #tpu.memory_space<vmem>>, %arg4: memref<1x1xf32, #tpu.memory_space<vmem>>, %arg5: memref<512x1152xf32, #tpu.memory_space<vmem>>, %arg6: memref<1x1152xf32, #tpu.memory_space<vmem>>) attributes {dimension_semantics = [#tpu.dimension_semantics<arbitrary>], iteration_bounds = array<i64: 8>, scalar_prefetch = 0 : i64, scratch_operands = 1 : i64, tpu.core_type = #tpu.core_type<tc>, window_params = [{transform_indices = @transform_0, window_bounds = array<i64: 512, 1024>}, {transform_indices = @transform_1, window_bounds = array<i64: 512, 1024>}, {pipeline_mode = #tpu.pipeline_mode<synchronous>, transform_indices = @transform_2, window_bounds = array<i64: 1, 1024>}, {pipeline_mode = #tpu.pipeline_mode<synchronous>, transform_indices = @transform_3, window_bounds = array<i64: 1, 1>}, {transform_indices = @transform_4, window_bounds = array<i64: 512, 1152>}]} {
    %eq3A = arith.constant 0 : i32
    %eq3A_0 = arith.cmpi eq, %arg0, %eq3A : i32
    %convert_element_type3A = arith.extui %eq3A_0 : i1 to i32
    %cond3A = arith.constant 0 : i32
    %cond3A_1 = arith.cmpi ne, %convert_element_type3A, %cond3A : i32
    scf.if %cond3A_1 {
      %broadcast_in_dim3A_42 = arith.constant 0.000000e+00 : f32
      %broadcast_in_dim3A_43 = vector.broadcast %broadcast_in_dim3A_42 : f32 to vector<1x1152xf32>
      %swap3A_44 = arith.constant 0 : index
      %swap3A_45 = arith.constant 0 : index
      %swap3A_46 = vector.load %arg6[%swap3A_44, %swap3A_45] : memref<1x1152xf32, #tpu.memory_space<vmem>>, vector<1x1152xf32>
      tpu.vector_store %arg6[%swap3A_44, %swap3A_45], %broadcast_in_dim3A_43 {strides = array<i32>} : memref<1x1152xf32, #tpu.memory_space<vmem>>, vector<1x1152xf32>,
    } else {
    }
    %get3A = arith.constant 0 : index
    %get3A_2 = arith.constant 0 : index
    %get3A_3 = vector.load %arg1[%get3A, %get3A_2] : memref<512x1024xf32, #tpu.memory_space<vmem>>, vector<512x1024xf32>
    %get3A_4 = arith.constant 0 : index
    %get3A_5 = arith.constant 0 : index
    %get3A_6 = vector.load %arg2[%get3A_4, %get3A_5] : memref<512x1024xf32, #tpu.memory_space<vmem>>, vector<512x1024xf32>
    %get3A_7 = arith.constant 0 : index
    %get3A_8 = arith.constant 0 : index
    %get3A_9 = vector.load %arg3[%get3A_7, %get3A_8] : memref<1x1024xf32, #tpu.memory_space<vmem>>, vector<1x1024xf32>
    %get3A_10 = arith.constant 0 : index
    %get3A_11 = arith.constant 0 : index
    %get3A_12 = vector.load %arg4[%get3A_10, %get3A_11] : memref<1x1xf32, #tpu.memory_space<vmem>>, vector<1x1xf32>
    %get3A_13 = vector.extract %get3A_12[0, 0] : f32 from vector<1x1xf32>
    %mul3A = vector.broadcast %get3A_9 : vector<1x1024xf32> to vector<512x1024xf32>
    %mul3A_14 = arith.mulf %get3A_3, %mul3A : vector<512x1024xf32>
    %reduce_sum3A = arith.constant dense<0.000000e+00> : vector<512xf32>
    %reduce_sum3A_15 = vector.multi_reduction <add>, %mul3A_14, %reduce_sum3A [1] : vector<512x1024xf32> to vector<512xf32>
    %broadcast_in_dim3A = vector.shape_cast %reduce_sum3A_15 : vector<512xf32> to vector<512x1xf32>
    %add3A = vector.broadcast %get3A_13 : f32 to vector<512x1xf32>
    %add3A_16 = arith.addf %broadcast_in_dim3A, %add3A : vector<512x1xf32>
    %exp3A = math.exp %add3A_16 : vector<512x1xf32>
    %mul3A_17 = vector.broadcast %exp3A : vector<512x1xf32> to vector<512x1024xf32>
    %mul3A_18 = arith.mulf %mul3A_17, %get3A_6 : vector<512x1024xf32>
    %broadcast_in_dim3A_19 = vector.shape_cast %exp3A : vector<512x1xf32> to vector<512x1xf32>
    %broadcast_in_dim3A_20 = vector.broadcast %broadcast_in_dim3A_19 : vector<512x1xf32> to vector<512x128xf32>
    %concatenate3A = tpu.concatenate %mul3A_18, %broadcast_in_dim3A_20 in 1 : vector<512x1024xf32>, vector<512x128xf32> -> vector<512x1152xf32>
    %iota3A = tpu.iota {dimensions = array<i32: 0>} : vector<512x512xi32>
    %iota3A_21 = tpu.iota {dimensions = array<i32: 1>} : vector<512x512xi32>
    %gt3A = arith.cmpi sgt, %iota3A, %iota3A_21 : vector<512x512xi32>
    %convert_element_type3A_22 = arith.extui %gt3A : vector<512x512xi1> to vector<512x512xi32>
    %convert_element_type3A_23 = arith.sitofp %convert_element_type3A_22 : vector<512x512xi32> to vector<512x512xf32>
    %dot_general3A = arith.constant dense<0.000000e+00> : vector<512x1152xf32>
    %dot_general3A_24 = tpu.matmul %convert_element_type3A_23, %concatenate3A, %dot_general3A {dimension_numbers = #tpu.dot_dimension_numbers<[1], [0], [0], [1], [0, 0, 1, 1], [], []>, transpose_lhs_hint = false} : vector<512x512xf32>, vector<512x1152xf32>, vector<512x1152xf32> -> vector<512x1152xf32>
    %get3A_25 = arith.constant 0 : index
    %get3A_26 = arith.constant 0 : index
    %get3A_27 = vector.load %arg6[%get3A_25, %get3A_26] : memref<1x1152xf32, #tpu.memory_space<vmem>>, vector<1x1152xf32>
    %add3A_28 = vector.broadcast %get3A_27 : vector<1x1152xf32> to vector<512x1152xf32>
    %add3A_29 = arith.addf %dot_general3A_24, %add3A_28 : vector<512x1152xf32>
    %swap3A = arith.constant 0 : index
    %swap3A_30 = arith.constant 0 : index
    %swap3A_31 = vector.load %arg5[%swap3A, %swap3A_30] : memref<512x1152xf32, #tpu.memory_space<vmem>>, vector<512x1152xf32>
    tpu.vector_store %arg5[%swap3A, %swap3A_30], %add3A_29 {strides = array<i32>} : memref<512x1152xf32, #tpu.memory_space<vmem>>, vector<512x1152xf32>,
    %get3A_32 = arith.constant 0 : index
    %get3A_33 = arith.constant 0 : index
    %get3A_34 = vector.load %arg6[%get3A_32, %get3A_33] : memref<1x1152xf32, #tpu.memory_space<vmem>>, vector<1x1152xf32>
    %reduce_sum3A_35 = arith.constant dense<0.000000e+00> : vector<1152xf32>
    %reduce_sum3A_36 = vector.multi_reduction <add>, %concatenate3A, %reduce_sum3A_35 [0] : vector<512x1152xf32> to vector<1152xf32>
    %broadcast_in_dim3A_37 = vector.shape_cast %reduce_sum3A_36 : vector<1152xf32> to vector<1x1152xf32>
    %add3A_38 = arith.addf %get3A_34, %broadcast_in_dim3A_37 : vector<1x1152xf32>
    %swap3A_39 = arith.constant 0 : index
    %swap3A_40 = arith.constant 0 : index
    %swap3A_41 = vector.load %arg6[%swap3A_39, %swap3A_40] : memref<1x1152xf32, #tpu.memory_space<vmem>>, vector<1x1152xf32>
    tpu.vector_store %arg6[%swap3A_39, %swap3A_40], %add3A_38 {strides = array<i32>} : memref<1x1152xf32, #tpu.memory_space<vmem>>, vector<1x1152xf32>,
    return
  }
  func.func @transform_0(%arg0: i32) -> (i32, i32) {
    %c0_i32 = arith.constant 0 : i32
    %c0_i32_0 = arith.constant 0 : i32
    return %arg0, %c0_i32 : i32, i32
  }
  func.func @transform_1(%arg0: i32) -> (i32, i32) {
    %c0_i32 = arith.constant 0 : i32
    %c0_i32_0 = arith.constant 0 : i32
    return %arg0, %c0_i32 : i32, i32
  }
  func.func @transform_2(%arg0: i32) -> (i32, i32) {
    %c0_i32 = arith.constant 0 : i32
    %c0_i32_0 = arith.constant 0 : i32
    %c0_i32_1 = arith.constant 0 : i32
    return %c0_i32, %c0_i32_0 : i32, i32
  }
  func.func @transform_3(%arg0: i32) -> (i32, i32) {
    %c0_i32 = arith.constant 0 : i32
    %c0_i32_0 = arith.constant 0 : i32
    %c0_i32_1 = arith.constant 0 : i32
    return %c0_i32, %c0_i32_0 : i32, i32
  }
  func.func @transform_4(%arg0: i32) -> (i32, i32) {
    %c0_i32 = arith.constant 0 : i32
    %c0_i32_0 = arith.constant 0 : i32
    return %arg0, %c0_i32 : i32, i32
  }
}

</mosaic_0001>

<sc_bundles>
// kernel: kernel.5.cloned.1.call-start
scs
__scs_entry_jumppad:
0x0: {  	(pc) =	sbr.rel $0x88, $3  }
0x1: {  	(tag) =	ssettag $0x0;
	lr =	simm.s32 $0x1  }
0x2: {  	[smem:$0x3F9A] =	sst lr;
	_ =	strace $0xD0000000  }
0x3: {  	_ = 	snop  }
0x4: {  	_ = 	snop  }
0x5: {  	_ = 	snop  }
0x6: {  	_ = 	snop  }
0x7: {  	_ = 	snop  }
__scs_overlays_trampoline_lowered:
0x8: {  	[smem:$0x3FA9] =	sst s0  }
0x9: {  	[smem:$0x3FAA] =	sst s1  }
0xa: {  	[smem:$0x3FAB] =	sst s2  }
0xb: {  	[smem:$0x3FAC] =	sst s3  }
0xc: {  	[smem:$0x3FAD] =	sst s4  }
0xd: {  	[smem:$0x3FAE] =	sst s5  }
0xe: {  	[smem:$0x3FAF] =	sst s6  }
0xf: {  	[smem:$0x3FB0] =	sst s7  }
0x10: {  	[smem:$0x3FB1] =	sst s8  }
0x11: {  	[smem:$0x3FB2] =	sst s9;
	s0 =	simm.s32 @!p0 $0x0  }
0x12: {  	s1 =	sld [smem:$0x3F98];
	s0 =	simm.s32 @p0 $0x1  }
0x13: {  	[smem:$0x3FB3] =	sst s0;
	s0 =	simm.s32 @!p1 $0x0  }
0x14: {  	s2 =	sld [smem:$0x3F97];
	s0 =	simm.s32 @p1 $0x1  }
0x15: {  	[smem:$0x3FB4] =	sst s0;
	s0 =	simm.s32 @!p2 $0x0  }
0x16: {  	s3 =	sld [smem:$0x3FDB];
	s0 =	simm.s32 @p2 $0x1  }
0x17: {  	s4 =	simm.s32 $0x1BF5;
	[smem:$0x3FB6] =	sst s0  }
0x18: {  	s0 =	sld [smem:$0x3F99];
	_ =	swait.ge [sflag:s4], $0x0  }
0x19: {  	s7 =	sld [smem:$0x3F9A]  }
0x1a: {  	s8 =	sadd.s32 $0xFFFFE003, lr  }
0x1b: {  	s9 =	sadd.s32 $0xFFFFFEF7, lr;
	s5 =	simm.s32 $0xFFFFFFFF;
	p2 =	slt.u32 s8, $0xFFFFF086  }
0x1c: {  	p1 =	slt.u32 s9, $0xF7A;
	s5 =	simm.s32 @!p2 $0x0  }
0x1d: {  	s5 =	simm.s32 @p1 $0x1;
	p0 =	seq.s32 s7, s2  }
0x1e: {  	s7 =	smul.u32 @!p0 $0xF7A, s2;
	p2 =	seq.s32 @!p0 s5, $0x0  }
0x1f: {  	s9 =	smul.u32 $0xF7A, s1;
	s8 =	simm.s32 @!p0 $0x1BF5;
	p2 =	por !p2, p0  }
0x20: {  	[sflag:s8] =	ssyncset.s32 @!p0 $0xFFFFF086;
	s6 =	sadd.s32 @!p0 s3, s7;
	s7 =	simm.s32 @!p0 $0x108  }
0x21: {  	s3 =	sadd.s32 s3, s9;
	s6 =	sadd.s32 @!p0 $0x88, s6;
	s7 =	simm.s32 @p2 $0x1082  }
0x22: {  	[simem:s7], [sflag:s8] =	dma.local @!p0 [hbm:s6], $0xF7A  }
0x23: {  	s9 =	sor.u32 $0xD0000000, s2;
	s6 =	simm.s32 $0x108;
	_ =	swait.ge @!p0 [sflag:s8], $0x0  }
0x24: {  	s3 =	sadd.s32 $0x88, s3;
	s6 =	simm.s32 @!p1 $0x1082;
	[sflag:s4] =	ssyncset.s32 $0xFFFFF086  }
0x25: {  	[simem:s6], [sflag:s4] =	dma.local [hbm:s3], $0xF7A  }
0x26: {  	[smem:$0x3F9A] =	sst s1;
	(tag) =	ssettag s2;
	_ =	strace s9  }
0x27: {  	s1 =	sld [smem:$0x3FAA]  }
0x28: {  	s2 =	sld [smem:$0x3FAB]  }
0x29: {  	s4 =	sld [smem:$0x3FAD]  }
0x2a: {  	p0 =	seq.s32 s5, $0x0;
	s5 =	sld [smem:$0x3FAE]  }
0x2b: {  	s6 =	sld [smem:$0x3FAF]  }
0x2c: {  	s7 =	sld [smem:$0x3FB0]  }
0x2d: {  	s3 =	simm.s32 $0x108;
	s8 =	sld [smem:$0x3FB1]  }
0x2e: {  	s3 =	simm.s32 @!p0 $0x1082;
	s9 =	sld [smem:$0x3FB2]  }
0x2f: {  	lr =	sadd.s32 s0, s3;
	s0 =	sld [smem:$0x3FA9]  }
0x30: {  	s3 =	sld [smem:$0x3FAC]  }
0x31: {  	[smem:$0x3FB5] =	sst s10  }
0x32: {  	s10 =	sld [smem:$0x3FB3];
	_ =	sdelay $0x3  }
0x33: {  	p0 =	seq.s32 s10, $0x1;
	s10 =	sld [smem:$0x3FB5];
	_ =	sdelay $0x3  }
0x34: {  	[smem:$0x3FB5] =	sst s10  }
0x35: {  	s10 =	sld [smem:$0x3FB4];
	_ =	sdelay $0x3  }
0x36: {  	p1 =	seq.s32 s10, $0x1;
	s10 =	sld [smem:$0x3FB5];
	_ =	sdelay $0x3  }
0x37: {  	[smem:$0x3FB5] =	sst s10  }
0x38: {  	s10 =	sld [smem:$0x3FB6]  }
0x39: {  	_ = 	snop;
	(pc) =	sbr.ind lr, $3  }
0x3a: {  	_ = 	snop  }
0x3b: {  	_ = 	snop  }
0x3c: {  	p2 =	seq.s32 s10, $0x1;
	s10 =	sld [smem:$0x3FB5]  }
0x3d: {  	_ =	shalt  }
0x3e: {  	_ =	shalt  }
0x3f: {  	_ =	shalt  }
0x40: {  	_ =	shalt  }
0x41: {  	_ =	shalt  }
0x42: {  	_ =	shalt  }
0x43: {  	_ =	shalt  }
0x44: {  	_ =	shalt  }
0x45: {  	_ =	shalt  }
0x46: {  	_ =	shalt  }
0x47: {  	_ =	shalt  }
0x48: {  	_ =	shalt  }
0x49: {  	_ =	shalt  }
0x4a: {  	_ =	shalt  }
0x4b: {  	_ =	shalt  }
0x4c: {  	_ =	shalt  }
0x4d: {  	_ =	shalt  }
0x4e: {  	_ =	shalt  }
0x4f: {  	_ =	shalt  }
0x50: {  	_ =	shalt  }
0x51: {  	_ =	shalt  }
0x52: {  	_ =	shalt  }
0x53: {  	_ =	shalt  }
0x54: {  	_ =	shalt  }
0x55: {  	_ =	shalt  }
0x56: {  	_ =	shalt  }
0x57: {  	_ =	shalt  }
0x58: {  	_ =	shalt  }
0x59: {  	_ =	shalt  }
0x5a: {  	_ =	shalt  }
0x5b: {  	_ =	shalt  }
0x5c: {  	_ =	shalt  }
0x5d: {  	_ =	shalt  }
0x5e: {  	_ =	shalt  }
0x5f: {  	_ =	shalt  }
0x60: {  	_ =	shalt  }
0x61: {  	_ =	shalt  }
0x62: {  	_ =	shalt  }
0x63: {  	_ =	shalt  }
0x64: {  	_ =	shalt  }
0x65: {  	_ =	shalt  }
0x66: {  	_ =	shalt  }
0x67: {  	_ =	shalt  }
0x68: {  	_ =	shalt  }
0x69: {  	_ =	shalt  }
0x6a: {  	_ =	shalt  }
0x6b: {  	_ =	shalt  }
0x6c: {  	_ =	shalt  }
0x6d: {  	_ =	shalt  }
0x6e: {  	_ =	shalt  }
0x6f: {  	_ =	shalt  }
0x70: {  	_ =	shalt  }
0x71: {  	_ =	shalt  }
0x72: {  	_ =	shalt  }
0x73: {  	_ =	shalt  }
0x74: {  	_ =	shalt  }
0x75: {  	_ =	shalt  }
0x76: {  	_ =	shalt  }
0x77: {  	_ =	shalt  }
0x78: {  	_ =	shalt  }
0x79: {  	_ =	shalt  }
0x7a: {  	_ =	shalt  }
0x7b: {  	_ =	shalt  }
0x7c: {  	_ =	shalt  }
0x7d: {  	_ =	shalt  }
0x7e: {  	_ =	shalt  }
0x7f: {  	_ =	shalt  }
0x80: {  	_ =	shalt  }
0x81: {  	_ =	shalt  }
0x82: {  	_ =	shalt  }
0x83: {  	_ =	shalt  }
0x84: {  	_ =	shalt  }
0x85: {  	_ =	shalt  }
0x86: {  	_ =	shalt  }
0x87: {  	_ =	shalt  }
.Lfunc_end0:
.L_simem_size_0:
called_computation_lowered:
.L_overlay_start_0:
0x88: {  	s2 =	sld [smem:$0x3FD9]  }
0x89: {  	s3 =	sld [smem:$0x3FFE];
	_ =	sdelay $0x1  }
0x8a: {  	s1 =	srdreg.scid  }
0x8b: {  	s0 =	sand.u32 $0x1, s1  }
0x8c: {  	s18 =	sshll.u32 s0, $0xA;
	s2 =	sadd.s32 s3, s2  }
0x8d: {  	s2 =	sadd.s32 s2, s18  }
0x8e: {  	[smem:$0x3FC1] =	sst s2  }
0x8f: {  	_ = 	snop  }
0x90: {  	s2 =	sld [smem:$0x3FC8]  }
0x91: {  	s19 =	sld [smem:$0x3FC7]  }
0x92: {  	s4 =	sld [smem:$0x3FC6]  }
0x93: {  	s5 =	sld [smem:$0x3FC5]  }
0x94: {  	s6 =	sld [smem:$0x3FD0];
	(tm) =	ssettm $0x1  }
0x95: {  	s7 =	sld [smem:$0x3FFB];
	_ =	sdelay $0x3  }
0x96: {  	_ =	strace s7  }
0x97: {  	s7 =	sld [smem:$0x3FFC];
	_ =	sdelay $0x3  }
0x98: {  	_ =	strace s7  }
0x99: {  	s7 =	sld [smem:$0x3FFD];
	_ =	sdelay $0x3  }
0x9a: {  	_ =	strace s7  }
0x9b: {  	_ =	strace $0x8FFFFFFF  }
0x9c: {  	s20 =	sld [smem:$0x3FDB];
	_ =	sdelay $0x1  }
0x9d: {  	s8 =	simm.s32 $_scs_section_size  }
0x9e: {  	s9 =	simm.s32 $_size__tile_overlayer_lowered;
	s10 =	simm.s32 $_tile_overlayer_lowered  }
0x9f: {  	s23 =	simm.s32 $0x1BFF;
	s22 =	sshll.u32 s10, $0x1;
	s7 =	sadd.s32 s8, s20  }
0xa0: {  	s11 =	simm.s32 $0x0;
	s21 =	sshll.u32 s9, $0x1;
	s9 =	sadd.s32 s22, s7  }
0xa1: {  	[timem:s11], [sflag:s23] =	dma.local [hbm:s9], s21  }
0xa2: {  	_ =	swait.ge [sflag:s23], s21  }
0xa3: {  	s8 =	ssub.s32 $0x0, s21;
	[sflag:s23] =	ssyncset.done $0x0  }
0xa4: {  	[sflag:s23] =	ssyncadd.s32 s8;
	_ =	sdelay $0x1  }
0xa5: {  	s24 =	simm.s32 $0x1B8B  }
0xa6: {  	_ =	swait.ge [sflag:s24], $0x1  }
0xa7: {  	[sflag:s24] =	ssyncset.done $0x0  }
0xa8: {  	s25 =	simm.s32 $0x1B8E;
	[sflag:s24] =	ssyncadd.s32 $0xFFFFFFFF  }
0xa9: {  	s26 =	simm.s32 $execute0_lowered;
	[smem:$0x3FD2] =	sst s25  }
0xaa: {  	s8 =	sshll.u32 s26, $0x1;
	_ =	strace $0x80000046;
	[dreg:$0x1] =	wrdreg $0xFFFFFFFF  }
0xab: {  	s28 =	simm.s32 $_size_execute0_lowered;
	s7 =	sadd.s32 s7, s8;
	[dreg:$0x0] =	wrdreg $0x0  }
0xac: {  	s8 =	sshll.u32 s28, $0x1;
	[dreg:$0x2] =	wrdreg s7  }
0xad: {  	[dreg:$0x3] =	wrdreg s8  }
0xae: {  	[dreg:$0x4] =	wrdreg $0xC0  }
0xaf: {  	_ =	task [dreg:s11], $0x5FFFF  }
0xb0: {  	[dreg:$0x1] =	wrdreg $0xFFFFFFFF  }
0xb1: {  	[dreg:$0x0] =	wrdreg $0x60  }
0xb2: {  	[dreg:$0x2] =	wrdreg s2  }
0xb3: {  	[dreg:$0x3] =	wrdreg s5  }
0xb4: {  	[dreg:$0x4] =	wrdreg s19  }
0xb5: {  	[dreg:$0x5] =	wrdreg s4  }
0xb6: {  	[dreg:$0x6] =	wrdreg s6  }
0xb7: {  	[dreg:$0x7] =	wrdreg $0x9  }
0xb8: {  	_ =	task.clear_ibuf [dreg:s11], $0x8FFFF;
	_ =	strace $0x90000046  }
0xb9: {  	s29 =	simm.s32 $0x9;
	_ =	strace $0x80000048  }
0xba: {  	_ =	swait.ge [sflag:s29], $0x1  }
0xbb: {  	[sflag:s29] =	ssyncadd.s32 $0xFFFFFFFF  }
0xbc: {  	_ =	strace $0x90000048  }
0xbd: {  	_ =	sfence  }
0xbe: {  	s30 =	sld [smem:$0x0];
	_ =	sdelay $0x2  }
0xbf: {  	s31 =	sshll.u32 s1, $0xD;
	s1 =	sshrl.u32 s1, $0x2  }
0xc0: {  	s3 =	sand.u32 $0x4000, s31;
	s1 =	sadd.s32 s1, s30  }
0xc1: {  	s0 =	sor.u32 s3, s0;
	s1 =	sshll.u32 s1, $0x11  }
0xc2: {  	s0 =	sor.u32 s1, s0  }
0xc3: {  	s0 =	sadd.s32 $0x8F2B, s0  }
0xc4: {  	[sflag:s0] =	ssyncadd.remote.s32 $0x1  }
0xc5: {  	_ =	sfence.sel $0xFFFF  }
0xc6: {  	[dreg:$0x0] =	wrdreg $0xFFFFFFFF;
	(pc) =	sbr.abs _section_cstart, $3  }
0xc7: {  	[dreg:$0x1] =	wrdreg $0xFFFFFFFF  }
0xc8: {  	_ =	task.clear_ibuf [dreg:s11], $0x2FFFF;
	_ =	strace $0x9FFFFFFF  }
0xc9: {  	(tm) =	ssettm $0x7FFFFFFF  }
tec
execute0_lowered:
.L_overlay_start_1:
0x0: {  	(tag) =	ssettag $0x1  }
0x1: {  	s1 =	rddreg [dreg:$0x0]  }
0x2: {  	s2 =	rddreg [dreg:$0x2]  }
0x3: {  	s0 =	srdreg.scid;
	s3 =	rddreg [dreg:$0x3]  }
0x4: {  	s4 =	stileid.u32;
	s6 =	rddreg [dreg:$0x4];
	s24 =	simm.s32 $0x80  }
0x5: {  	s17 =	simm.s32 $0x1;
	s19 =	simm.s32 $0x8180;
	s25 =	simm.s32 $0x10180  }
0x6: {  	s28 =	simm.s32 $0x11180;
	s30 =	simm.s32 $0x11980;
	s31 =	simm.s32 $0xA180  }
0x7: {  	s15 =	simm.s32 $0xB980;
	s18 =	simm.s32 $0x12180;
	s16 =	simm.s32 $0x2  }
0x8: {  	s11 =	simm.s32 $0x3;
	s14 =	simm.s32 $0x4;
	s13 =	simm.s32 $0x7  }
0x9: {  	s22 =	simm.s32 $0x0;
	s0 =	sand.u32 $0x1, s0;
	s4 =	sshll.u32 s4, $0x8  }
0xa: {  	s9 =	sadd.s32 $0x200, s1;
	s10 =	sadd.s32 $0x300, s1;
	s5 =	sshll.u32 s0, $0x7  }
0xb: {  	s0 =	ssub.s32 $0x2, s0;
	s5 =	sor.u32 s5, s4;
	s4 =	simm.s32 $0x0  }
0xc: {  	s8 =	sshrl.u32 s0, $0x1;
	s5 =	sshrl.u32 s5, $0x3;
	[smem:$0x7FF] =	sst s4  }
0xd: {  	s0 =	ssub.s32 s0, s8;
	s8 =	sadd.s32 $0x100, s1;
	s7 =	smul.u32 $0x6400, s5  }
0xe: {  	_ =	strace $0x80000047;
	s2 =	sadd.s32 s2, s5;
	s3 =	sadd.s32 s3, s5  }
0xf: {  	s29 =	smul.u32 $0xC80, s5;
	s0 =	smax.u32 s0, $0x1;
	[dreg:$0x6] =	wrdreg s2  }
.Ltmp0:
0x10: {  	s5 =	simm.s32 $0x12980;
	[dreg:$0x7] =	wrdreg s3;
	(pc) =	sbr.rel .LBB2_1-.Ltmp0, $4  }
0x11: {  	[dreg:$0x9] =	wrdreg s0;
	s0 =	simm.s32 $0xE180;
	s26 =	sshrl.u32 s7, $0x3  }
0x12: {  	v0 =	vlaneseq.u32;
	s3 =	simm.s32 $0xA980;
	s12 =	sadd.s32 s29, s6;
	s2 =	sadd.s32 s6, s26  }
0x13: {  	v1 =	vshrl.u32 v0, $0x3;
	s7 =	simm.s32 $0x13980;
	s26 =	simm.s32 $0x10980;
	s2 =	sadd.s32 $0x800, s2  }
0x14: {  	vm0 =	vmmov $0xffff;
	v0 =	vand.u32 $0x7, v0;
	v1 =	vmul.u32 $0x8, v1;
	s6 =	simm.s32 $0x13180;
	[dreg:$0x8] =	wrdreg s2;
	s2 =	simm.s32 $0xB180  }
.LBB2_6:
0x15: {  	s20 =	simm.s32 $0x5  }
0x16: {  	_ =	swait.ge [sflag:s20], $0x2000  }
0x17: {  	[sflag:s20] =	ssyncset.done $0x0  }
0x18: {  	[sflag:s20] =	ssyncadd.s32 $0xFFFFE000  }
0x19: {  	_ =	swait.ge [sflag:s20], $0x2000  }
0x1a: {  	[sflag:s20] =	ssyncset.done $0x0  }
0x1b: {  	s23 =	simm.s32 $0x6;
	[sflag:s20] =	ssyncadd.s32 $0xFFFFE000  }
0x1c: {  	_ =	swait.ge [sflag:s23], $0x2000  }
0x1d: {  	[sflag:s23] =	ssyncset.done $0x0  }
0x1e: {  	[sflag:s23] =	ssyncadd.s32 $0xFFFFE000  }
0x1f: {  	_ =	swait.ge [sflag:s23], $0x2000  }
0x20: {  	[sflag:s23] =	ssyncset.done $0x0  }
0x21: {  	[sflag:s23] =	ssyncadd.s32 $0xFFFFE000  }
0x22: {  	_ =	swait.ge [sflag:s13], $0x2000  }
0x23: {  	[sflag:s13] =	ssyncset.done $0x0  }
0x24: {  	[sflag:s13] =	ssyncadd.s32 $0xFFFFE000  }
0x25: {  	_ =	swait.ge [sflag:s13], $0x2000  }
0x26: {  	[sflag:s13] =	ssyncset.done $0x0  }
0x27: {  	s24 =	simm.s32 $0x8;
	[sflag:s13] =	ssyncadd.s32 $0xFFFFE000  }
0x28: {  	_ =	swait.ge [sflag:s24], $0x2000  }
0x29: {  	[sflag:s24] =	ssyncset.done $0x0  }
0x2a: {  	[sflag:s24] =	ssyncadd.s32 $0xFFFFE000  }
0x2b: {  	_ =	swait.ge [sflag:s24], $0x2000  }
0x2c: {  	[sflag:s24] =	ssyncset.done $0x0  }
0x2d: {  	s21 =	simm.s32 $0x9;
	[sflag:s24] =	ssyncadd.s32 $0xFFFFE000  }
0x2e: {  	_ =	swait.ge [sflag:s21], $0x4000  }
0x2f: {  	s22 =	rddreg [dreg:$0xa]  }
0x30: {  	s29 =	rddreg [dreg:$0x9];
	s22 =	sadd.s32 $0x1, s22  }
0x31: {  	p0 =	sne.s32 s22, s29  }
.Ltmp1:
0x32: {  	_ = 	snop;
	(pc) =	sbr.rel @!p0 .LBB2_7-.Ltmp1, $3  }
0x33: {  	_ =	sdelay $0x1  }
0x34: {  	[sflag:s21] =	ssyncset.done $0x0  }
0x35: {  	s24 =	simm.s32 $0x80;
	[sflag:s21] =	ssyncadd.s32 $0xFFFFC000  }
.LBB2_1:
0x36: {  	[dreg:$0xa] =	wrdreg s22  }
0x37: {  	s20 =	rddreg [dreg:$0x6];
	s21 =	simm.s32 $0xA  }
0x38: {  	[tilespmem:s4], [sflag:$0xA] =	stream.linear.gather [hbm4b:s20+s4], $0x80, $0x38;
	[tilespmem:$0x14180] =	vst v63  }
0x39: {  	_ =	swait.ge [sflag:s21], $0x80  }
0x3a: {  	[sflag:s21] =	ssyncset.done $0x0  }
0x3b: {  	s29 =	rddreg [dreg:$0x7];
	[sflag:s21] =	ssyncadd.s32 $0xFFFFFF80  }
0x3c: {  	[tilespmem:s24], [sflag:$0xA] =	stream.linear.gather [hbm4b:s29+s4], $0x80, $0x38;
	[tilespmem:$0x14180] =	vst v63  }
0x3d: {  	_ =	swait.ge [sflag:s21], $0x80  }
0x3e: {  	[sflag:s21] =	ssyncset.done $0x0  }
0x3f: {  	[sflag:s21] =	ssyncadd.s32 $0xFFFFFF80  }
0x40: {  	v3 =	vld [tilespmem:s24+$0x0]  }
0x41: {  	v4 =	vld [tilespmem:s4+$0x0]  }
0x42: {  	s20 =	simm.s32 $0x90  }
0x43: {  	v2 =	vld [tilespmem:s20+$0x0];
	_ =	sdelay $0x2  }
0x44: {  	s23 =	simm.s32 $0x10;
	s22 =	simm.s32 $0x100;
	s21 =	simm.s32 $0x10;
	v3 =	vsub.s32 v3, v4  }
.LBB2_2:
0x45: {  	s21 =	sadd.s32 $0x10, s21  }
0x46: {  	v4 =	vld [tilespmem:s23+$0x0];
	s20 =	sadd.s32 $0x10, s20;
	[tilespmem:s22+$0x0] =	vst v3;
	s22 =	sadd.s32 $0x10, s22;
	v3 =	vmov v2;
	p0 =	slt.u32 s21, $0x70  }
.Ltmp2:
0x47: {  	v2 =	vld [tilespmem:s20+$0x0];
	(pc) =	sbr.rel @p0 .LBB2_2-.Ltmp2, $2  }
0x48: {  	_ =	sdelay $0x2  }
0x49: {  	s23 =	sadd.s32 $0x10, s23;
	v3 =	vsub.s32 v3, v4  }
0x4a: {  	v4 =	vld [tilespmem:s23+$0x0];
	_ =	sdelay $0x4  }
0x4b: {  	[tilespmem:s22+$0x0] =	vst v3;
	s20 =	sadd.s32 $0x10, s22;
	v2 =	vsub.s32 v2, v4  }
0x4c: {  	s29 =	rddreg [dreg:$0x1];
	s21 =	simm.s32 $0x100;
	s22 =	simm.s32 $0x180;
	[tilespmem:s20+$0x0] =	vst v2  }
0x4d: {  	[tilespmem:s22], [sflag:$0x1] =	stream.indirect.gather [hbm4b:s29+s24], $0x80, s21, s24, $0xb8;
	[tilespmem:$0x14180] =	vst v63  }
0x4e: {  	_ =	swait.ge [sflag:s17], $0x4000  }
0x4f: {  	s24 =	simm.s32 $0x400;
	[sflag:s17] =	ssyncset.done $0x0  }
0x50: {  	s29 =	simm.s32 $0x6400;
	s23 =	rddreg [dreg:$0x8];
	[sflag:s17] =	ssyncadd.s32 $0xFFFFC000  }
0x51: {  	[hbm4b:s23+s24] =	stream.strided.scatter [tilespmem:s22], [sflag:$0x9], $0x4000, s29, s24, $0x38;
	[tilespmem:$0x14180] =	vst v63  }
0x52: {  	v2 =	vld.msk [tilespmem:$0x0], $0xff;
	_ =	sdelay $0x4  }
0x53: {  	v3 =	vshll.u32 v2, $0x3  }
0x54: {  	v2 =	vand.u32 $0x7, v2;
	v3 =	vand.u32 $0xFFFFFFC0, v3  }
0x55: {  	v2 =	vor.u32 v2, v3  }
0x56: {  	v2 =	vperm.xlane v2, v0;
	_ =	sdelay $0x1  }
0x57: {  	v2 =	vadd.s32 v1, v2;
	_ =	sdelay $0x3  }
0x58: {  	s20 =	simm.s32 $0x0;
	s24 =	simm.s32 $0x4180  }
0x59: {  	[tilespmem:s24], [sflag:$0x1] =	stream.indirect_vreg.gather [hbm4b:s1+s20], $0x80, v2, vm0, $0xb8;
	[tilespmem:$0x14180] =	vst v63  }
0x5a: {  	s29 =	simm.s32 $0x4980  }
0x5b: {  	[tilespmem:s29], [sflag:$0x1] =	stream.indirect_vreg.gather [hbm4b:s8+s20], $0x80, v2, vm0, $0xb8;
	[tilespmem:$0x14180] =	vst v63  }
0x5c: {  	s22 =	simm.s32 $0x5180  }
0x5d: {  	[tilespmem:s22], [sflag:$0x1] =	stream.indirect_vreg.gather [hbm4b:s9+s20], $0x80, v2, vm0, $0xb8;
	[tilespmem:$0x14180] =	vst v63  }
0x5e: {  	s23 =	simm.s32 $0x5980  }
0x5f: {  	[tilespmem:s23], [sflag:$0x1] =	stream.indirect_vreg.gather [hbm4b:s10+s20], $0x80, v2, vm0, $0xb8;
	[tilespmem:$0x14180] =	vst v63  }
0x60: {  	v2 =	vld.msk [tilespmem:$0x80], $0xff;
	_ =	sdelay $0x4  }
0x61: {  	v3 =	vshll.u32 v2, $0x3  }
0x62: {  	v2 =	vand.u32 $0x7, v2;
	v3 =	vand.u32 $0xFFFFFFC0, v3  }
0x63: {  	v2 =	vor.u32 v2, v3  }
0x64: {  	v2 =	vperm.xlane v2, v0;
	_ =	sdelay $0x1  }
0x65: {  	v2 =	vadd.s32 v1, v2;
	_ =	sdelay $0x3  }
0x66: {  	s24 =	simm.s32 $0xC180  }
0x67: {  	[tilespmem:s24], [sflag:$0x1] =	stream.indirect_vreg.gather [hbm4b:s1+s20], $0x80, v2, vm0, $0xb8;
	[tilespmem:$0x14180] =	vst v63  }
0x68: {  	s29 =	simm.s32 $0xC980  }
0x69: {  	[tilespmem:s29], [sflag:$0x1] =	stream.indirect_vreg.gather [hbm4b:s8+s20], $0x80, v2, vm0, $0xb8;
	[tilespmem:$0x14180] =	vst v63  }
0x6a: {  	s22 =	simm.s32 $0xD180  }
0x6b: {  	[tilespmem:s22], [sflag:$0x1] =	stream.indirect_vreg.gather [hbm4b:s9+s20], $0x80, v2, vm0, $0xb8;
	[tilespmem:$0x14180] =	vst v63  }
0x6c: {  	s23 =	simm.s32 $0xD980  }
0x6d: {  	[tilespmem:s23], [sflag:$0x1] =	stream.indirect_vreg.gather [hbm4b:s10+s20], $0x80, v2, vm0, $0xb8;
	[tilespmem:$0x14180] =	vst v63  }
0x6e: {  	v2 =	vld.msk [tilespmem:$0x8], $0xff;
	_ =	sdelay $0x4  }
0x6f: {  	v3 =	vshll.u32 v2, $0x3  }
0x70: {  	v2 =	vand.u32 $0x7, v2;
	v3 =	vand.u32 $0xFFFFFFC0, v3  }
0x71: {  	v2 =	vor.u32 v2, v3  }
0x72: {  	v2 =	vperm.xlane v2, v0;
	_ =	sdelay $0x1  }
0x73: {  	v2 =	vadd.s32 v1, v2;
	_ =	sdelay $0x3  }
0x74: {  	s24 =	simm.s32 $0x6180  }
0x75: {  	[tilespmem:s24], [sflag:$0x2] =	stream.indirect_vreg.gather [hbm4b:s1+s20], $0x80, v2, vm0, $0xb8;
	[tilespmem:$0x14180] =	vst v63  }
0x76: {  	s29 =	simm.s32 $0x6980  }
0x77: {  	[tilespmem:s29], [sflag:$0x2] =	stream.indirect_vreg.gather [hbm4b:s8+s20], $0x80, v2, vm0, $0xb8;
	[tilespmem:$0x14180] =	vst v63  }
0x78: {  	s22 =	simm.s32 $0x7180  }
0x79: {  	[tilespmem:s22], [sflag:$0x2] =	stream.indirect_vreg.gather [hbm4b:s9+s20], $0x80, v2, vm0, $0xb8;
	[tilespmem:$0x14180] =	vst v63  }
0x7a: {  	s23 =	simm.s32 $0x7980  }
0x7b: {  	[tilespmem:s23], [sflag:$0x2] =	stream.indirect_vreg.gather [hbm4b:s10+s20], $0x80, v2, vm0, $0xb8;
	[tilespmem:$0x14180] =	vst v63  }
0x7c: {  	v2 =	vld.msk [tilespmem:$0x88], $0xff;
	_ =	sdelay $0x4  }
0x7d: {  	v3 =	vshll.u32 v2, $0x3  }
0x7e: {  	v2 =	vand.u32 $0x7, v2;
	v3 =	vand.u32 $0xFFFFFFC0, v3  }
0x7f: {  	v2 =	vor.u32 v2, v3  }
0x80: {  	v2 =	vperm.xlane v2, v0;
	_ =	sdelay $0x1  }
0x81: {  	v2 =	vadd.s32 v1, v2;
	_ =	sdelay $0x4  }
0x82: {  	[tilespmem:s0], [sflag:$0x2] =	stream.indirect_vreg.gather [hbm4b:s1+s20], $0x80, v2, vm0, $0xb8;
	[tilespmem:$0x14180] =	vst v63  }
0x83: {  	s24 =	simm.s32 $0xE980  }
0x84: {  	[tilespmem:s24], [sflag:$0x2] =	stream.indirect_vreg.gather [hbm4b:s8+s20], $0x80, v2, vm0, $0xb8;
	[tilespmem:$0x14180] =	vst v63  }
0x85: {  	s29 =	simm.s32 $0xF180  }
0x86: {  	[tilespmem:s29], [sflag:$0x2] =	stream.indirect_vreg.gather [hbm4b:s9+s20], $0x80, v2, vm0, $0xb8;
	[tilespmem:$0x14180] =	vst v63  }
0x87: {  	s22 =	simm.s32 $0xF980  }
0x88: {  	[tilespmem:s22], [sflag:$0x2] =	stream.indirect_vreg.gather [hbm4b:s10+s20], $0x80, v2, vm0, $0xb8;
	[tilespmem:$0x14180] =	vst v63  }
0x89: {  	v2 =	vld.msk [tilespmem:$0x10], $0xff;
	_ =	sdelay $0x4  }
0x8a: {  	v3 =	vshll.u32 v2, $0x3  }
0x8b: {  	v2 =	vand.u32 $0x7, v2;
	v3 =	vand.u32 $0xFFFFFFC0, v3  }
0x8c: {  	v2 =	vor.u32 v2, v3  }
0x8d: {  	v2 =	vperm.xlane v2, v0;
	_ =	sdelay $0x1  }
0x8e: {  	v2 =	vadd.s32 v1, v2;
	_ =	sdelay $0x4  }
0x8f: {  	[tilespmem:s19], [sflag:$0x3] =	stream.indirect_vreg.gather [hbm4b:s1+s20], $0x80, v2, vm0, $0xb8;
	[tilespmem:$0x14180] =	vst v63  }
0x90: {  	s23 =	simm.s32 $0x8980  }
0x91: {  	[tilespmem:s23], [sflag:$0x3] =	stream.indirect_vreg.gather [hbm4b:s8+s20], $0x80, v2, vm0, $0xb8;
	[tilespmem:$0x14180] =	vst v63  }
0x92: {  	s24 =	simm.s32 $0x9180  }
0x93: {  	[tilespmem:s24], [sflag:$0x3] =	stream.indirect_vreg.gather [hbm4b:s9+s20], $0x80, v2, vm0, $0xb8;
	[tilespmem:$0x14180] =	vst v63  }
0x94: {  	s29 =	simm.s32 $0x9980  }
0x95: {  	[tilespmem:s29], [sflag:$0x3] =	stream.indirect_vreg.gather [hbm4b:s10+s20], $0x80, v2, vm0, $0xb8;
	[tilespmem:$0x14180] =	vst v63  }
0x96: {  	v2 =	vld.msk [tilespmem:$0x90], $0xff;
	_ =	sdelay $0x4  }
0x97: {  	v3 =	vshll.u32 v2, $0x3  }
0x98: {  	v2 =	vand.u32 $0x7, v2;
	v3 =	vand.u32 $0xFFFFFFC0, v3  }
0x99: {  	v2 =	vor.u32 v2, v3  }
0x9a: {  	v2 =	vperm.xlane v2, v0;
	_ =	sdelay $0x1  }
0x9b: {  	v2 =	vadd.s32 v1, v2;
	_ =	sdelay $0x4  }
0x9c: {  	[tilespmem:s25], [sflag:$0x3] =	stream.indirect_vreg.gather [hbm4b:s1+s20], $0x80, v2, vm0, $0xb8;
	[tilespmem:$0x14180] =	vst v63  }
0x9d: {  	_ = 	snop  }
0x9e: {  	[tilespmem:s26], [sflag:$0x3] =	stream.indirect_vreg.gather [hbm4b:s8+s20], $0x80, v2, vm0, $0xb8;
	[tilespmem:$0x14180] =	vst v63  }
0x9f: {  	_ = 	snop  }
0xa0: {  	[tilespmem:s28], [sflag:$0x3] =	stream.indirect_vreg.gather [hbm4b:s9+s20], $0x80, v2, vm0, $0xb8;
	[tilespmem:$0x14180] =	vst v63  }
0xa1: {  	s21 =	simm.s32 $0x30;
	s24 =	simm.s32 $0xB0  }
0xa2: {  	[tilespmem:s30], [sflag:$0x3] =	stream.indirect_vreg.gather [hbm4b:s10+s20], $0x80, v2, vm0, $0xb8;
	[tilespmem:$0x14180] =	vst v63  }
.LBB2_4:
0xa3: {  	_ =	swait.ge [sflag:s17], $0x2000  }
0xa4: {  	[sflag:s17] =	ssyncset.done $0x0  }
0xa5: {  	[sflag:s17] =	ssyncadd.s32 $0xFFFFE000  }
0xa6: {  	_ =	swait.ge [sflag:s17], $0x2000  }
0xa7: {  	[sflag:s17] =	ssyncset.done $0x0  }
0xa8: {  	s22 =	sadd.s32 s20, s12;
	s23 =	simm.s32 $0x4180;
	[sflag:s17] =	ssyncadd.s32 $0xFFFFE000  }
0xa9: {  	[hbm4b:s22+s4] =	stream.linear.scatter [tilespmem:s23], [sflag:$0x5], $0x2000, $0x38;
	[tilespmem:$0x14180] =	vst v63  }
0xaa: {  	s29 =	simm.s32 $0xC180;
	p0 =	seq.s32 s20, $0x0;
	s23 =	sadd.s32 $0x400, s22  }
0xab: {  	[hbm4b:s23+s4] =	stream.linear.scatter [tilespmem:s29], [sflag:$0x5], $0x2000, $0x38;
	[tilespmem:$0x14180] =	vst v63  }
0xac: {  	s23 =	simm.s32 @!p0 $0x8  }
0xad: {  	_ =	swait.ge @!p0 [sflag:s23], $0x2000  }
0xae: {  	[sflag:s23] =	ssyncset.done @!p0 $0x0  }
0xaf: {  	[sflag:s23] =	ssyncadd.s32 @!p0 $0xFFFFE000  }
0xb0: {  	_ =	swait.ge @!p0 [sflag:s23], $0x2000  }
0xb1: {  	[sflag:s23] =	ssyncset.done @!p0 $0x0  }
0xb2: {  	[sflag:s23] =	ssyncadd.s32 @!p0 $0xFFFFE000  }
0xb3: {  	v2 =	vld.msk [tilespmem:s21+$0xFFFFFFE8], $0xff;
	_ =	sdelay $0x4  }
0xb4: {  	v3 =	vshll.u32 v2, $0x3  }
0xb5: {  	v2 =	vand.u32 $0x7, v2;
	v3 =	vand.u32 $0xFFFFFFC0, v3  }
0xb6: {  	v2 =	vor.u32 v2, v3  }
0xb7: {  	v2 =	vperm.xlane v2, v0;
	_ =	sdelay $0x1  }
0xb8: {  	v2 =	vadd.s32 v1, v2;
	_ =	sdelay $0x4  }
0xb9: {  	[tilespmem:s31], [sflag:$0x4] =	stream.indirect_vreg.gather [hbm4b:s1+s4], $0x80, v2, vm0, $0xb8;
	[tilespmem:$0x14180] =	vst v63  }
0xba: {  	_ = 	snop  }
0xbb: {  	[tilespmem:s3], [sflag:$0x4] =	stream.indirect_vreg.gather [hbm4b:s8+s4], $0x80, v2, vm0, $0xb8;
	[tilespmem:$0x14180] =	vst v63  }
0xbc: {  	_ = 	snop  }
0xbd: {  	[tilespmem:s2], [sflag:$0x4] =	stream.indirect_vreg.gather [hbm4b:s9+s4], $0x80, v2, vm0, $0xb8;
	[tilespmem:$0x14180] =	vst v63  }
0xbe: {  	_ = 	snop  }
0xbf: {  	[tilespmem:s15], [sflag:$0x4] =	stream.indirect_vreg.gather [hbm4b:s10+s4], $0x80, v2, vm0, $0xb8;
	[tilespmem:$0x14180] =	vst v63  }
0xc0: {  	v2 =	vld.msk [tilespmem:s24+$0xFFFFFFE8], $0xff;
	_ =	sdelay $0x4  }
0xc1: {  	v3 =	vshll.u32 v2, $0x3  }
0xc2: {  	v2 =	vand.u32 $0x7, v2;
	v3 =	vand.u32 $0xFFFFFFC0, v3  }
0xc3: {  	v2 =	vor.u32 v2, v3  }
0xc4: {  	v2 =	vperm.xlane v2, v0;
	_ =	sdelay $0x1  }
0xc5: {  	v2 =	vadd.s32 v1, v2;
	_ =	sdelay $0x4  }
0xc6: {  	[tilespmem:s18], [sflag:$0x4] =	stream.indirect_vreg.gather [hbm4b:s1+s4], $0x80, v2, vm0, $0xb8;
	[tilespmem:$0x14180] =	vst v63  }
0xc7: {  	_ = 	snop  }
0xc8: {  	[tilespmem:s5], [sflag:$0x4] =	stream.indirect_vreg.gather [hbm4b:s8+s4], $0x80, v2, vm0, $0xb8;
	[tilespmem:$0x14180] =	vst v63  }
0xc9: {  	_ = 	snop  }
0xca: {  	[tilespmem:s6], [sflag:$0x4] =	stream.indirect_vreg.gather [hbm4b:s9+s4], $0x80, v2, vm0, $0xb8;
	[tilespmem:$0x14180] =	vst v63  }
0xcb: {  	_ = 	snop  }
0xcc: {  	[tilespmem:s7], [sflag:$0x4] =	stream.indirect_vreg.gather [hbm4b:s10+s4], $0x80, v2, vm0, $0xb8;
	[tilespmem:$0x14180] =	vst v63  }
0xcd: {  	_ =	swait.ge [sflag:s16], $0x2000  }
0xce: {  	[sflag:s16] =	ssyncset.done $0x0  }
0xcf: {  	[sflag:s16] =	ssyncadd.s32 $0xFFFFE000  }
0xd0: {  	_ =	swait.ge [sflag:s16], $0x2000  }
0xd1: {  	s29 =	simm.s32 $0x6180;
	[sflag:s16] =	ssyncset.done $0x0  }
0xd2: {  	s23 =	sadd.s32 $0xC80, s22;
	p0 =	seq.s32 s20, $0x9600;
	[sflag:s16] =	ssyncadd.s32 $0xFFFFE000  }
0xd3: {  	[hbm4b:s23+s4] =	stream.linear.scatter [tilespmem:s29], [sflag:$0x6], $0x2000, $0x38;
	[tilespmem:$0x14180] =	vst v63  }
0xd4: {  	s29 =	sadd.s32 $0x1080, s22;
	s23 =	simm.s32 @!p0 $0x5  }
0xd5: {  	[hbm4b:s29+s4] =	stream.linear.scatter [tilespmem:s0], [sflag:$0x6], $0x2000, $0x38;
	[tilespmem:$0x14180] =	vst v63  }
0xd6: {  	_ =	swait.ge @!p0 [sflag:s23], $0x2000  }
0xd7: {  	[sflag:s23] =	ssyncset.done @!p0 $0x0  }
0xd8: {  	[sflag:s23] =	ssyncadd.s32 @!p0 $0xFFFFE000  }
0xd9: {  	_ =	swait.ge @!p0 [sflag:s23], $0x2000  }
0xda: {  	[sflag:s23] =	ssyncset.done @!p0 $0x0  }
0xdb: {  	[sflag:s23] =	ssyncadd.s32 @!p0 $0xFFFFE000  }
0xdc: {  	v2 =	vld.msk @!p0 [tilespmem:s21+$0xFFFFFFF0], $0xff;
	_ =	sdelay $0x4  }
0xdd: {  	v3 =	vshll.u32 @!p0 v2, $0x3  }
0xde: {  	v4 =	vlaneseq.u32 @!p0;
	v2 =	vand.u32 @!p0 $0x7, v2;
	v3 =	vand.u32 @!p0 $0xFFFFFFC0, v3  }
0xdf: {  	v2 =	vor.u32 @!p0 v2, v3;
	v3 =	vand.u32 @!p0 $0x7, v4;
	v4 =	vshrl.u32 @!p0 v4, $0x3  }
0xe0: {  	v2 =	vperm.xlane @!p0 v2, v3;
	v4 =	vmul.u32 @!p0 $0x8, v4;
	_ =	sdelay $0x1  }
0xe1: {  	v2 =	vadd.s32 @!p0 v4, v2;
	_ =	sdelay $0x3  }
0xe2: {  	vm1 =	vmmov @!p0 $0xffff;
	s29 =	simm.s32 @!p0 $0x4180;
	s23 =	simm.s32 @!p0 $0x0  }
0xe3: {  	[tilespmem:s29], [sflag:$0x1] =	stream.indirect_vreg.gather @!p0 [hbm4b:s1+s23], $0x80, v2, vm1, $0xb8;
	[tilespmem:$0x14180] =	vst v63  }
0xe4: {  	s29 =	simm.s32 @!p0 $0x4980  }
0xe5: {  	[tilespmem:s29], [sflag:$0x1] =	stream.indirect_vreg.gather @!p0 [hbm4b:s8+s23], $0x80, v2, vm1, $0xb8;
	[tilespmem:$0x14180] =	vst v63  }
0xe6: {  	s29 =	simm.s32 @!p0 $0x5180  }
0xe7: {  	[tilespmem:s29], [sflag:$0x1] =	stream.indirect_vreg.gather @!p0 [hbm4b:s9+s23], $0x80, v2, vm1, $0xb8;
	[tilespmem:$0x14180] =	vst v63  }
0xe8: {  	s29 =	simm.s32 @!p0 $0x5980  }
0xe9: {  	[tilespmem:s29], [sflag:$0x1] =	stream.indirect_vreg.gather @!p0 [hbm4b:s10+s23], $0x80, v2, vm1, $0xb8;
	[tilespmem:$0x14180] =	vst v63  }
0xea: {  	v2 =	vld.msk @!p0 [tilespmem:s24+$0xFFFFFFF0], $0xff;
	_ =	sdelay $0x4  }
0xeb: {  	v5 =	vshll.u32 @!p0 v2, $0x3  }
0xec: {  	v2 =	vand.u32 @!p0 $0x7, v2;
	v5 =	vand.u32 @!p0 $0xFFFFFFC0, v5  }
0xed: {  	v2 =	vor.u32 @!p0 v2, v5  }
0xee: {  	v2 =	vperm.xlane @!p0 v2, v3;
	_ =	sdelay $0x1  }
0xef: {  	v2 =	vadd.s32 @!p0 v4, v2;
	_ =	sdelay $0x3  }
0xf0: {  	s29 =	simm.s32 @!p0 $0xC180  }
0xf1: {  	[tilespmem:s29], [sflag:$0x1] =	stream.indirect_vreg.gather @!p0 [hbm4b:s1+s23], $0x80, v2, vm1, $0xb8;
	[tilespmem:$0x14180] =	vst v63  }
0xf2: {  	s29 =	simm.s32 @!p0 $0xC980  }
0xf3: {  	[tilespmem:s29], [sflag:$0x1] =	stream.indirect_vreg.gather @!p0 [hbm4b:s8+s23], $0x80, v2, vm1, $0xb8;
	[tilespmem:$0x14180] =	vst v63  }
0xf4: {  	s29 =	simm.s32 @!p0 $0xD180  }
0xf5: {  	[tilespmem:s29], [sflag:$0x1] =	stream.indirect_vreg.gather @!p0 [hbm4b:s9+s23], $0x80, v2, vm1, $0xb8;
	[tilespmem:$0x14180] =	vst v63  }
0xf6: {  	s29 =	simm.s32 @!p0 $0xD980  }
0xf7: {  	[tilespmem:s29], [sflag:$0x1] =	stream.indirect_vreg.gather @!p0 [hbm4b:s10+s23], $0x80, v2, vm1, $0xb8;
	[tilespmem:$0x14180] =	vst v63  }
0xf8: {  	_ =	swait.ge [sflag:s11], $0x2000  }
0xf9: {  	[sflag:s11] =	ssyncset.done $0x0  }
0xfa: {  	[sflag:s11] =	ssyncadd.s32 $0xFFFFE000  }
0xfb: {  	_ =	swait.ge [sflag:s11], $0x2000  }
0xfc: {  	[sflag:s11] =	ssyncset.done $0x0  }
0xfd: {  	s29 =	sadd.s32 $0x1900, s22;
	[sflag:s11] =	ssyncadd.s32 $0xFFFFE000  }
0xfe: {  	[hbm4b:s29+s4] =	stream.linear.scatter [tilespmem:s19], [sflag:$0x7], $0x2000, $0x38;
	[tilespmem:$0x14180] =	vst v63  }
0xff: {  	s29 =	sadd.s32 $0x1D00, s22  }
0x100: {  	[hbm4b:s29+s4] =	stream.linear.scatter [tilespmem:s25], [sflag:$0x7], $0x2000, $0x38;
	[tilespmem:$0x14180] =	vst v63  }
0x101: {  	s29 =	simm.s32 @!p0 $0x6  }
0x102: {  	_ =	swait.ge @!p0 [sflag:s29], $0x2000  }
0x103: {  	[sflag:s29] =	ssyncset.done @!p0 $0x0  }
0x104: {  	[sflag:s29] =	ssyncadd.s32 @!p0 $0xFFFFE000  }
0x105: {  	_ =	swait.ge @!p0 [sflag:s29], $0x2000  }
0x106: {  	[sflag:s29] =	ssyncset.done @!p0 $0x0  }
0x107: {  	[sflag:s29] =	ssyncadd.s32 @!p0 $0xFFFFE000  }
0x108: {  	v2 =	vld.msk @!p0 [tilespmem:s21+$0xFFFFFFF8], $0xff;
	_ =	sdelay $0x4  }
0x109: {  	v5 =	vshll.u32 @!p0 v2, $0x3  }
0x10a: {  	v2 =	vand.u32 @!p0 $0x7, v2;
	v5 =	vand.u32 @!p0 $0xFFFFFFC0, v5  }
0x10b: {  	v2 =	vor.u32 @!p0 v2, v5  }
0x10c: {  	v2 =	vperm.xlane @!p0 v2, v3;
	_ =	sdelay $0x1  }
0x10d: {  	v2 =	vadd.s32 @!p0 v4, v2;
	_ =	sdelay $0x3  }
0x10e: {  	s29 =	simm.s32 @!p0 $0x6180  }
0x10f: {  	[tilespmem:s29], [sflag:$0x2] =	stream.indirect_vreg.gather @!p0 [hbm4b:s1+s23], $0x80, v2, vm1, $0xb8;
	[tilespmem:$0x14180] =	vst v63  }
0x110: {  	s29 =	simm.s32 @!p0 $0x6980  }
0x111: {  	[tilespmem:s29], [sflag:$0x2] =	stream.indirect_vreg.gather @!p0 [hbm4b:s8+s23], $0x80, v2, vm1, $0xb8;
	[tilespmem:$0x14180] =	vst v63  }
0x112: {  	s29 =	simm.s32 @!p0 $0x7180  }
0x113: {  	[tilespmem:s29], [sflag:$0x2] =	stream.indirect_vreg.gather @!p0 [hbm4b:s9+s23], $0x80, v2, vm1, $0xb8;
	[tilespmem:$0x14180] =	vst v63  }
0x114: {  	s29 =	simm.s32 @!p0 $0x7980  }
0x115: {  	[tilespmem:s29], [sflag:$0x2] =	stream.indirect_vreg.gather @!p0 [hbm4b:s10+s23], $0x80, v2, vm1, $0xb8;
	[tilespmem:$0x14180] =	vst v63  }
0x116: {  	v2 =	vld.msk @!p0 [tilespmem:s24+$0xFFFFFFF8], $0xff;
	_ =	sdelay $0x4  }
0x117: {  	v5 =	vshll.u32 @!p0 v2, $0x3  }
0x118: {  	v2 =	vand.u32 @!p0 $0x7, v2;
	v5 =	vand.u32 @!p0 $0xFFFFFFC0, v5  }
0x119: {  	v2 =	vor.u32 @!p0 v2, v5  }
0x11a: {  	v2 =	vperm.xlane @!p0 v2, v3;
	_ =	sdelay $0x1  }
0x11b: {  	v2 =	vadd.s32 @!p0 v4, v2;
	_ =	sdelay $0x3  }
0x11c: {  	s29 =	simm.s32 @!p0 $0xE180  }
0x11d: {  	[tilespmem:s29], [sflag:$0x2] =	stream.indirect_vreg.gather @!p0 [hbm4b:s1+s23], $0x80, v2, vm1, $0xb8;
	[tilespmem:$0x14180] =	vst v63  }
0x11e: {  	s29 =	simm.s32 @!p0 $0xE980  }
0x11f: {  	[tilespmem:s29], [sflag:$0x2] =	stream.indirect_vreg.gather @!p0 [hbm4b:s8+s23], $0x80, v2, vm1, $0xb8;
	[tilespmem:$0x14180] =	vst v63  }
0x120: {  	s29 =	simm.s32 @!p0 $0xF180  }
0x121: {  	[tilespmem:s29], [sflag:$0x2] =	stream.indirect_vreg.gather @!p0 [hbm4b:s9+s23], $0x80, v2, vm1, $0xb8;
	[tilespmem:$0x14180] =	vst v63  }
0x122: {  	s29 =	simm.s32 @!p0 $0xF980  }
0x123: {  	[tilespmem:s29], [sflag:$0x2] =	stream.indirect_vreg.gather @!p0 [hbm4b:s10+s23], $0x80, v2, vm1, $0xb8;
	[tilespmem:$0x14180] =	vst v63  }
0x124: {  	_ =	swait.ge [sflag:s14], $0x2000  }
0x125: {  	[sflag:s14] =	ssyncset.done $0x0  }
0x126: {  	[sflag:s14] =	ssyncadd.s32 $0xFFFFE000  }
0x127: {  	_ =	swait.ge [sflag:s14], $0x2000  }
.Ltmp3:
0x128: {  	[sflag:s14] =	ssyncset.done $0x0;
	(pc) =	sbr.rel @p0 .LBB2_6-.Ltmp3, $4  }
0x129: {  	s29 =	sadd.s32 $0x2580, s22;
	[sflag:s14] =	ssyncadd.s32 $0xFFFFE000  }
0x12a: {  	[hbm4b:s29+s4] =	stream.linear.scatter [tilespmem:s31], [sflag:$0x8], $0x2000, $0x38;
	[tilespmem:$0x14180] =	vst v63  }
0x12b: {  	s22 =	sadd.s32 $0x2980, s22  }
0x12c: {  	[hbm4b:s22+s4] =	stream.linear.scatter [tilespmem:s18], [sflag:$0x8], $0x2000, $0x38;
	[tilespmem:$0x14180] =	vst v63  }
0x12d: {  	_ =	swait.ge [sflag:s13], $0x2000  }
0x12e: {  	[sflag:s13] =	ssyncset.done $0x0  }
0x12f: {  	[sflag:s13] =	ssyncadd.s32 $0xFFFFE000  }
0x130: {  	_ =	swait.ge [sflag:s13], $0x2000  }
0x131: {  	[sflag:s13] =	ssyncset.done $0x0  }
0x132: {  	[sflag:s13] =	ssyncadd.s32 $0xFFFFE000  }
0x133: {  	v2 =	vld.msk [tilespmem:s21+$0x0], $0xff;
	_ =	sdelay $0x4  }
0x134: {  	v3 =	vshll.u32 v2, $0x3  }
0x135: {  	v2 =	vand.u32 $0x7, v2;
	v3 =	vand.u32 $0xFFFFFFC0, v3  }
0x136: {  	v2 =	vor.u32 v2, v3  }
0x137: {  	v2 =	vperm.xlane v2, v0;
	_ =	sdelay $0x1  }
0x138: {  	v2 =	vadd.s32 v1, v2;
	_ =	sdelay $0x4  }
0x139: {  	[tilespmem:s19], [sflag:$0x3] =	stream.indirect_vreg.gather [hbm4b:s1+s4], $0x80, v2, vm0, $0xb8;
	[tilespmem:$0x14180] =	vst v63  }
0x13a: {  	s22 =	simm.s32 $0x8980  }
0x13b: {  	[tilespmem:s22], [sflag:$0x3] =	stream.indirect_vreg.gather [hbm4b:s8+s4], $0x80, v2, vm0, $0xb8;
	[tilespmem:$0x14180] =	vst v63  }
0x13c: {  	s23 =	simm.s32 $0x9180  }
0x13d: {  	[tilespmem:s23], [sflag:$0x3] =	stream.indirect_vreg.gather [hbm4b:s9+s4], $0x80, v2, vm0, $0xb8;
	[tilespmem:$0x14180] =	vst v63  }
0x13e: {  	s29 =	simm.s32 $0x9980  }
0x13f: {  	[tilespmem:s29], [sflag:$0x3] =	stream.indirect_vreg.gather [hbm4b:s10+s4], $0x80, v2, vm0, $0xb8;
	[tilespmem:$0x14180] =	vst v63  }
0x140: {  	v2 =	vld.msk [tilespmem:s24+$0x0], $0xff;
	_ =	sdelay $0x4  }
0x141: {  	v3 =	vshll.u32 v2, $0x3  }
0x142: {  	v2 =	vand.u32 $0x7, v2;
	v3 =	vand.u32 $0xFFFFFFC0, v3  }
0x143: {  	v2 =	vor.u32 v2, v3  }
0x144: {  	v2 =	vperm.xlane v2, v0;
	_ =	sdelay $0x1  }
0x145: {  	v2 =	vadd.s32 v1, v2;
	_ =	sdelay $0x4  }
0x146: {  	[tilespmem:s25], [sflag:$0x3] =	stream.indirect_vreg.gather [hbm4b:s1+s4], $0x80, v2, vm0, $0xb8;
	[tilespmem:$0x14180] =	vst v63  }
0x147: {  	_ = 	snop  }
0x148: {  	[tilespmem:s26], [sflag:$0x3] =	stream.indirect_vreg.gather [hbm4b:s8+s4], $0x80, v2, vm0, $0xb8;
	[tilespmem:$0x14180] =	vst v63  }
.Ltmp4:
0x149: {  	_ = 	snop;
	(pc) =	sbr.rel .LBB2_4-.Ltmp4, $4  }
0x14a: {  	_ = 	snop  }
0x14b: {  	[tilespmem:s28], [sflag:$0x3] =	stream.indirect_vreg.gather [hbm4b:s9+s4], $0x80, v2, vm0, $0xb8;
	[tilespmem:$0x14180] =	vst v63  }
0x14c: {  	s20 =	sadd.s32 $0x3200, s20;
	s21 =	sadd.s32 $0x20, s21;
	s24 =	sadd.s32 $0x20, s24  }
0x14d: {  	[tilespmem:s30], [sflag:$0x3] =	stream.indirect_vreg.gather [hbm4b:s10+s4], $0x80, v2, vm0, $0xb8;
	[tilespmem:$0x14180] =	vst v63  }
.LBB2_7:
0x14e: {  	_ =	sfence.sel $0x180000  }
0x14f: {  	[bflag:$0x0] =	sbarrier.arrive $0xFFFF  }
0x150: {  	_ =	strace $0x90000047  }
0x151: {  	s0 =	stileid.u32;
	[bflag:$0x2] =	sbarrier.arrive $0xFFFF  }
0x152: {  	p0 =	sne.s32 s0, $0x0;
	s0 =	rddreg [dreg:$0x5]  }
0x153: {  	s0 =	sadd.s32 @!p0 $0x100000, s0  }
0x154: {  	[sflag:s0] =	ssyncadd.tile.s32 @!p0 $0x1;
	_ =	shalt  }
.Lfunc_end2:
_tile_overlayer_lowered:
.L_overlay_start_2:
0x155: {  	(tag) =	ssettag $0x2  }
0x156: {  	s0 =	rddreg [dreg:$0x0];
	s2 =	stileid.u32  }
0x157: {  	s1 =	rddreg [dreg:$0x1];
	p0 =	sne.s32 s2, $0x0  }
0x158: {  	s3 =	rddreg [dreg:$0x2];
	[bflag:$0x3] =	sbarrier.arrive $0xFFFF;
	s2 =	simm.s32 @!p0 $0x1C0A  }
0x159: {  	[timem:s3], [sflag:s2] =	dma.local @!p0 [hbm:s0], s1  }
0x15a: {  	s0 =	simm.s32 @!p0 $0xA  }
0x15b: {  	_ =	swait.ge @!p0 [sflag:s0], s1  }
0x15c: {  	s1 =	ssub.s32 @!p0 $0x0, s1;
	[sflag:s0] =	ssyncset.done @!p0 $0x0  }
0x15d: {  	[sflag:s0] =	ssyncadd.s32 @!p0 s1  }
0x15e: {  	[bflag:$0x3] =	sbarrier.arrive $0xFFFF  }
0x15f: {  	_ =	shalt  }

// kernel: kernel.8.cloned.1.call-start
scs
__scs_entry_jumppad:
0x0: {  	(pc) =	sbr.rel $0x88, $3  }
0x1: {  	(tag) =	ssettag $0x0;
	lr =	simm.s32 $0x1  }
0x2: {  	[smem:$0x3F9A] =	sst lr;
	_ =	strace $0xD0000000  }
0x3: {  	_ = 	snop  }
0x4: {  	_ = 	snop  }
0x5: {  	_ = 	snop  }
0x6: {  	_ = 	snop  }
0x7: {  	_ = 	snop  }
__scs_overlays_trampoline_lowered:
0x8: {  	[smem:$0x3FA9] =	sst s0  }
0x9: {  	[smem:$0x3FAA] =	sst s1  }
0xa: {  	[smem:$0x3FAB] =	sst s2  }
0xb: {  	[smem:$0x3FAC] =	sst s3  }
0xc: {  	[smem:$0x3FAD] =	sst s4  }
0xd: {  	[smem:$0x3FAE] =	sst s5  }
0xe: {  	[smem:$0x3FAF] =	sst s6  }
0xf: {  	[smem:$0x3FB0] =	sst s7  }
0x10: {  	[smem:$0x3FB1] =	sst s8  }
0x11: {  	[smem:$0x3FB2] =	sst s9;
	s0 =	simm.s32 @!p0 $0x0  }
0x12: {  	s1 =	sld [smem:$0x3F98];
	s0 =	simm.s32 @p0 $0x1  }
0x13: {  	[smem:$0x3FB3] =	sst s0;
	s0 =	simm.s32 @!p1 $0x0  }
0x14: {  	s2 =	sld [smem:$0x3F97];
	s0 =	simm.s32 @p1 $0x1  }
0x15: {  	[smem:$0x3FB4] =	sst s0;
	s0 =	simm.s32 @!p2 $0x0  }
0x16: {  	s3 =	sld [smem:$0x3FDB];
	s0 =	simm.s32 @p2 $0x1  }
0x17: {  	s4 =	simm.s32 $0x1BF5;
	[smem:$0x3FB6] =	sst s0  }
0x18: {  	s0 =	sld [smem:$0x3F99];
	_ =	swait.ge [sflag:s4], $0x0  }
0x19: {  	s7 =	sld [smem:$0x3F9A]  }
0x1a: {  	s8 =	sadd.s32 $0xFFFFE003, lr  }
0x1b: {  	s9 =	sadd.s32 $0xFFFFFEF7, lr;
	s5 =	simm.s32 $0xFFFFFFFF;
	p2 =	slt.u32 s8, $0xFFFFF086  }
0x1c: {  	p1 =	slt.u32 s9, $0xF7A;
	s5 =	simm.s32 @!p2 $0x0  }
0x1d: {  	s5 =	simm.s32 @p1 $0x1;
	p0 =	seq.s32 s7, s2  }
0x1e: {  	s7 =	smul.u32 @!p0 $0xF7A, s2;
	p2 =	seq.s32 @!p0 s5, $0x0  }
0x1f: {  	s9 =	smul.u32 $0xF7A, s1;
	s8 =	simm.s32 @!p0 $0x1BF5;
	p2 =	por !p2, p0  }
0x20: {  	[sflag:s8] =	ssyncset.s32 @!p0 $0xFFFFF086;
	s6 =	sadd.s32 @!p0 s3, s7;
	s7 =	simm.s32 @!p0 $0x108  }
0x21: {  	s3 =	sadd.s32 s3, s9;
	s6 =	sadd.s32 @!p0 $0x88, s6;
	s7 =	simm.s32 @p2 $0x1082  }
0x22: {  	[simem:s7], [sflag:s8] =	dma.local @!p0 [hbm:s6], $0xF7A  }
0x23: {  	s9 =	sor.u32 $0xD0000000, s2;
	s6 =	simm.s32 $0x108;
	_ =	swait.ge @!p0 [sflag:s8], $0x0  }
0x24: {  	s3 =	sadd.s32 $0x88, s3;
	s6 =	simm.s32 @!p1 $0x1082;
	[sflag:s4] =	ssyncset.s32 $0xFFFFF086  }
0x25: {  	[simem:s6], [sflag:s4] =	dma.local [hbm:s3], $0xF7A  }
0x26: {  	[smem:$0x3F9A] =	sst s1;
	(tag) =	ssettag s2;
	_ =	strace s9  }
0x27: {  	s1 =	sld [smem:$0x3FAA]  }
0x28: {  	s2 =	sld [smem:$0x3FAB]  }
0x29: {  	s4 =	sld [smem:$0x3FAD]  }
0x2a: {  	p0 =	seq.s32 s5, $0x0;
	s5 =	sld [smem:$0x3FAE]  }
0x2b: {  	s6 =	sld [smem:$0x3FAF]  }
0x2c: {  	s7 =	sld [smem:$0x3FB0]  }
0x2d: {  	s3 =	simm.s32 $0x108;
	s8 =	sld [smem:$0x3FB1]  }
0x2e: {  	s3 =	simm.s32 @!p0 $0x1082;
	s9 =	sld [smem:$0x3FB2]  }
0x2f: {  	lr =	sadd.s32 s0, s3;
	s0 =	sld [smem:$0x3FA9]  }
0x30: {  	s3 =	sld [smem:$0x3FAC]  }
0x31: {  	[smem:$0x3FB5] =	sst s10  }
0x32: {  	s10 =	sld [smem:$0x3FB3];
	_ =	sdelay $0x3  }
0x33: {  	p0 =	seq.s32 s10, $0x1;
	s10 =	sld [smem:$0x3FB5];
	_ =	sdelay $0x3  }
0x34: {  	[smem:$0x3FB5] =	sst s10  }
0x35: {  	s10 =	sld [smem:$0x3FB4];
	_ =	sdelay $0x3  }
0x36: {  	p1 =	seq.s32 s10, $0x1;
	s10 =	sld [smem:$0x3FB5];
	_ =	sdelay $0x3  }
0x37: {  	[smem:$0x3FB5] =	sst s10  }
0x38: {  	s10 =	sld [smem:$0x3FB6]  }
0x39: {  	_ = 	snop;
	(pc) =	sbr.ind lr, $3  }
0x3a: {  	_ = 	snop  }
0x3b: {  	_ = 	snop  }
0x3c: {  	p2 =	seq.s32 s10, $0x1;
	s10 =	sld [smem:$0x3FB5]  }
0x3d: {  	_ =	shalt  }
0x3e: {  	_ =	shalt  }
0x3f: {  	_ =	shalt  }
0x40: {  	_ =	shalt  }
0x41: {  	_ =	shalt  }
0x42: {  	_ =	shalt  }
0x43: {  	_ =	shalt  }
0x44: {  	_ =	shalt  }
0x45: {  	_ =	shalt  }
0x46: {  	_ =	shalt  }
0x47: {  	_ =	shalt  }
0x48: {  	_ =	shalt  }
0x49: {  	_ =	shalt  }
0x4a: {  	_ =	shalt  }
0x4b: {  	_ =	shalt  }
0x4c: {  	_ =	shalt  }
0x4d: {  	_ =	shalt  }
0x4e: {  	_ =	shalt  }
0x4f: {  	_ =	shalt  }
0x50: {  	_ =	shalt  }
0x51: {  	_ =	shalt  }
0x52: {  	_ =	shalt  }
0x53: {  	_ =	shalt  }
0x54: {  	_ =	shalt  }
0x55: {  	_ =	shalt  }
0x56: {  	_ =	shalt  }
0x57: {  	_ =	shalt  }
0x58: {  	_ =	shalt  }
0x59: {  	_ =	shalt  }
0x5a: {  	_ =	shalt  }
0x5b: {  	_ =	shalt  }
0x5c: {  	_ =	shalt  }
0x5d: {  	_ =	shalt  }
0x5e: {  	_ =	shalt  }
0x5f: {  	_ =	shalt  }
0x60: {  	_ =	shalt  }
0x61: {  	_ =	shalt  }
0x62: {  	_ =	shalt  }
0x63: {  	_ =	shalt  }
0x64: {  	_ =	shalt  }
0x65: {  	_ =	shalt  }
0x66: {  	_ =	shalt  }
0x67: {  	_ =	shalt  }
0x68: {  	_ =	shalt  }
0x69: {  	_ =	shalt  }
0x6a: {  	_ =	shalt  }
0x6b: {  	_ =	shalt  }
0x6c: {  	_ =	shalt  }
0x6d: {  	_ =	shalt  }
0x6e: {  	_ =	shalt  }
0x6f: {  	_ =	shalt  }
0x70: {  	_ =	shalt  }
0x71: {  	_ =	shalt  }
0x72: {  	_ =	shalt  }
0x73: {  	_ =	shalt  }
0x74: {  	_ =	shalt  }
0x75: {  	_ =	shalt  }
0x76: {  	_ =	shalt  }
0x77: {  	_ =	shalt  }
0x78: {  	_ =	shalt  }
0x79: {  	_ =	shalt  }
0x7a: {  	_ =	shalt  }
0x7b: {  	_ =	shalt  }
0x7c: {  	_ =	shalt  }
0x7d: {  	_ =	shalt  }
0x7e: {  	_ =	shalt  }
0x7f: {  	_ =	shalt  }
0x80: {  	_ =	shalt  }
0x81: {  	_ =	shalt  }
0x82: {  	_ =	shalt  }
0x83: {  	_ =	shalt  }
0x84: {  	_ =	shalt  }
0x85: {  	_ =	shalt  }
0x86: {  	_ =	shalt  }
0x87: {  	_ =	shalt  }
.Lfunc_end0:
.L_simem_size_0:
called_computation.1_lowered:
.L_overlay_start_0:
0x88: {  	s2 =	sld [smem:$0x3FD9]  }
0x89: {  	s3 =	sld [smem:$0x3FFE];
	_ =	sdelay $0x1  }
0x8a: {  	s1 =	srdreg.scid  }
0x8b: {  	s0 =	sand.u32 $0x1, s1  }
0x8c: {  	s17 =	sshll.u32 s0, $0xA;
	s2 =	sadd.s32 s3, s2  }
0x8d: {  	s2 =	sadd.s32 s2, s17  }
0x8e: {  	[smem:$0x3FC1] =	sst s2  }
0x8f: {  	_ = 	snop  }
0x90: {  	s2 =	sld [smem:$0x3FC7]  }
0x91: {  	s18 =	sld [smem:$0x3FC6]  }
0x92: {  	s4 =	sld [smem:$0x3FD0];
	(tm) =	ssettm $0x1  }
0x93: {  	s5 =	sld [smem:$0x3FFB];
	_ =	sdelay $0x3  }
0x94: {  	_ =	strace s5  }
0x95: {  	s5 =	sld [smem:$0x3FFC];
	_ =	sdelay $0x3  }
0x96: {  	_ =	strace s5  }
0x97: {  	s5 =	sld [smem:$0x3FFD];
	_ =	sdelay $0x3  }
0x98: {  	_ =	strace s5  }
0x99: {  	_ =	strace $0x8FFFFFFF  }
0x9a: {  	s19 =	sld [smem:$0x3FDB];
	_ =	sdelay $0x1  }
0x9b: {  	s6 =	simm.s32 $_scs_section_size  }
0x9c: {  	s7 =	simm.s32 $_size__tile_overlayer_lowered;
	s8 =	simm.s32 $_tile_overlayer_lowered  }
0x9d: {  	s22 =	simm.s32 $0x1BFF;
	s21 =	sshll.u32 s8, $0x1;
	s5 =	sadd.s32 s6, s19  }
0x9e: {  	s9 =	simm.s32 $0x0;
	s20 =	sshll.u32 s7, $0x1;
	s7 =	sadd.s32 s21, s5  }
0x9f: {  	[timem:s9], [sflag:s22] =	dma.local [hbm:s7], s20  }
0xa0: {  	_ =	swait.ge [sflag:s22], s20  }
0xa1: {  	s6 =	ssub.s32 $0x0, s20;
	[sflag:s22] =	ssyncset.done $0x0  }
0xa2: {  	[sflag:s22] =	ssyncadd.s32 s6;
	_ =	sdelay $0x1  }
0xa3: {  	s23 =	simm.s32 $0x1B8B  }
0xa4: {  	_ =	swait.ge [sflag:s23], $0x1  }
0xa5: {  	[sflag:s23] =	ssyncset.done $0x0  }
0xa6: {  	s25 =	simm.s32 $0x1B8E;
	s24 =	sld [smem:$0x3FFE];
	[sflag:s23] =	ssyncadd.s32 $0xFFFFFFFF  }
0xa7: {  	s26 =	simm.s32 $execute0_lowered;
	[smem:$0x3FD2] =	sst s25  }
0xa8: {  	s7 =	sshll.u32 s26, $0x1;
	_ =	strace $0x80000049;
	[dreg:$0x1] =	wrdreg $0xFFFFFFFF  }
0xa9: {  	s28 =	simm.s32 $_size_execute0_lowered;
	s5 =	sadd.s32 s5, s7;
	[dreg:$0x0] =	wrdreg $0x0  }
0xaa: {  	s7 =	sshll.u32 s28, $0x1;
	[dreg:$0x2] =	wrdreg s5  }
0xab: {  	[dreg:$0x3] =	wrdreg s7  }
0xac: {  	[dreg:$0x4] =	wrdreg $0xC0  }
0xad: {  	_ =	task [dreg:s9], $0x5FFFF  }
0xae: {  	[dreg:$0x1] =	wrdreg $0xFFFFFFFF  }
0xaf: {  	[dreg:$0x0] =	wrdreg $0x60  }
0xb0: {  	[dreg:$0x2] =	wrdreg s24  }
0xb1: {  	[dreg:$0x3] =	wrdreg s2  }
0xb2: {  	[dreg:$0x4] =	wrdreg s18  }
0xb3: {  	[dreg:$0x5] =	wrdreg s4  }
0xb4: {  	[dreg:$0x6] =	wrdreg $0x9  }
0xb5: {  	_ =	task.clear_ibuf [dreg:s9], $0x7FFFF;
	_ =	strace $0x90000049  }
0xb6: {  	s29 =	simm.s32 $0x9;
	_ =	strace $0x8000004B  }
0xb7: {  	_ =	swait.ge [sflag:s29], $0x1  }
0xb8: {  	[sflag:s29] =	ssyncadd.s32 $0xFFFFFFFF  }
0xb9: {  	_ =	strace $0x9000004B  }
0xba: {  	_ =	sfence  }
0xbb: {  	s30 =	sld [smem:$0x0];
	_ =	sdelay $0x2  }
0xbc: {  	s31 =	sshll.u32 s1, $0xD;
	s1 =	sshrl.u32 s1, $0x2  }
0xbd: {  	s3 =	sand.u32 $0x4000, s31;
	s1 =	sadd.s32 s1, s30  }
0xbe: {  	s0 =	sor.u32 s3, s0;
	s1 =	sshll.u32 s1, $0x11  }
0xbf: {  	s0 =	sor.u32 s1, s0  }
0xc0: {  	s0 =	sadd.s32 $0x8F2B, s0  }
0xc1: {  	[sflag:s0] =	ssyncadd.remote.s32 $0x1  }
0xc2: {  	_ =	sfence.sel $0xFFFF  }
0xc3: {  	[dreg:$0x0] =	wrdreg $0xFFFFFFFF;
	(pc) =	sbr.abs _section_cstart, $3  }
0xc4: {  	[dreg:$0x1] =	wrdreg $0xFFFFFFFF  }
0xc5: {  	_ =	task.clear_ibuf [dreg:s9], $0x2FFFF;
	_ =	strace $0x9FFFFFFF  }
0xc6: {  	(tm) =	ssettm $0x7FFFFFFF  }
0xc7: {  	_ =	shalt  }
tec
execute0_lowered:
.L_overlay_start_1:
0x0: {  	(tag) =	ssettag $0x1  }
0x1: {  	s0 =	rddreg [dreg:$0x0]  }
0x2: {  	s1 =	rddreg [dreg:$0x1]  }
0x3: {  	s7 =	rddreg [dreg:$0x2]  }
0x4: {  	s2 =	rddreg [dreg:$0x3];
	s3 =	srdreg.scid  }
0x5: {  	s5 =	stileid.u32;
	s28 =	simm.s32 $0x1;
	s21 =	simm.s32 $0x2  }
0x6: {  	s23 =	simm.s32 $0x3;
	s24 =	simm.s32 $0x16100;
	s25 =	simm.s32 $0x4  }
0x7: {  	s26 =	simm.s32 $0x18100;
	s13 =	simm.s32 $0x7;
	s4 =	sand.u32 $0x1, s3  }
0x8: {  	s3 =	simm.s32 $0x0;
	s5 =	sshll.u32 s5, $0x8;
	s10 =	sadd.s32 $0x1000, s0  }
0x9: {  	s11 =	sadd.s32 $0x1100, s0;
	s12 =	sadd.s32 $0x1200, s0;
	s6 =	sshll.u32 s4, $0x7  }
0xa: {  	[smem:$0x7FF] =	sst s3;
	s8 =	ssub.s32 $0x2, s4;
	s4 =	sor.u32 s6, s5  }
0xb: {  	_ =	strace $0x8000004A;
	s9 =	sshrl.u32 s8, $0x1;
	s5 =	sshrl.u32 s4, $0x3  }
0xc: {  	s6 =	sadd.s32 $0xE00, s0;
	s8 =	ssub.s32 s8, s9;
	s1 =	sadd.s32 s1, s5  }
0xd: {  	v0 =	vlaneseq.u32;
	s9 =	sadd.s32 $0xF00, s0;
	s30 =	sadd.s32 s7, s5;
	[dreg:$0x5] =	wrdreg s1  }
0xe: {  	vm0 =	vmmov $0xff;
	v1 =	vshrl.u32 v0, $0x3;
	s31 =	smax.u32 s8, $0x1;
	s8 =	simm.s32 $0x6;
	[dreg:$0x6] =	wrdreg s30  }
0xf: {  	vm1 =	vmmov $0xffff;
	v0 =	vand.u32 $0x7, v0;
	v1 =	vmul.u32 $0x8, v1;
	s7 =	simm.s32 $0x8;
	[dreg:$0x7] =	wrdreg s31;
	s1 =	simm.s32 $0x0  }
.LBB2_1:
0x10: {  	[dreg:$0x8] =	wrdreg s1  }
0x11: {  	s0 =	rddreg [dreg:$0x5];
	s14 =	simm.s32 $0x9  }
0x12: {  	[tilespmem:s3], [sflag:$0x9] =	stream.linear.gather [hbm4b:s0+s3], $0x80, $0x38;
	[tilespmem:$0x1A180] =	vst v63  }
0x13: {  	_ =	swait.ge [sflag:s14], $0x80  }
0x14: {  	[sflag:s14] =	ssyncset.done $0x0  }
0x15: {  	s0 =	simm.s32 $0x80;
	s31 =	rddreg [dreg:$0x6];
	[sflag:s14] =	ssyncadd.s32 $0xFFFFFF80  }
0x16: {  	[tilespmem:s0], [sflag:$0x9] =	stream.linear.gather [hbm4b:s31+s3], $0x80, $0x38;
	[tilespmem:$0x1A180] =	vst v63  }
0x17: {  	_ =	swait.ge [sflag:s14], $0x80  }
0x18: {  	[sflag:s14] =	ssyncset.done $0x0  }
0x19: {  	[sflag:s14] =	ssyncadd.s32 $0xFFFFFF80  }
0x1a: {  	v2 =	vld [tilespmem:s0+$0x0];
	_ =	sdelay $0x4  }
0x1b: {  	s1 =	simm.s32 $0x90;
	s14 =	simm.s32 $0x10;
	v2 =	vadd.s32 $0x1, v2  }
.LBB2_2:
0x1c: {  	s14 =	sadd.s32 $0x10, s14  }
0x1d: {  	v3 =	vld [tilespmem:s1+$0x0];
	[tilespmem:s0+$0x0] =	vst v2;
	s0 =	smov.u32 s1;
	p0 =	slt.u32 s14, $0x70  }
.Ltmp0:
0x1e: {  	(pc) =	sbr.rel @p0 .LBB2_2-.Ltmp0, $2  }
0x1f: {  	_ =	sdelay $0x2  }
0x20: {  	s1 =	sadd.s32 $0x10, s1;
	v2 =	vadd.s32 $0x1, v3  }
0x21: {  	v3 =	vld [tilespmem:s1+$0x0];
	_ =	sdelay $0x4  }
0x22: {  	[tilespmem:s0+$0x0] =	vst v2;
	v2 =	vadd.s32 $0x1, v3  }
0x23: {  	[tilespmem:s1+$0x0] =	vst v2  }
0x24: {  	v2 =	vld.msk [tilespmem:$0x0], $0xff;
	_ =	sdelay $0x4  }
0x25: {  	v3 =	vshrl.u32 v2, $0x3  }
0x26: {  	v3 =	vmul.u32 $0x48, v3  }
0x27: {  	v2 =	vand.u32 $0x7, v2  }
0x28: {  	v2 =	vor.u32 v2, v3  }
0x29: {  	v2 =	vperm.xlane v2, v0;
	_ =	sdelay $0x1  }
0x2a: {  	v2 =	vadd.s32 v1, v2;
	_ =	sdelay $0x3  }
0x2b: {  	s14 =	simm.s32 $0x0;
	s17 =	simm.s32 $0x100  }
0x2c: {  	[tilespmem:s17], [sflag:$0x1] =	stream.indirect_vreg.gather [hbm4b:s6+s14], $0x80, v2, vm1, $0xb8;
	[tilespmem:$0x1A180] =	vst v63  }
0x2d: {  	s18 =	simm.s32 $0x900  }
0x2e: {  	[tilespmem:s18], [sflag:$0x1] =	stream.indirect_vreg.gather [hbm4b:s9+s14], $0x80, v2, vm1, $0xb8;
	[tilespmem:$0x1A180] =	vst v63  }
0x2f: {  	s19 =	simm.s32 $0x1100  }
0x30: {  	[tilespmem:s19], [sflag:$0x1] =	stream.indirect_vreg.gather [hbm4b:s10+s14], $0x80, v2, vm1, $0xb8;
	[tilespmem:$0x1A180] =	vst v63  }
0x31: {  	s20 =	simm.s32 $0x1900  }
0x32: {  	[tilespmem:s20], [sflag:$0x1] =	stream.indirect_vreg.gather [hbm4b:s11+s14], $0x80, v2, vm1, $0xb8;
	[tilespmem:$0x1A180] =	vst v63  }
0x33: {  	s22 =	simm.s32 $0x2100  }
0x34: {  	[tilespmem:s22], [sflag:$0x1] =	stream.indirect_vreg.gather [hbm4b:s12+s14], $0x80, v2, vm0, $0xb8;
	[tilespmem:$0x1A180] =	vst v63  }
0x35: {  	v2 =	vld.msk [tilespmem:$0x80], $0xff;
	_ =	sdelay $0x4  }
0x36: {  	v3 =	vshrl.u32 v2, $0x3  }
0x37: {  	v3 =	vmul.u32 $0x48, v3  }
0x38: {  	v2 =	vand.u32 $0x7, v2  }
0x39: {  	v2 =	vor.u32 v2, v3  }
0x3a: {  	v2 =	vperm.xlane v2, v0;
	_ =	sdelay $0x1  }
0x3b: {  	v2 =	vadd.s32 v1, v2;
	_ =	sdelay $0x3  }
0x3c: {  	s29 =	simm.s32 $0x9100  }
0x3d: {  	[tilespmem:s29], [sflag:$0x1] =	stream.indirect_vreg.gather [hbm4b:s6+s14], $0x80, v2, vm1, $0xb8;
	[tilespmem:$0x1A180] =	vst v63  }
0x3e: {  	s30 =	simm.s32 $0x9900  }
0x3f: {  	[tilespmem:s30], [sflag:$0x1] =	stream.indirect_vreg.gather [hbm4b:s9+s14], $0x80, v2, vm1, $0xb8;
	[tilespmem:$0x1A180] =	vst v63  }
0x40: {  	s31 =	simm.s32 $0xA100  }
0x41: {  	[tilespmem:s31], [sflag:$0x1] =	stream.indirect_vreg.gather [hbm4b:s10+s14], $0x80, v2, vm1, $0xb8;
	[tilespmem:$0x1A180] =	vst v63  }
0x42: {  	s1 =	simm.s32 $0xA900  }
0x43: {  	[tilespmem:s1], [sflag:$0x1] =	stream.indirect_vreg.gather [hbm4b:s11+s14], $0x80, v2, vm1, $0xb8;
	[tilespmem:$0x1A180] =	vst v63  }
0x44: {  	s15 =	simm.s32 $0xB100  }
0x45: {  	[tilespmem:s15], [sflag:$0x1] =	stream.indirect_vreg.gather [hbm4b:s12+s14], $0x80, v2, vm0, $0xb8;
	[tilespmem:$0x1A180] =	vst v63  }
0x46: {  	v2 =	vld.msk [tilespmem:$0x8], $0xff;
	_ =	sdelay $0x4  }
0x47: {  	v3 =	vshrl.u32 v2, $0x3  }
0x48: {  	v3 =	vmul.u32 $0x48, v3  }
0x49: {  	v2 =	vand.u32 $0x7, v2  }
0x4a: {  	v2 =	vor.u32 v2, v3  }
0x4b: {  	v2 =	vperm.xlane v2, v0;
	_ =	sdelay $0x1  }
0x4c: {  	v2 =	vadd.s32 v1, v2;
	_ =	sdelay $0x3  }
0x4d: {  	s16 =	simm.s32 $0x2500  }
0x4e: {  	[tilespmem:s16], [sflag:$0x2] =	stream.indirect_vreg.gather [hbm4b:s6+s14], $0x80, v2, vm1, $0xb8;
	[tilespmem:$0x1A180] =	vst v63  }
0x4f: {  	s17 =	simm.s32 $0x2D00  }
0x50: {  	[tilespmem:s17], [sflag:$0x2] =	stream.indirect_vreg.gather [hbm4b:s9+s14], $0x80, v2, vm1, $0xb8;
	[tilespmem:$0x1A180] =	vst v63  }
0x51: {  	s18 =	simm.s32 $0x3500  }
0x52: {  	[tilespmem:s18], [sflag:$0x2] =	stream.indirect_vreg.gather [hbm4b:s10+s14], $0x80, v2, vm1, $0xb8;
	[tilespmem:$0x1A180] =	vst v63  }
0x53: {  	s19 =	simm.s32 $0x3D00  }
0x54: {  	[tilespmem:s19], [sflag:$0x2] =	stream.indirect_vreg.gather [hbm4b:s11+s14], $0x80, v2, vm1, $0xb8;
	[tilespmem:$0x1A180] =	vst v63  }
0x55: {  	s20 =	simm.s32 $0x4500  }
0x56: {  	[tilespmem:s20], [sflag:$0x2] =	stream.indirect_vreg.gather [hbm4b:s12+s14], $0x80, v2, vm0, $0xb8;
	[tilespmem:$0x1A180] =	vst v63  }
0x57: {  	v2 =	vld.msk [tilespmem:$0x88], $0xff;
	_ =	sdelay $0x4  }
0x58: {  	v3 =	vshrl.u32 v2, $0x3  }
0x59: {  	v3 =	vmul.u32 $0x48, v3  }
0x5a: {  	v2 =	vand.u32 $0x7, v2  }
0x5b: {  	v2 =	vor.u32 v2, v3  }
0x5c: {  	v2 =	vperm.xlane v2, v0;
	_ =	sdelay $0x1  }
0x5d: {  	v2 =	vadd.s32 v1, v2;
	_ =	sdelay $0x3  }
0x5e: {  	s22 =	simm.s32 $0xB500  }
0x5f: {  	[tilespmem:s22], [sflag:$0x2] =	stream.indirect_vreg.gather [hbm4b:s6+s14], $0x80, v2, vm1, $0xb8;
	[tilespmem:$0x1A180] =	vst v63  }
0x60: {  	s29 =	simm.s32 $0xBD00  }
0x61: {  	[tilespmem:s29], [sflag:$0x2] =	stream.indirect_vreg.gather [hbm4b:s9+s14], $0x80, v2, vm1, $0xb8;
	[tilespmem:$0x1A180] =	vst v63  }
0x62: {  	s30 =	simm.s32 $0xC500  }
0x63: {  	[tilespmem:s30], [sflag:$0x2] =	stream.indirect_vreg.gather [hbm4b:s10+s14], $0x80, v2, vm1, $0xb8;
	[tilespmem:$0x1A180] =	vst v63  }
0x64: {  	s31 =	simm.s32 $0xCD00  }
0x65: {  	[tilespmem:s31], [sflag:$0x2] =	stream.indirect_vreg.gather [hbm4b:s11+s14], $0x80, v2, vm1, $0xb8;
	[tilespmem:$0x1A180] =	vst v63  }
0x66: {  	s1 =	simm.s32 $0xD500  }
0x67: {  	[tilespmem:s1], [sflag:$0x2] =	stream.indirect_vreg.gather [hbm4b:s12+s14], $0x80, v2, vm0, $0xb8;
	[tilespmem:$0x1A180] =	vst v63  }
0x68: {  	v2 =	vld.msk [tilespmem:$0x10], $0xff;
	_ =	sdelay $0x4  }
0x69: {  	v3 =	vshrl.u32 v2, $0x3  }
0x6a: {  	v3 =	vmul.u32 $0x48, v3  }
0x6b: {  	v2 =	vand.u32 $0x7, v2  }
0x6c: {  	v2 =	vor.u32 v2, v3  }
0x6d: {  	v2 =	vperm.xlane v2, v0;
	_ =	sdelay $0x1  }
0x6e: {  	v2 =	vadd.s32 v1, v2;
	_ =	sdelay $0x3  }
0x6f: {  	s15 =	simm.s32 $0x4900  }
0x70: {  	[tilespmem:s15], [sflag:$0x3] =	stream.indirect_vreg.gather [hbm4b:s6+s14], $0x80, v2, vm1, $0xb8;
	[tilespmem:$0x1A180] =	vst v63  }
0x71: {  	s16 =	simm.s32 $0x5100  }
0x72: {  	[tilespmem:s16], [sflag:$0x3] =	stream.indirect_vreg.gather [hbm4b:s9+s14], $0x80, v2, vm1, $0xb8;
	[tilespmem:$0x1A180] =	vst v63  }
0x73: {  	s17 =	simm.s32 $0x5900  }
0x74: {  	[tilespmem:s17], [sflag:$0x3] =	stream.indirect_vreg.gather [hbm4b:s10+s14], $0x80, v2, vm1, $0xb8;
	[tilespmem:$0x1A180] =	vst v63  }
0x75: {  	s18 =	simm.s32 $0x6100  }
0x76: {  	[tilespmem:s18], [sflag:$0x3] =	stream.indirect_vreg.gather [hbm4b:s11+s14], $0x80, v2, vm1, $0xb8;
	[tilespmem:$0x1A180] =	vst v63  }
0x77: {  	s19 =	simm.s32 $0x6900  }
0x78: {  	[tilespmem:s19], [sflag:$0x3] =	stream.indirect_vreg.gather [hbm4b:s12+s14], $0x80, v2, vm0, $0xb8;
	[tilespmem:$0x1A180] =	vst v63  }
0x79: {  	v2 =	vld.msk [tilespmem:$0x90], $0xff;
	_ =	sdelay $0x4  }
0x7a: {  	v3 =	vshrl.u32 v2, $0x3  }
0x7b: {  	v3 =	vmul.u32 $0x48, v3  }
0x7c: {  	v2 =	vand.u32 $0x7, v2  }
0x7d: {  	v2 =	vor.u32 v2, v3  }
0x7e: {  	v2 =	vperm.xlane v2, v0;
	_ =	sdelay $0x1  }
0x7f: {  	v2 =	vadd.s32 v1, v2;
	_ =	sdelay $0x3  }
0x80: {  	s20 =	simm.s32 $0xD900  }
0x81: {  	[tilespmem:s20], [sflag:$0x3] =	stream.indirect_vreg.gather [hbm4b:s6+s14], $0x80, v2, vm1, $0xb8;
	[tilespmem:$0x1A180] =	vst v63  }
0x82: {  	s22 =	simm.s32 $0xE100  }
0x83: {  	[tilespmem:s22], [sflag:$0x3] =	stream.indirect_vreg.gather [hbm4b:s9+s14], $0x80, v2, vm1, $0xb8;
	[tilespmem:$0x1A180] =	vst v63  }
0x84: {  	s29 =	simm.s32 $0xE900  }
0x85: {  	[tilespmem:s29], [sflag:$0x3] =	stream.indirect_vreg.gather [hbm4b:s10+s14], $0x80, v2, vm1, $0xb8;
	[tilespmem:$0x1A180] =	vst v63  }
0x86: {  	s30 =	simm.s32 $0xF100  }
0x87: {  	[tilespmem:s30], [sflag:$0x3] =	stream.indirect_vreg.gather [hbm4b:s11+s14], $0x80, v2, vm1, $0xb8;
	[tilespmem:$0x1A180] =	vst v63  }
0x88: {  	s31 =	simm.s32 $0xF900  }
0x89: {  	[tilespmem:s31], [sflag:$0x3] =	stream.indirect_vreg.gather [hbm4b:s12+s14], $0x80, v2, vm0, $0xb8;
	[tilespmem:$0x1A180] =	vst v63  }
.LBB2_4:
0x8a: {  	_ =	swait.ge [sflag:s28], $0x2400  }
0x8b: {  	[sflag:s28] =	ssyncset.done $0x0  }
0x8c: {  	[sflag:s28] =	ssyncadd.s32 $0xFFFFDC00  }
0x8d: {  	_ =	swait.ge [sflag:s28], $0x2400  }
0x8e: {  	s29 =	sshllo.u32 s14, $0x2;
	[sflag:s28] =	ssyncset.done $0x0  }
0x8f: {  	s0 =	sshll.u32 s29, $0x3;
	[sflag:s28] =	ssyncadd.s32 $0xFFFFDC00  }
0x90: {  	v2 =	vld.msk [tilespmem:s0+$0x0], $0xff;
	_ =	sdelay $0x4  }
0x91: {  	v3 =	vshrl.u32 v2, $0x3  }
0x92: {  	v3 =	vmul.u32 $0x48, v3  }
0x93: {  	v2 =	vand.u32 $0x7, v2  }
0x94: {  	v2 =	vor.u32 v2, v3  }
0x95: {  	v2 =	vperm.xlane v2, v0;
	_ =	sdelay $0x1  }
0x96: {  	v2 =	vadd.s32 v1, v2;
	_ =	sdelay $0x3  }
0x97: {  	s1 =	simm.s32 $0x6D00  }
0x98: {  	[tilespmem:s1], [sflag:$0x4] =	stream.indirect_vreg.gather [hbm4b:s6+s3], $0x80, v2, vm1, $0xb8;
	[tilespmem:$0x1A180] =	vst v63  }
0x99: {  	s19 =	simm.s32 $0x7500  }
0x9a: {  	[tilespmem:s19], [sflag:$0x4] =	stream.indirect_vreg.gather [hbm4b:s9+s3], $0x80, v2, vm1, $0xb8;
	[tilespmem:$0x1A180] =	vst v63  }
0x9b: {  	s20 =	simm.s32 $0x7D00  }
0x9c: {  	[tilespmem:s20], [sflag:$0x4] =	stream.indirect_vreg.gather [hbm4b:s10+s3], $0x80, v2, vm1, $0xb8;
	[tilespmem:$0x1A180] =	vst v63  }
0x9d: {  	s22 =	simm.s32 $0x8500  }
0x9e: {  	[tilespmem:s22], [sflag:$0x4] =	stream.indirect_vreg.gather [hbm4b:s11+s3], $0x80, v2, vm1, $0xb8;
	[tilespmem:$0x1A180] =	vst v63  }
0x9f: {  	s30 =	simm.s32 $0x8D00  }
0xa0: {  	[tilespmem:s30], [sflag:$0x4] =	stream.indirect_vreg.gather [hbm4b:s12+s3], $0x80, v2, vm0, $0xb8;
	[tilespmem:$0x1A180] =	vst v63  }
0xa1: {  	v2 =	vld.msk [tilespmem:s0+$0x80], $0xff;
	_ =	sdelay $0x4  }
0xa2: {  	v3 =	vshrl.u32 v2, $0x3  }
0xa3: {  	v3 =	vmul.u32 $0x48, v3  }
0xa4: {  	v2 =	vand.u32 $0x7, v2  }
0xa5: {  	v2 =	vor.u32 v2, v3  }
0xa6: {  	v2 =	vperm.xlane v2, v0;
	_ =	sdelay $0x1  }
0xa7: {  	v2 =	vadd.s32 v1, v2;
	_ =	sdelay $0x3  }
0xa8: {  	s15 =	simm.s32 $0xFD00  }
0xa9: {  	[tilespmem:s15], [sflag:$0x4] =	stream.indirect_vreg.gather [hbm4b:s6+s3], $0x80, v2, vm1, $0xb8;
	[tilespmem:$0x1A180] =	vst v63  }
0xaa: {  	s16 =	simm.s32 $0x10500  }
0xab: {  	[tilespmem:s16], [sflag:$0x4] =	stream.indirect_vreg.gather [hbm4b:s9+s3], $0x80, v2, vm1, $0xb8;
	[tilespmem:$0x1A180] =	vst v63  }
0xac: {  	s17 =	simm.s32 $0x10D00  }
0xad: {  	[tilespmem:s17], [sflag:$0x4] =	stream.indirect_vreg.gather [hbm4b:s10+s3], $0x80, v2, vm1, $0xb8;
	[tilespmem:$0x1A180] =	vst v63  }
0xae: {  	s18 =	simm.s32 $0x11500;
	p0 =	seq.s32 s14, $0x0  }
0xaf: {  	[tilespmem:s18], [sflag:$0x4] =	stream.indirect_vreg.gather [hbm4b:s11+s3], $0x80, v2, vm1, $0xb8;
	[tilespmem:$0x1A180] =	vst v63  }
0xb0: {  	s19 =	simm.s32 $0x11D00;
	s0 =	simm.s32 @!p0 $0x5  }
0xb1: {  	[tilespmem:s19], [sflag:$0x4] =	stream.indirect_vreg.gather [hbm4b:s12+s3], $0x80, v2, vm0, $0xb8;
	[tilespmem:$0x1A180] =	vst v63  }
0xb2: {  	_ =	swait.ge @!p0 [sflag:s0], $0x2000  }
0xb3: {  	[sflag:s0] =	ssyncset.done @!p0 $0x0  }
0xb4: {  	s20 =	simm.s32 $0x0;
	[sflag:s0] =	ssyncadd.s32 @!p0 $0xFFFFE000  }
0xb5: {  	v2 =	vld [tilespmem:s20+$0xB100]  }
0xb6: {  	v3 =	vld [tilespmem:s20+$0x2100];
	_ =	sdelay $0x4  }
0xb7: {  	s22 =	simm.s32 $0x80;
	v2 =	vsub.f32 v2, v3  }
0xb8: {  	v3 =	vld [tilespmem:s22+$0xB100]  }
0xb9: {  	s30 =	simm.s32 $0x100;
	(erf) = vrcp.f32 v2;
	v2 =	vld [tilespmem:s22+$0x2100]  }
0xba: {  	v4 =	vld [tilespmem:s30+$0xB100]  }
0xbb: {  	v5 =	vld [tilespmem:s30+$0x2100];
	_ =	sdelay $0x2  }
0xbc: {  	v2 =	vsub.f32 v3, v2;
	_ =	sdelay $0x1  }
0xbd: {  	v4 =	vsub.f32 v4, v5;
	(erf) = vrcp.f32 v2;
	_ =	sdelay $0x1  }
0xbe: {  	s15 =	simm.s32 $0x180;
	v3 =	vpop (erf);
	(erf) = vrcp.f32 v4  }
0xbf: {  	s0 =	simm.s32 $0x1A100;
	v2 =	vld [tilespmem:s15+$0xB100]  }
0xc0: {  	s31 =	sshll.u32 s14, $0x2;
	s1 =	simm.s32 $0x800;
	[tilespmem:s0+$0x0] =	vst v3;
	v3 =	vld [tilespmem:s15+$0x2100]  }
.LBB2_5:
0xc1: {  	_ = 	snop  }
0xc2: {  	p0 =	sne.s32 s1, $0xE00  }
.Ltmp1:
0xc3: {  	_ = 	snop;
	(pc) =	sbr.rel @p0 .LBB2_5-.Ltmp1, $4  }
0xc4: {  	_ = 	snop  }
0xc5: {  	s15 =	sshra.s32 s1, $0x2;
	v4 =	vpop (erf);
	s0 =	sadd.s32 $0x10, s0;
	v5 =	vsub.f32 v2, v3  }
0xc6: {  	v2 =	vld [tilespmem:s15+$0xB100];
	[tilespmem:s0+$0x0] =	vst v4  }
0xc7: {  	s1 =	sadd.s32 $0x200, s1;
	v3 =	vld [tilespmem:s15+$0x2100];
	(erf) = vrcp.f32 v5  }
0xc8: {  	_ =	sdelay $0x3  }
0xc9: {  	v2 =	vsub.f32 v2, v3;
	_ =	sdelay $0x1  }
0xca: {  	(erf) = vrcp.f32 v2;
	_ =	sdelay $0x6  }
0xcb: {  	s0 =	sadd.s32 $0x10, s0;
	v2 =	vpop (erf)  }
0xcc: {  	[tilespmem:s0+$0x0] =	vst v2;
	v2 =	vpop (erf);
	s0 =	sadd.s32 $0x10, s0  }
0xcd: {  	s15 =	simm.s32 $0x9140;
	[tilespmem:s0+$0x0] =	vst v2;
	s1 =	sadd.s32 $0x10, s0;
	v2 =	vpop (erf)  }
0xce: {  	s16 =	simm.s32 $0x12140;
	s0 =	simm.s32 $0x0;
	[tilespmem:s1+$0x0] =	vst v2;
	s1 =	simm.s32 $0x140  }
.LBB2_7:
0xcf: {  	v4 =	vld [tilespmem:s15+$0x30]  }
0xd0: {  	v5 =	vld [tilespmem:s1+$0x30]  }
0xd1: {  	v3 =	vld [tilespmem:s1+$0xFFFFFFC0]  }
0xd2: {  	v6 =	vld [tilespmem:s15+$0xFFFFFFD0]  }
0xd3: {  	v7 =	vld [tilespmem:s1+$0xFFFFFFD0]  }
0xd4: {  	s17 =	sshll.u32 s0, $0x4;
	v8 =	vld [tilespmem:s15+$0xFFFFFFE0]  }
0xd5: {  	v9 =	vld [tilespmem:s1+$0xFFFFFFE0];
	s17 =	sand.u32 $0x3FFFFFF0, s17  }
0xd6: {  	v2 =	vld [tilespmem:s17+$0x1A100]  }
0xd7: {  	v10 =	vld [tilespmem:s15+$0xFFFFFFF0]  }
0xd8: {  	v11 =	vld [tilespmem:s1+$0xFFFFFFF0]  }
0xd9: {  	v12 =	vld [tilespmem:s15+$0x0];
	v4 =	vsub.f32 v4, v5  }
0xda: {  	v13 =	vld [tilespmem:s1+$0x0];
	v5 =	vsub.f32 v6, v7  }
0xdb: {  	v8 =	vsub.f32 v8, v9;
	v6 =	vld [tilespmem:s1+$0x10];
	v7 =	vmul.f32 v4, v2  }
0xdc: {  	v4 =	vld [tilespmem:s15+$0x10];
	v9 =	vmul.f32 v5, v2  }
0xdd: {  	v10 =	vsub.f32 v10, v11;
	v14 =	vmul.f32 v8, v2;
	v5 =	vld [tilespmem:s15+$0x20];
	[tilespmem:s16+$0x30] =	vst v7  }
0xde: {  	s18 =	simm.s32 $0x0;
	v8 =	vld [tilespmem:s1+$0x20];
	[tilespmem:s16+$0xFFFFFFD0] =	vst v9  }
0xdf: {  	s19 =	sadd.s32 $0x400, s15;
	s20 =	smov.u32 s1;
	s17 =	smov.u32 s16;
	v7 =	vld [tilespmem:s15+$0xFFFFFFC0];
	[tilespmem:s16+$0xFFFFFFE0] =	vst v14;
	v9 =	vmul.f32 v10, v2;
	v10 =	vsub.f32 v12, v13  }
.LBB2_8:
0xe0: {  	v11 =	vld [tilespmem:s19+$0x30];
	s20 =	sadd.s32 $0x400, s20  }
0xe1: {  	s18 =	sadd.s32 $0x80, s18;
	v12 =	vld [tilespmem:s20+$0x30];
	[tilespmem:s17+$0xFFFFFFF0] =	vst v9;
	v9 =	vmul.f32 v10, v2;
	v4 =	vsub.f32 v4, v6  }
0xe2: {  	p0 =	slt.u32 s18, $0x380;
	v6 =	vld [tilespmem:s20+$0xFFFFFFC0]  }
0xe3: {  	v10 =	vld [tilespmem:s19+$0xFFFFFFD0];
	[tilespmem:s17+$0x0] =	vst v9;
	v4 =	vmul.f32 v4, v2;
	v5 =	vsub.f32 v5, v8  }
0xe4: {  	v8 =	vld [tilespmem:s20+$0xFFFFFFD0];
	v13 =	vsub.f32 v7, v3  }
0xe5: {  	v7 =	vld [tilespmem:s19+$0xFFFFFFE0];
	[tilespmem:s17+$0x10] =	vst v4;
	v4 =	vmul.f32 v5, v2  }
0xe6: {  	v5 =	vld [tilespmem:s20+$0xFFFFFFE0];
	v9 =	vsub.f32 v11, v12;
	v11 =	vmul.f32 v13, v2  }
0xe7: {  	v12 =	vld [tilespmem:s19+$0xFFFFFFF0];
	[tilespmem:s17+$0x20] =	vst v4;
	v3 =	vmov v6  }
0xe8: {  	v13 =	vld [tilespmem:s20+$0xFFFFFFF0];
	v4 =	vmul.f32 v9, v2;
	[tilespmem:s17+$0xFFFFFFC0] =	vst v11  }
0xe9: {  	s17 =	sadd.s32 $0x400, s17;
	v6 =	vsub.f32 v10, v8;
	v10 =	vld [tilespmem:s19+$0x0]  }
0xea: {  	v11 =	vld [tilespmem:s20+$0x0];
	[tilespmem:s17+$0x30] =	vst v4  }
.Ltmp2:
0xeb: {  	v8 =	vmul.f32 v6, v2;
	v5 =	vsub.f32 v7, v5;
	v4 =	vld [tilespmem:s19+$0x10];
	(pc) =	sbr.rel @p0 .LBB2_8-.Ltmp2, $4  }
0xec: {  	v6 =	vld [tilespmem:s20+$0x10]  }
0xed: {  	[tilespmem:s17+$0xFFFFFFD0] =	vst v8;
	v9 =	vmul.f32 v5, v2;
	v12 =	vsub.f32 v12, v13;
	v5 =	vld [tilespmem:s19+$0x20]  }
0xee: {  	v8 =	vld [tilespmem:s20+$0x20]  }
0xef: {  	v7 =	vld [tilespmem:s19+$0xFFFFFFC0];
	[tilespmem:s17+$0xFFFFFFE0] =	vst v9;
	v9 =	vmul.f32 v12, v2;
	v10 =	vsub.f32 v10, v11;
	s19 =	sadd.s32 $0x400, s19  }
0xf0: {  	_ =	sdelay $0x1  }
0xf1: {  	s0 =	sadd.s32 $0x1, s0;
	v4 =	vsub.f32 v4, v6  }
0xf2: {  	v63 =	vmul.f32 v10, v2;
	p0 =	sne.s32 s0, $0x8;
	v5 =	vsub.f32 v5, v8  }
.Ltmp3:
0xf3: {  	[tilespmem:s17+$0xFFFFFFF0] =	vst v9;
	v4 =	vmul.f32 v4, v2;
	v3 =	vsub.f32 v7, v3;
	(pc) =	sbr.rel @p0 .LBB2_7-.Ltmp3, $4  }
0xf4: {  	[tilespmem:s17+$0x0] =	vst v63;
	v5 =	vmul.f32 v5, v2  }
0xf5: {  	[tilespmem:s17+$0x10] =	vst v4;
	v2 =	vmul.f32 v3, v2  }
0xf6: {  	[tilespmem:s17+$0x20] =	vst v5  }
0xf7: {  	s1 =	sadd.s32 $0x80, s1;
	s15 =	sadd.s32 $0x80, s15;
	s16 =	sadd.s32 $0x80, s16;
	[tilespmem:s17+$0xFFFFFFC0] =	vst v2  }
0xf8: {  	s30 =	sshll.u32 s14, $0x5  }
0xf9: {  	s0 =	sor.u32 s4, s30  }
0xfa: {  	s0 =	sshrl.u32 s0, $0x3  }
0xfb: {  	s0 =	smul.u32 $0x6400, s0;
	_ =	sdelay $0x1  }
0xfc: {  	s0 =	sshrl.u32 s0, $0x3  }
0xfd: {  	s0 =	sadd.s32 s2, s0  }
0xfe: {  	s15 =	simm.s32 $0x12100;
	s1 =	sadd.s32 $0x880, s0  }
0xff: {  	[hbm4b:s1+s3] =	stream.linear.scatter [tilespmem:s15], [sflag:$0x5], $0x2000, $0x38;
	[tilespmem:$0x1A180] =	vst v63  }
0x100: {  	_ =	swait.ge [sflag:s21], $0x2400  }
0x101: {  	[sflag:s21] =	ssyncset.done $0x0  }
0x102: {  	[sflag:s21] =	ssyncadd.s32 $0xFFFFDC00  }
0x103: {  	_ =	swait.ge [sflag:s21], $0x2400  }
0x104: {  	[sflag:s21] =	ssyncset.done $0x0  }
0x105: {  	p0 =	seq.s32 s14, $0x3;
	[sflag:s21] =	ssyncadd.s32 $0xFFFFDC00  }
0x106: {  	v2 =	vld.msk @!p0 [tilespmem:s30+$0x20], $0xff;
	_ =	sdelay $0x4  }
0x107: {  	v3 =	vshrl.u32 @!p0 v2, $0x3  }
0x108: {  	v3 =	vmul.u32 @!p0 $0x48, v3  }
0x109: {  	v4 =	vlaneseq.u32 @!p0;
	v2 =	vand.u32 @!p0 $0x7, v2  }
0x10a: {  	v2 =	vor.u32 @!p0 v2, v3;
	v3 =	vand.u32 @!p0 $0x7, v4;
	v4 =	vshrl.u32 @!p0 v4, $0x3  }
0x10b: {  	v2 =	vperm.xlane @!p0 v2, v3;
	v4 =	vmul.u32 @!p0 $0x8, v4;
	_ =	sdelay $0x1  }
0x10c: {  	v2 =	vadd.s32 @!p0 v4, v2;
	_ =	sdelay $0x3  }
0x10d: {  	vm2 =	vmmov @!p0 $0xffff;
	s1 =	simm.s32 @!p0 $0x0;
	s15 =	simm.s32 @!p0 $0x100  }
0x10e: {  	[tilespmem:s15], [sflag:$0x1] =	stream.indirect_vreg.gather @!p0 [hbm4b:s6+s1], $0x80, v2, vm2, $0xb8;
	[tilespmem:$0x1A180] =	vst v63  }
0x10f: {  	s15 =	simm.s32 @!p0 $0x900  }
0x110: {  	[tilespmem:s15], [sflag:$0x1] =	stream.indirect_vreg.gather @!p0 [hbm4b:s9+s1], $0x80, v2, vm2, $0xb8;
	[tilespmem:$0x1A180] =	vst v63  }
0x111: {  	s15 =	simm.s32 @!p0 $0x1100  }
0x112: {  	[tilespmem:s15], [sflag:$0x1] =	stream.indirect_vreg.gather @!p0 [hbm4b:s10+s1], $0x80, v2, vm2, $0xb8;
	[tilespmem:$0x1A180] =	vst v63  }
0x113: {  	s15 =	simm.s32 @!p0 $0x1900  }
0x114: {  	[tilespmem:s15], [sflag:$0x1] =	stream.indirect_vreg.gather @!p0 [hbm4b:s11+s1], $0x80, v2, vm2, $0xb8;
	[tilespmem:$0x1A180] =	vst v63  }
0x115: {  	vm3 =	vmmov @!p0 $0xff;
	s15 =	simm.s32 @!p0 $0x2100  }
0x116: {  	[tilespmem:s15], [sflag:$0x1] =	stream.indirect_vreg.gather @!p0 [hbm4b:s12+s1], $0x80, v2, vm3, $0xb8;
	[tilespmem:$0x1A180] =	vst v63  }
0x117: {  	v2 =	vld.msk @!p0 [tilespmem:s30+$0xA0], $0xff;
	_ =	sdelay $0x4  }
0x118: {  	v5 =	vshrl.u32 @!p0 v2, $0x3  }
0x119: {  	v5 =	vmul.u32 @!p0 $0x48, v5  }
0x11a: {  	v2 =	vand.u32 @!p0 $0x7, v2  }
0x11b: {  	v2 =	vor.u32 @!p0 v2, v5  }
0x11c: {  	v2 =	vperm.xlane @!p0 v2, v3;
	_ =	sdelay $0x1  }
0x11d: {  	v2 =	vadd.s32 @!p0 v4, v2;
	_ =	sdelay $0x3  }
0x11e: {  	s15 =	simm.s32 @!p0 $0x9100  }
0x11f: {  	[tilespmem:s15], [sflag:$0x1] =	stream.indirect_vreg.gather @!p0 [hbm4b:s6+s1], $0x80, v2, vm2, $0xb8;
	[tilespmem:$0x1A180] =	vst v63  }
0x120: {  	s15 =	simm.s32 @!p0 $0x9900  }
0x121: {  	[tilespmem:s15], [sflag:$0x1] =	stream.indirect_vreg.gather @!p0 [hbm4b:s9+s1], $0x80, v2, vm2, $0xb8;
	[tilespmem:$0x1A180] =	vst v63  }
0x122: {  	s15 =	simm.s32 @!p0 $0xA100  }
0x123: {  	[tilespmem:s15], [sflag:$0x1] =	stream.indirect_vreg.gather @!p0 [hbm4b:s10+s1], $0x80, v2, vm2, $0xb8;
	[tilespmem:$0x1A180] =	vst v63  }
0x124: {  	p1 =	seq.s32 @!p0 s14, $0x0;
	s15 =	simm.s32 @!p0 $0xA900  }
0x125: {  	[tilespmem:s15], [sflag:$0x1] =	stream.indirect_vreg.gather @!p0 [hbm4b:s11+s1], $0x80, v2, vm2, $0xb8;
	[tilespmem:$0x1A180] =	vst v63  }
0x126: {  	p1 =	por p0, !p1;
	s15 =	simm.s32 @!p0 $0xB100  }
0x127: {  	[tilespmem:s15], [sflag:$0x1] =	stream.indirect_vreg.gather @!p0 [hbm4b:s12+s1], $0x80, v2, vm3, $0xb8;
	[tilespmem:$0x1A180] =	vst v63  }
0x128: {  	_ =	swait.ge @p1 [sflag:s8], $0x2000  }
0x129: {  	[sflag:s8] =	ssyncset.done @p1 $0x0  }
0x12a: {  	s19 =	simm.s32 $0x0;
	[sflag:s8] =	ssyncadd.s32 @p1 $0xFFFFE000  }
0x12b: {  	v2 =	vld [tilespmem:s19+$0xD500]  }
0x12c: {  	v3 =	vld [tilespmem:s19+$0x4500];
	_ =	sdelay $0x4  }
0x12d: {  	s20 =	simm.s32 $0x80;
	v2 =	vsub.f32 v2, v3  }
0x12e: {  	v3 =	vld [tilespmem:s20+$0xD500]  }
0x12f: {  	s22 =	simm.s32 $0x100;
	(erf) = vrcp.f32 v2;
	v2 =	vld [tilespmem:s20+$0x4500]  }
0x130: {  	v4 =	vld [tilespmem:s22+$0xD500]  }
0x131: {  	v5 =	vld [tilespmem:s22+$0x4500];
	_ =	sdelay $0x2  }
0x132: {  	v2 =	vsub.f32 v3, v2;
	_ =	sdelay $0x1  }
0x133: {  	v4 =	vsub.f32 v4, v5;
	(erf) = vrcp.f32 v2;
	_ =	sdelay $0x1  }
0x134: {  	s17 =	simm.s32 $0x180;
	v3 =	vpop (erf);
	(erf) = vrcp.f32 v4  }
0x135: {  	s15 =	simm.s32 $0x1A100;
	v2 =	vld [tilespmem:s17+$0xD500]  }
0x136: {  	s16 =	simm.s32 $0x800;
	s1 =	simm.s32 $0x0;
	[tilespmem:s15+$0x0] =	vst v3;
	v3 =	vld [tilespmem:s17+$0x4500]  }
.LBB2_11:
0x137: {  	_ = 	snop  }
0x138: {  	p2 =	sne.s32 s16, $0xE00  }
.Ltmp4:
0x139: {  	_ = 	snop;
	(pc) =	sbr.rel @p2 .LBB2_11-.Ltmp4, $4  }
0x13a: {  	_ = 	snop  }
0x13b: {  	s17 =	sshra.s32 s16, $0x2;
	v4 =	vpop (erf);
	s15 =	sadd.s32 $0x10, s15;
	v5 =	vsub.f32 v2, v3  }
0x13c: {  	v2 =	vld [tilespmem:s17+$0xD500];
	[tilespmem:s15+$0x0] =	vst v4  }
0x13d: {  	s16 =	sadd.s32 $0x200, s16;
	v3 =	vld [tilespmem:s17+$0x4500];
	(erf) = vrcp.f32 v5  }
0x13e: {  	_ =	sdelay $0x3  }
0x13f: {  	v2 =	vsub.f32 v2, v3;
	_ =	sdelay $0x1  }
0x140: {  	(erf) = vrcp.f32 v2;
	_ =	sdelay $0x6  }
0x141: {  	s15 =	sadd.s32 $0x10, s15;
	v2 =	vpop (erf)  }
0x142: {  	[tilespmem:s15+$0x0] =	vst v2;
	v2 =	vpop (erf);
	s15 =	sadd.s32 $0x10, s15  }
0x143: {  	[tilespmem:s15+$0x0] =	vst v2;
	s15 =	sadd.s32 $0x10, s15;
	v2 =	vpop (erf)  }
0x144: {  	s22 =	simm.s32 $0x2540;
	s16 =	simm.s32 $0xB540;
	s18 =	simm.s32 $0x14140;
	[tilespmem:s15+$0x0] =	vst v2  }
.LBB2_13:
0x145: {  	v4 =	vld [tilespmem:s16+$0x30]  }
0x146: {  	v5 =	vld [tilespmem:s22+$0x30]  }
0x147: {  	v3 =	vld [tilespmem:s22+$0xFFFFFFC0]  }
0x148: {  	v6 =	vld [tilespmem:s16+$0xFFFFFFD0]  }
0x149: {  	v7 =	vld [tilespmem:s22+$0xFFFFFFD0]  }
0x14a: {  	s15 =	sshll.u32 s1, $0x4;
	v8 =	vld [tilespmem:s16+$0xFFFFFFE0]  }
0x14b: {  	v9 =	vld [tilespmem:s22+$0xFFFFFFE0];
	s15 =	sand.u32 $0x3FFFFFF0, s15  }
0x14c: {  	v2 =	vld [tilespmem:s15+$0x1A100]  }
0x14d: {  	v10 =	vld [tilespmem:s16+$0xFFFFFFF0]  }
0x14e: {  	v11 =	vld [tilespmem:s22+$0xFFFFFFF0]  }
0x14f: {  	v12 =	vld [tilespmem:s16+$0x0];
	v4 =	vsub.f32 v4, v5  }
0x150: {  	v13 =	vld [tilespmem:s22+$0x0];
	v5 =	vsub.f32 v6, v7  }
0x151: {  	v8 =	vsub.f32 v8, v9;
	v6 =	vld [tilespmem:s22+$0x10];
	v7 =	vmul.f32 v4, v2  }
0x152: {  	v4 =	vld [tilespmem:s16+$0x10];
	v9 =	vmul.f32 v5, v2  }
0x153: {  	v10 =	vsub.f32 v10, v11;
	v14 =	vmul.f32 v8, v2;
	v5 =	vld [tilespmem:s16+$0x20];
	[tilespmem:s18+$0x30] =	vst v7  }
0x154: {  	s19 =	simm.s32 $0x0;
	v8 =	vld [tilespmem:s22+$0x20];
	[tilespmem:s18+$0xFFFFFFD0] =	vst v9  }
0x155: {  	s20 =	sadd.s32 $0x400, s16;
	s17 =	smov.u32 s18;
	s15 =	smov.u32 s22;
	v7 =	vld [tilespmem:s16+$0xFFFFFFC0];
	[tilespmem:s18+$0xFFFFFFE0] =	vst v14;
	v9 =	vmul.f32 v10, v2;
	v10 =	vsub.f32 v12, v13  }
.LBB2_14:
0x156: {  	v11 =	vld [tilespmem:s20+$0x30];
	s15 =	sadd.s32 $0x400, s15  }
0x157: {  	s19 =	sadd.s32 $0x80, s19;
	v12 =	vld [tilespmem:s15+$0x30];
	[tilespmem:s17+$0xFFFFFFF0] =	vst v9;
	v9 =	vmul.f32 v10, v2;
	v4 =	vsub.f32 v4, v6  }
0x158: {  	p2 =	slt.u32 s19, $0x380;
	v6 =	vld [tilespmem:s15+$0xFFFFFFC0]  }
0x159: {  	v10 =	vld [tilespmem:s20+$0xFFFFFFD0];
	[tilespmem:s17+$0x0] =	vst v9;
	v4 =	vmul.f32 v4, v2;
	v5 =	vsub.f32 v5, v8  }
0x15a: {  	v8 =	vld [tilespmem:s15+$0xFFFFFFD0];
	v13 =	vsub.f32 v7, v3  }
0x15b: {  	v7 =	vld [tilespmem:s20+$0xFFFFFFE0];
	[tilespmem:s17+$0x10] =	vst v4;
	v4 =	vmul.f32 v5, v2  }
0x15c: {  	v5 =	vld [tilespmem:s15+$0xFFFFFFE0];
	v9 =	vsub.f32 v11, v12;
	v11 =	vmul.f32 v13, v2  }
0x15d: {  	v12 =	vld [tilespmem:s20+$0xFFFFFFF0];
	[tilespmem:s17+$0x20] =	vst v4;
	v3 =	vmov v6  }
0x15e: {  	v13 =	vld [tilespmem:s15+$0xFFFFFFF0];
	v4 =	vmul.f32 v9, v2;
	[tilespmem:s17+$0xFFFFFFC0] =	vst v11  }
0x15f: {  	s17 =	sadd.s32 $0x400, s17;
	v6 =	vsub.f32 v10, v8;
	v10 =	vld [tilespmem:s20+$0x0]  }
0x160: {  	v11 =	vld [tilespmem:s15+$0x0];
	[tilespmem:s17+$0x30] =	vst v4  }
.Ltmp5:
0x161: {  	v8 =	vmul.f32 v6, v2;
	v5 =	vsub.f32 v7, v5;
	v4 =	vld [tilespmem:s20+$0x10];
	(pc) =	sbr.rel @p2 .LBB2_14-.Ltmp5, $4  }
0x162: {  	v6 =	vld [tilespmem:s15+$0x10]  }
0x163: {  	[tilespmem:s17+$0xFFFFFFD0] =	vst v8;
	v9 =	vmul.f32 v5, v2;
	v12 =	vsub.f32 v12, v13;
	v5 =	vld [tilespmem:s20+$0x20]  }
0x164: {  	v8 =	vld [tilespmem:s15+$0x20]  }
0x165: {  	v7 =	vld [tilespmem:s20+$0xFFFFFFC0];
	[tilespmem:s17+$0xFFFFFFE0] =	vst v9;
	v9 =	vmul.f32 v12, v2;
	v10 =	vsub.f32 v10, v11;
	s20 =	sadd.s32 $0x400, s20  }
0x166: {  	_ =	sdelay $0x1  }
0x167: {  	s1 =	sadd.s32 $0x1, s1;
	v4 =	vsub.f32 v4, v6  }
0x168: {  	v63 =	vmul.f32 v10, v2;
	p2 =	sne.s32 s1, $0x8;
	v5 =	vsub.f32 v5, v8  }
.Ltmp6:
0x169: {  	[tilespmem:s17+$0xFFFFFFF0] =	vst v9;
	v4 =	vmul.f32 v4, v2;
	v3 =	vsub.f32 v7, v3;
	(pc) =	sbr.rel @p2 .LBB2_13-.Ltmp6, $4  }
0x16a: {  	[tilespmem:s17+$0x0] =	vst v63;
	v5 =	vmul.f32 v5, v2  }
0x16b: {  	[tilespmem:s17+$0x10] =	vst v4;
	v2 =	vmul.f32 v3, v2  }
0x16c: {  	[tilespmem:s17+$0x20] =	vst v5  }
0x16d: {  	s22 =	sadd.s32 $0x80, s22;
	s16 =	sadd.s32 $0x80, s16;
	s18 =	sadd.s32 $0x80, s18;
	[tilespmem:s17+$0xFFFFFFC0] =	vst v2  }
0x16e: {  	s0 =	sadd.s32 $0x1500, s0;
	s1 =	simm.s32 $0x14100  }
0x16f: {  	[hbm4b:s0+s3] =	stream.linear.scatter [tilespmem:s1], [sflag:$0x6], $0x2000, $0x38;
	[tilespmem:$0x1A180] =	vst v63  }
0x170: {  	_ =	swait.ge [sflag:s23], $0x2400  }
0x171: {  	[sflag:s23] =	ssyncset.done $0x0  }
0x172: {  	[sflag:s23] =	ssyncadd.s32 $0xFFFFDC00  }
0x173: {  	_ =	swait.ge [sflag:s23], $0x2400  }
0x174: {  	[sflag:s23] =	ssyncset.done $0x0  }
0x175: {  	[sflag:s23] =	ssyncadd.s32 $0xFFFFDC00  }
0x176: {  	v2 =	vld.msk @!p0 [tilespmem:s30+$0x28], $0xff;
	_ =	sdelay $0x4  }
0x177: {  	v3 =	vshrl.u32 @!p0 v2, $0x3  }
0x178: {  	v3 =	vmul.u32 @!p0 $0x48, v3  }
0x179: {  	v4 =	vlaneseq.u32 @!p0;
	v2 =	vand.u32 @!p0 $0x7, v2  }
0x17a: {  	v2 =	vor.u32 @!p0 v2, v3;
	v3 =	vand.u32 @!p0 $0x7, v4;
	v4 =	vshrl.u32 @!p0 v4, $0x3  }
0x17b: {  	v2 =	vperm.xlane @!p0 v2, v3;
	v4 =	vmul.u32 @!p0 $0x8, v4;
	_ =	sdelay $0x1  }
0x17c: {  	v2 =	vadd.s32 @!p0 v4, v2;
	_ =	sdelay $0x3  }
0x17d: {  	s0 =	simm.s32 @!p0 $0x0;
	s1 =	simm.s32 @!p0 $0x2500  }
0x17e: {  	[tilespmem:s1], [sflag:$0x2] =	stream.indirect_vreg.gather @!p0 [hbm4b:s6+s0], $0x80, v2, vm2, $0xb8;
	[tilespmem:$0x1A180] =	vst v63  }
0x17f: {  	s1 =	simm.s32 @!p0 $0x2D00  }
0x180: {  	[tilespmem:s1], [sflag:$0x2] =	stream.indirect_vreg.gather @!p0 [hbm4b:s9+s0], $0x80, v2, vm2, $0xb8;
	[tilespmem:$0x1A180] =	vst v63  }
0x181: {  	s1 =	simm.s32 @!p0 $0x3500  }
0x182: {  	[tilespmem:s1], [sflag:$0x2] =	stream.indirect_vreg.gather @!p0 [hbm4b:s10+s0], $0x80, v2, vm2, $0xb8;
	[tilespmem:$0x1A180] =	vst v63  }
0x183: {  	s1 =	simm.s32 @!p0 $0x3D00  }
0x184: {  	[tilespmem:s1], [sflag:$0x2] =	stream.indirect_vreg.gather @!p0 [hbm4b:s11+s0], $0x80, v2, vm2, $0xb8;
	[tilespmem:$0x1A180] =	vst v63  }
0x185: {  	s1 =	simm.s32 @!p0 $0x4500  }
0x186: {  	[tilespmem:s1], [sflag:$0x2] =	stream.indirect_vreg.gather @!p0 [hbm4b:s12+s0], $0x80, v2, vm3, $0xb8;
	[tilespmem:$0x1A180] =	vst v63  }
0x187: {  	v2 =	vld.msk @!p0 [tilespmem:s30+$0xA8], $0xff;
	_ =	sdelay $0x4  }
0x188: {  	v5 =	vshrl.u32 @!p0 v2, $0x3  }
0x189: {  	v5 =	vmul.u32 @!p0 $0x48, v5  }
0x18a: {  	v2 =	vand.u32 @!p0 $0x7, v2  }
0x18b: {  	v2 =	vor.u32 @!p0 v2, v5  }
0x18c: {  	v2 =	vperm.xlane @!p0 v2, v3;
	_ =	sdelay $0x1  }
0x18d: {  	v2 =	vadd.s32 @!p0 v4, v2;
	_ =	sdelay $0x3  }
0x18e: {  	s1 =	simm.s32 @!p0 $0xB500  }
0x18f: {  	[tilespmem:s1], [sflag:$0x2] =	stream.indirect_vreg.gather @!p0 [hbm4b:s6+s0], $0x80, v2, vm2, $0xb8;
	[tilespmem:$0x1A180] =	vst v63  }
0x190: {  	s1 =	simm.s32 @!p0 $0xBD00  }
0x191: {  	[tilespmem:s1], [sflag:$0x2] =	stream.indirect_vreg.gather @!p0 [hbm4b:s9+s0], $0x80, v2, vm2, $0xb8;
	[tilespmem:$0x1A180] =	vst v63  }
0x192: {  	s1 =	simm.s32 @!p0 $0xC500  }
0x193: {  	[tilespmem:s1], [sflag:$0x2] =	stream.indirect_vreg.gather @!p0 [hbm4b:s10+s0], $0x80, v2, vm2, $0xb8;
	[tilespmem:$0x1A180] =	vst v63  }
0x194: {  	s1 =	simm.s32 @!p0 $0xCD00  }
0x195: {  	[tilespmem:s1], [sflag:$0x2] =	stream.indirect_vreg.gather @!p0 [hbm4b:s11+s0], $0x80, v2, vm2, $0xb8;
	[tilespmem:$0x1A180] =	vst v63  }
0x196: {  	s1 =	simm.s32 @!p0 $0xD500  }
0x197: {  	[tilespmem:s1], [sflag:$0x2] =	stream.indirect_vreg.gather @!p0 [hbm4b:s12+s0], $0x80, v2, vm3, $0xb8;
	[tilespmem:$0x1A180] =	vst v63  }
0x198: {  	_ =	swait.ge @p1 [sflag:s13], $0x2000  }
0x199: {  	[sflag:s13] =	ssyncset.done @p1 $0x0  }
0x19a: {  	s19 =	simm.s32 $0x0;
	[sflag:s13] =	ssyncadd.s32 @p1 $0xFFFFE000  }
0x19b: {  	v2 =	vld [tilespmem:s19+$0xF900]  }
0x19c: {  	v3 =	vld [tilespmem:s19+$0x6900];
	_ =	sdelay $0x4  }
0x19d: {  	s20 =	simm.s32 $0x80;
	v2 =	vsub.f32 v2, v3  }
0x19e: {  	v3 =	vld [tilespmem:s20+$0xF900]  }
0x19f: {  	s22 =	simm.s32 $0x100;
	(erf) = vrcp.f32 v2;
	v2 =	vld [tilespmem:s20+$0x6900]  }
0x1a0: {  	v4 =	vld [tilespmem:s22+$0xF900]  }
0x1a1: {  	v5 =	vld [tilespmem:s22+$0x6900];
	_ =	sdelay $0x2  }
0x1a2: {  	v2 =	vsub.f32 v3, v2;
	_ =	sdelay $0x1  }
0x1a3: {  	v4 =	vsub.f32 v4, v5;
	(erf) = vrcp.f32 v2;
	_ =	sdelay $0x1  }
0x1a4: {  	s17 =	simm.s32 $0x180;
	v3 =	vpop (erf);
	(erf) = vrcp.f32 v4  }
0x1a5: {  	s15 =	simm.s32 $0x1A100;
	v2 =	vld [tilespmem:s17+$0xF900]  }
0x1a6: {  	s16 =	simm.s32 $0x800;
	s0 =	sor.u32 $0x2, s31;
	s1 =	simm.s32 $0x0;
	[tilespmem:s15+$0x0] =	vst v3;
	v3 =	vld [tilespmem:s17+$0x6900]  }
.LBB2_17:
0x1a7: {  	_ = 	snop  }
0x1a8: {  	p2 =	sne.s32 s16, $0xE00  }
.Ltmp7:
0x1a9: {  	_ = 	snop;
	(pc) =	sbr.rel @p2 .LBB2_17-.Ltmp7, $4  }
0x1aa: {  	_ = 	snop  }
0x1ab: {  	s17 =	sshra.s32 s16, $0x2;
	v4 =	vpop (erf);
	s15 =	sadd.s32 $0x10, s15;
	v5 =	vsub.f32 v2, v3  }
0x1ac: {  	v2 =	vld [tilespmem:s17+$0xF900];
	[tilespmem:s15+$0x0] =	vst v4  }
0x1ad: {  	s16 =	sadd.s32 $0x200, s16;
	v3 =	vld [tilespmem:s17+$0x6900];
	(erf) = vrcp.f32 v5  }
0x1ae: {  	_ =	sdelay $0x3  }
0x1af: {  	v2 =	vsub.f32 v2, v3;
	_ =	sdelay $0x1  }
0x1b0: {  	(erf) = vrcp.f32 v2;
	_ =	sdelay $0x6  }
0x1b1: {  	s15 =	sadd.s32 $0x10, s15;
	v2 =	vpop (erf)  }
0x1b2: {  	[tilespmem:s15+$0x0] =	vst v2;
	v2 =	vpop (erf);
	s15 =	sadd.s32 $0x10, s15  }
0x1b3: {  	[tilespmem:s15+$0x0] =	vst v2;
	s15 =	sadd.s32 $0x10, s15;
	v2 =	vpop (erf)  }
0x1b4: {  	s16 =	simm.s32 $0xD940;
	s17 =	simm.s32 $0x16140;
	[tilespmem:s15+$0x0] =	vst v2;
	s15 =	simm.s32 $0x4940  }
.LBB2_19:
0x1b5: {  	v4 =	vld [tilespmem:s16+$0x30]  }
0x1b6: {  	v5 =	vld [tilespmem:s15+$0x30]  }
0x1b7: {  	v3 =	vld [tilespmem:s15+$0xFFFFFFC0]  }
0x1b8: {  	v6 =	vld [tilespmem:s16+$0xFFFFFFD0]  }
0x1b9: {  	v7 =	vld [tilespmem:s15+$0xFFFFFFD0]  }
0x1ba: {  	s18 =	sshll.u32 s1, $0x4;
	v8 =	vld [tilespmem:s16+$0xFFFFFFE0]  }
0x1bb: {  	v9 =	vld [tilespmem:s15+$0xFFFFFFE0];
	s18 =	sand.u32 $0x3FFFFFF0, s18  }
0x1bc: {  	v2 =	vld [tilespmem:s18+$0x1A100]  }
0x1bd: {  	v10 =	vld [tilespmem:s16+$0xFFFFFFF0]  }
0x1be: {  	v11 =	vld [tilespmem:s15+$0xFFFFFFF0]  }
0x1bf: {  	v12 =	vld [tilespmem:s16+$0x0];
	v4 =	vsub.f32 v4, v5  }
0x1c0: {  	v13 =	vld [tilespmem:s15+$0x0];
	v5 =	vsub.f32 v6, v7  }
0x1c1: {  	v8 =	vsub.f32 v8, v9;
	v6 =	vld [tilespmem:s15+$0x10];
	v7 =	vmul.f32 v4, v2  }
0x1c2: {  	v4 =	vld [tilespmem:s16+$0x10];
	v9 =	vmul.f32 v5, v2  }
0x1c3: {  	v10 =	vsub.f32 v10, v11;
	v14 =	vmul.f32 v8, v2;
	v5 =	vld [tilespmem:s16+$0x20];
	[tilespmem:s17+$0x30] =	vst v7  }
0x1c4: {  	s19 =	simm.s32 $0x0;
	v8 =	vld [tilespmem:s15+$0x20];
	[tilespmem:s17+$0xFFFFFFD0] =	vst v9  }
0x1c5: {  	s20 =	sadd.s32 $0x400, s16;
	s22 =	smov.u32 s15;
	s18 =	smov.u32 s17;
	v7 =	vld [tilespmem:s16+$0xFFFFFFC0];
	[tilespmem:s17+$0xFFFFFFE0] =	vst v14;
	v9 =	vmul.f32 v10, v2;
	v10 =	vsub.f32 v12, v13  }
.LBB2_20:
0x1c6: {  	v11 =	vld [tilespmem:s20+$0x30];
	s22 =	sadd.s32 $0x400, s22  }
0x1c7: {  	s19 =	sadd.s32 $0x80, s19;
	v12 =	vld [tilespmem:s22+$0x30];
	[tilespmem:s18+$0xFFFFFFF0] =	vst v9;
	v9 =	vmul.f32 v10, v2;
	v4 =	vsub.f32 v4, v6  }
0x1c8: {  	p2 =	slt.u32 s19, $0x380;
	v6 =	vld [tilespmem:s22+$0xFFFFFFC0]  }
0x1c9: {  	v10 =	vld [tilespmem:s20+$0xFFFFFFD0];
	[tilespmem:s18+$0x0] =	vst v9;
	v4 =	vmul.f32 v4, v2;
	v5 =	vsub.f32 v5, v8  }
0x1ca: {  	v8 =	vld [tilespmem:s22+$0xFFFFFFD0];
	v13 =	vsub.f32 v7, v3  }
0x1cb: {  	v7 =	vld [tilespmem:s20+$0xFFFFFFE0];
	[tilespmem:s18+$0x10] =	vst v4;
	v4 =	vmul.f32 v5, v2  }
0x1cc: {  	v5 =	vld [tilespmem:s22+$0xFFFFFFE0];
	v9 =	vsub.f32 v11, v12;
	v11 =	vmul.f32 v13, v2  }
0x1cd: {  	v12 =	vld [tilespmem:s20+$0xFFFFFFF0];
	[tilespmem:s18+$0x20] =	vst v4;
	v3 =	vmov v6  }
0x1ce: {  	v13 =	vld [tilespmem:s22+$0xFFFFFFF0];
	v4 =	vmul.f32 v9, v2;
	[tilespmem:s18+$0xFFFFFFC0] =	vst v11  }
0x1cf: {  	s18 =	sadd.s32 $0x400, s18;
	v6 =	vsub.f32 v10, v8;
	v10 =	vld [tilespmem:s20+$0x0]  }
0x1d0: {  	v11 =	vld [tilespmem:s22+$0x0];
	[tilespmem:s18+$0x30] =	vst v4  }
.Ltmp8:
0x1d1: {  	v8 =	vmul.f32 v6, v2;
	v5 =	vsub.f32 v7, v5;
	v4 =	vld [tilespmem:s20+$0x10];
	(pc) =	sbr.rel @p2 .LBB2_20-.Ltmp8, $4  }
0x1d2: {  	v6 =	vld [tilespmem:s22+$0x10]  }
0x1d3: {  	[tilespmem:s18+$0xFFFFFFD0] =	vst v8;
	v9 =	vmul.f32 v5, v2;
	v12 =	vsub.f32 v12, v13;
	v5 =	vld [tilespmem:s20+$0x20]  }
0x1d4: {  	v8 =	vld [tilespmem:s22+$0x20]  }
0x1d5: {  	v7 =	vld [tilespmem:s20+$0xFFFFFFC0];
	[tilespmem:s18+$0xFFFFFFE0] =	vst v9;
	v9 =	vmul.f32 v12, v2;
	v10 =	vsub.f32 v10, v11;
	s20 =	sadd.s32 $0x400, s20  }
0x1d6: {  	_ =	sdelay $0x1  }
0x1d7: {  	s1 =	sadd.s32 $0x1, s1;
	v4 =	vsub.f32 v4, v6  }
0x1d8: {  	v63 =	vmul.f32 v10, v2;
	p2 =	sne.s32 s1, $0x8;
	v5 =	vsub.f32 v5, v8  }
.Ltmp9:
0x1d9: {  	[tilespmem:s18+$0xFFFFFFF0] =	vst v9;
	v4 =	vmul.f32 v4, v2;
	v3 =	vsub.f32 v7, v3;
	(pc) =	sbr.rel @p2 .LBB2_19-.Ltmp9, $4  }
0x1da: {  	[tilespmem:s18+$0x0] =	vst v63;
	v5 =	vmul.f32 v5, v2  }
0x1db: {  	[tilespmem:s18+$0x10] =	vst v4;
	v2 =	vmul.f32 v3, v2  }
0x1dc: {  	[tilespmem:s18+$0x20] =	vst v5  }
0x1dd: {  	s15 =	sadd.s32 $0x80, s15;
	s16 =	sadd.s32 $0x80, s16;
	s17 =	sadd.s32 $0x80, s17;
	[tilespmem:s18+$0xFFFFFFC0] =	vst v2  }
0x1de: {  	s0 =	sadd.s32 s5, s0  }
0x1df: {  	s0 =	smul.u32 $0x6400, s0;
	_ =	sdelay $0x1  }
0x1e0: {  	s0 =	sshrl.u32 s0, $0x3  }
0x1e1: {  	s0 =	sadd.s32 s2, s0  }
0x1e2: {  	s0 =	sadd.s32 $0x880, s0  }
0x1e3: {  	[hbm4b:s0+s3] =	stream.linear.scatter [tilespmem:s24], [sflag:$0x7], $0x2000, $0x38;
	[tilespmem:$0x1A180] =	vst v63  }
0x1e4: {  	_ =	swait.ge [sflag:s25], $0x2400  }
0x1e5: {  	[sflag:s25] =	ssyncset.done $0x0  }
0x1e6: {  	[sflag:s25] =	ssyncadd.s32 $0xFFFFDC00  }
0x1e7: {  	_ =	swait.ge [sflag:s25], $0x2400  }
0x1e8: {  	[sflag:s25] =	ssyncset.done $0x0  }
0x1e9: {  	[sflag:s25] =	ssyncadd.s32 $0xFFFFDC00  }
0x1ea: {  	v2 =	vld.msk @!p0 [tilespmem:s30+$0x30], $0xff;
	_ =	sdelay $0x4  }
0x1eb: {  	v3 =	vshrl.u32 @!p0 v2, $0x3  }
0x1ec: {  	v3 =	vmul.u32 @!p0 $0x48, v3  }
0x1ed: {  	v4 =	vlaneseq.u32 @!p0;
	v2 =	vand.u32 @!p0 $0x7, v2  }
0x1ee: {  	v2 =	vor.u32 @!p0 v2, v3;
	v3 =	vand.u32 @!p0 $0x7, v4;
	v4 =	vshrl.u32 @!p0 v4, $0x3  }
0x1ef: {  	v2 =	vperm.xlane @!p0 v2, v3;
	v4 =	vmul.u32 @!p0 $0x8, v4;
	_ =	sdelay $0x1  }
0x1f0: {  	v2 =	vadd.s32 @!p0 v4, v2;
	_ =	sdelay $0x3  }
0x1f1: {  	s1 =	simm.s32 @!p0 $0x4900;
	s0 =	simm.s32 @!p0 $0x0  }
0x1f2: {  	[tilespmem:s1], [sflag:$0x3] =	stream.indirect_vreg.gather @!p0 [hbm4b:s6+s0], $0x80, v2, vm2, $0xb8;
	[tilespmem:$0x1A180] =	vst v63  }
0x1f3: {  	s1 =	simm.s32 @!p0 $0x5100  }
0x1f4: {  	[tilespmem:s1], [sflag:$0x3] =	stream.indirect_vreg.gather @!p0 [hbm4b:s9+s0], $0x80, v2, vm2, $0xb8;
	[tilespmem:$0x1A180] =	vst v63  }
0x1f5: {  	s1 =	simm.s32 @!p0 $0x5900  }
0x1f6: {  	[tilespmem:s1], [sflag:$0x3] =	stream.indirect_vreg.gather @!p0 [hbm4b:s10+s0], $0x80, v2, vm2, $0xb8;
	[tilespmem:$0x1A180] =	vst v63  }
0x1f7: {  	s1 =	simm.s32 @!p0 $0x6100  }
0x1f8: {  	[tilespmem:s1], [sflag:$0x3] =	stream.indirect_vreg.gather @!p0 [hbm4b:s11+s0], $0x80, v2, vm2, $0xb8;
	[tilespmem:$0x1A180] =	vst v63  }
0x1f9: {  	s1 =	simm.s32 @!p0 $0x6900  }
0x1fa: {  	[tilespmem:s1], [sflag:$0x3] =	stream.indirect_vreg.gather @!p0 [hbm4b:s12+s0], $0x80, v2, vm3, $0xb8;
	[tilespmem:$0x1A180] =	vst v63  }
0x1fb: {  	v2 =	vld.msk @!p0 [tilespmem:s30+$0xB0], $0xff;
	_ =	sdelay $0x4  }
0x1fc: {  	v5 =	vshrl.u32 @!p0 v2, $0x3  }
0x1fd: {  	v5 =	vmul.u32 @!p0 $0x48, v5  }
0x1fe: {  	v2 =	vand.u32 @!p0 $0x7, v2  }
0x1ff: {  	v2 =	vor.u32 @!p0 v2, v5  }
0x200: {  	v2 =	vperm.xlane @!p0 v2, v3;
	_ =	sdelay $0x1  }
0x201: {  	v2 =	vadd.s32 @!p0 v4, v2;
	_ =	sdelay $0x3  }
0x202: {  	s1 =	simm.s32 @!p0 $0xD900  }
0x203: {  	[tilespmem:s1], [sflag:$0x3] =	stream.indirect_vreg.gather @!p0 [hbm4b:s6+s0], $0x80, v2, vm2, $0xb8;
	[tilespmem:$0x1A180] =	vst v63  }
0x204: {  	s1 =	simm.s32 @!p0 $0xE100  }
0x205: {  	[tilespmem:s1], [sflag:$0x3] =	stream.indirect_vreg.gather @!p0 [hbm4b:s9+s0], $0x80, v2, vm2, $0xb8;
	[tilespmem:$0x1A180] =	vst v63  }
0x206: {  	s1 =	simm.s32 @!p0 $0xE900  }
0x207: {  	[tilespmem:s1], [sflag:$0x3] =	stream.indirect_vreg.gather @!p0 [hbm4b:s10+s0], $0x80, v2, vm2, $0xb8;
	[tilespmem:$0x1A180] =	vst v63  }
0x208: {  	s1 =	simm.s32 @!p0 $0xF100  }
0x209: {  	[tilespmem:s1], [sflag:$0x3] =	stream.indirect_vreg.gather @!p0 [hbm4b:s11+s0], $0x80, v2, vm2, $0xb8;
	[tilespmem:$0x1A180] =	vst v63  }
0x20a: {  	s1 =	simm.s32 @!p0 $0xF900  }
0x20b: {  	[tilespmem:s1], [sflag:$0x3] =	stream.indirect_vreg.gather @!p0 [hbm4b:s12+s0], $0x80, v2, vm3, $0xb8;
	[tilespmem:$0x1A180] =	vst v63  }
0x20c: {  	_ =	swait.ge @p1 [sflag:s7], $0x2000  }
0x20d: {  	[sflag:s7] =	ssyncset.done @p1 $0x0  }
0x20e: {  	s22 =	simm.s32 $0x0;
	[sflag:s7] =	ssyncadd.s32 @p1 $0xFFFFE000  }
0x20f: {  	v2 =	vld [tilespmem:s22+$0x11D00]  }
0x210: {  	v3 =	vld [tilespmem:s22+$0x8D00];
	_ =	sdelay $0x4  }
0x211: {  	s30 =	simm.s32 $0x80;
	v2 =	vsub.f32 v2, v3  }
0x212: {  	v3 =	vld [tilespmem:s30+$0x11D00]  }
0x213: {  	s31 =	simm.s32 $0x100;
	(erf) = vrcp.f32 v2;
	v2 =	vld [tilespmem:s30+$0x8D00]  }
0x214: {  	v4 =	vld [tilespmem:s31+$0x11D00]  }
0x215: {  	v5 =	vld [tilespmem:s31+$0x8D00];
	_ =	sdelay $0x2  }
0x216: {  	v2 =	vsub.f32 v3, v2;
	_ =	sdelay $0x1  }
0x217: {  	v4 =	vsub.f32 v4, v5;
	(erf) = vrcp.f32 v2;
	_ =	sdelay $0x1  }
0x218: {  	s16 =	simm.s32 $0x180;
	v3 =	vpop (erf);
	(erf) = vrcp.f32 v4  }
0x219: {  	s1 =	simm.s32 $0x1A100;
	v2 =	vld [tilespmem:s16+$0x11D00]  }
0x21a: {  	s15 =	simm.s32 $0x800;
	s0 =	simm.s32 $0x0;
	[tilespmem:s1+$0x0] =	vst v3;
	v3 =	vld [tilespmem:s16+$0x8D00]  }
.LBB2_23:
0x21b: {  	_ = 	snop  }
0x21c: {  	p0 =	sne.s32 s15, $0xE00  }
.Ltmp10:
0x21d: {  	_ = 	snop;
	(pc) =	sbr.rel @p0 .LBB2_23-.Ltmp10, $4  }
0x21e: {  	_ = 	snop  }
0x21f: {  	s16 =	sshra.s32 s15, $0x2;
	v4 =	vpop (erf);
	s1 =	sadd.s32 $0x10, s1;
	v5 =	vsub.f32 v2, v3  }
0x220: {  	v2 =	vld [tilespmem:s16+$0x11D00];
	[tilespmem:s1+$0x0] =	vst v4  }
0x221: {  	s15 =	sadd.s32 $0x200, s15;
	v3 =	vld [tilespmem:s16+$0x8D00];
	(erf) = vrcp.f32 v5  }
0x222: {  	_ =	sdelay $0x3  }
0x223: {  	v2 =	vsub.f32 v2, v3;
	_ =	sdelay $0x1  }
0x224: {  	(erf) = vrcp.f32 v2;
	_ =	sdelay $0x6  }
0x225: {  	s1 =	sadd.s32 $0x10, s1;
	v2 =	vpop (erf)  }
0x226: {  	[tilespmem:s1+$0x0] =	vst v2;
	v2 =	vpop (erf);
	s1 =	sadd.s32 $0x10, s1  }
0x227: {  	[tilespmem:s1+$0x0] =	vst v2;
	s1 =	sadd.s32 $0x10, s1;
	v2 =	vpop (erf)  }
0x228: {  	s15 =	simm.s32 $0xFD40;
	s16 =	simm.s32 $0x18140;
	[tilespmem:s1+$0x0] =	vst v2;
	s1 =	simm.s32 $0x6D40  }
.LBB2_25:
0x229: {  	v4 =	vld [tilespmem:s15+$0x30]  }
0x22a: {  	v5 =	vld [tilespmem:s1+$0x30]  }
0x22b: {  	v3 =	vld [tilespmem:s1+$0xFFFFFFC0]  }
0x22c: {  	v6 =	vld [tilespmem:s15+$0xFFFFFFD0]  }
0x22d: {  	v7 =	vld [tilespmem:s1+$0xFFFFFFD0]  }
0x22e: {  	s17 =	sshll.u32 s0, $0x4;
	v8 =	vld [tilespmem:s15+$0xFFFFFFE0]  }
0x22f: {  	v9 =	vld [tilespmem:s1+$0xFFFFFFE0];
	s17 =	sand.u32 $0x3FFFFFF0, s17  }
0x230: {  	v2 =	vld [tilespmem:s17+$0x1A100]  }
0x231: {  	v10 =	vld [tilespmem:s15+$0xFFFFFFF0]  }
0x232: {  	v11 =	vld [tilespmem:s1+$0xFFFFFFF0]  }
0x233: {  	v12 =	vld [tilespmem:s15+$0x0];
	v4 =	vsub.f32 v4, v5  }
0x234: {  	v13 =	vld [tilespmem:s1+$0x0];
	v5 =	vsub.f32 v6, v7  }
0x235: {  	v8 =	vsub.f32 v8, v9;
	v6 =	vld [tilespmem:s1+$0x10];
	v7 =	vmul.f32 v4, v2  }
0x236: {  	v4 =	vld [tilespmem:s15+$0x10];
	v9 =	vmul.f32 v5, v2  }
0x237: {  	v10 =	vsub.f32 v10, v11;
	v14 =	vmul.f32 v8, v2;
	v5 =	vld [tilespmem:s15+$0x20];
	[tilespmem:s16+$0x30] =	vst v7  }
0x238: {  	s18 =	simm.s32 $0x0;
	v8 =	vld [tilespmem:s1+$0x20];
	[tilespmem:s16+$0xFFFFFFD0] =	vst v9  }
0x239: {  	s19 =	sadd.s32 $0x400, s15;
	s20 =	smov.u32 s1;
	s17 =	smov.u32 s16;
	v7 =	vld [tilespmem:s15+$0xFFFFFFC0];
	[tilespmem:s16+$0xFFFFFFE0] =	vst v14;
	v9 =	vmul.f32 v10, v2;
	v10 =	vsub.f32 v12, v13  }
.LBB2_26:
0x23a: {  	v11 =	vld [tilespmem:s19+$0x30];
	s20 =	sadd.s32 $0x400, s20  }
0x23b: {  	s18 =	sadd.s32 $0x80, s18;
	v12 =	vld [tilespmem:s20+$0x30];
	[tilespmem:s17+$0xFFFFFFF0] =	vst v9;
	v9 =	vmul.f32 v10, v2;
	v4 =	vsub.f32 v4, v6  }
0x23c: {  	p0 =	slt.u32 s18, $0x380;
	v6 =	vld [tilespmem:s20+$0xFFFFFFC0]  }
0x23d: {  	v10 =	vld [tilespmem:s19+$0xFFFFFFD0];
	[tilespmem:s17+$0x0] =	vst v9;
	v4 =	vmul.f32 v4, v2;
	v5 =	vsub.f32 v5, v8  }
0x23e: {  	v8 =	vld [tilespmem:s20+$0xFFFFFFD0];
	v13 =	vsub.f32 v7, v3  }
0x23f: {  	v7 =	vld [tilespmem:s19+$0xFFFFFFE0];
	[tilespmem:s17+$0x10] =	vst v4;
	v4 =	vmul.f32 v5, v2  }
0x240: {  	v5 =	vld [tilespmem:s20+$0xFFFFFFE0];
	v9 =	vsub.f32 v11, v12;
	v11 =	vmul.f32 v13, v2  }
0x241: {  	v12 =	vld [tilespmem:s19+$0xFFFFFFF0];
	[tilespmem:s17+$0x20] =	vst v4;
	v3 =	vmov v6  }
0x242: {  	v13 =	vld [tilespmem:s20+$0xFFFFFFF0];
	v4 =	vmul.f32 v9, v2;
	[tilespmem:s17+$0xFFFFFFC0] =	vst v11  }
0x243: {  	s17 =	sadd.s32 $0x400, s17;
	v6 =	vsub.f32 v10, v8;
	v10 =	vld [tilespmem:s19+$0x0]  }
0x244: {  	v11 =	vld [tilespmem:s20+$0x0];
	[tilespmem:s17+$0x30] =	vst v4  }
.Ltmp11:
0x245: {  	v8 =	vmul.f32 v6, v2;
	v5 =	vsub.f32 v7, v5;
	v4 =	vld [tilespmem:s19+$0x10];
	(pc) =	sbr.rel @p0 .LBB2_26-.Ltmp11, $4  }
0x246: {  	v6 =	vld [tilespmem:s20+$0x10]  }
0x247: {  	[tilespmem:s17+$0xFFFFFFD0] =	vst v8;
	v9 =	vmul.f32 v5, v2;
	v12 =	vsub.f32 v12, v13;
	v5 =	vld [tilespmem:s19+$0x20]  }
0x248: {  	v8 =	vld [tilespmem:s20+$0x20]  }
0x249: {  	v7 =	vld [tilespmem:s19+$0xFFFFFFC0];
	[tilespmem:s17+$0xFFFFFFE0] =	vst v9;
	v9 =	vmul.f32 v12, v2;
	v10 =	vsub.f32 v10, v11;
	s19 =	sadd.s32 $0x400, s19  }
0x24a: {  	_ =	sdelay $0x1  }
0x24b: {  	s0 =	sadd.s32 $0x1, s0;
	v4 =	vsub.f32 v4, v6  }
0x24c: {  	v63 =	vmul.f32 v10, v2;
	p0 =	sne.s32 s0, $0x8;
	v5 =	vsub.f32 v5, v8  }
.Ltmp12:
0x24d: {  	[tilespmem:s17+$0xFFFFFFF0] =	vst v9;
	v4 =	vmul.f32 v4, v2;
	v3 =	vsub.f32 v7, v3;
	(pc) =	sbr.rel @p0 .LBB2_25-.Ltmp12, $4  }
0x24e: {  	[tilespmem:s17+$0x0] =	vst v63;
	v5 =	vmul.f32 v5, v2  }
0x24f: {  	[tilespmem:s17+$0x10] =	vst v4;
	v2 =	vmul.f32 v3, v2  }
0x250: {  	[tilespmem:s17+$0x20] =	vst v5  }
0x251: {  	s1 =	sadd.s32 $0x80, s1;
	s15 =	sadd.s32 $0x80, s15;
	s16 =	sadd.s32 $0x80, s16;
	[tilespmem:s17+$0xFFFFFFC0] =	vst v2  }
0x252: {  	s0 =	sadd.s32 s5, s29;
	s14 =	sadd.s32 $0x1, s14  }
0x253: {  	s0 =	smul.u32 $0x6400, s0;
	p0 =	sne.s32 s14, $0x4  }
.Ltmp13:
0x254: {  	_ = 	snop;
	(pc) =	sbr.rel @p0 .LBB2_4-.Ltmp13, $4  }
0x255: {  	s0 =	sshrl.u32 s0, $0x3  }
0x256: {  	s0 =	sadd.s32 s2, s0  }
0x257: {  	s0 =	sadd.s32 $0x880, s0  }
0x258: {  	[hbm4b:s0+s3] =	stream.linear.scatter [tilespmem:s26], [sflag:$0x8], $0x2000, $0x38;
	[tilespmem:$0x1A180] =	vst v63  }
0x259: {  	s0 =	simm.s32 $0x5  }
0x25a: {  	_ =	swait.ge [sflag:s0], $0x2000  }
0x25b: {  	[sflag:s0] =	ssyncset.done $0x0  }
0x25c: {  	[sflag:s0] =	ssyncadd.s32 $0xFFFFE000  }
0x25d: {  	_ =	swait.ge [sflag:s8], $0x2000  }
0x25e: {  	[sflag:s8] =	ssyncset.done $0x0  }
0x25f: {  	[sflag:s8] =	ssyncadd.s32 $0xFFFFE000  }
0x260: {  	_ =	swait.ge [sflag:s13], $0x2000  }
0x261: {  	[sflag:s13] =	ssyncset.done $0x0  }
0x262: {  	[sflag:s13] =	ssyncadd.s32 $0xFFFFE000  }
0x263: {  	_ =	swait.ge [sflag:s7], $0x2000  }
0x264: {  	s1 =	rddreg [dreg:$0x8]  }
0x265: {  	s31 =	rddreg [dreg:$0x7];
	s1 =	sadd.s32 $0x1, s1  }
0x266: {  	p0 =	sne.s32 s1, s31  }
.Ltmp14:
0x267: {  	_ = 	snop;
	(pc) =	sbr.rel @p0 .LBB2_1-.Ltmp14, $3  }
0x268: {  	_ =	sdelay $0x1  }
0x269: {  	[sflag:s7] =	ssyncset.done $0x0  }
0x26a: {  	[sflag:s7] =	ssyncadd.s32 $0xFFFFE000  }
0x26b: {  	_ =	sfence.sel $0x180000  }
0x26c: {  	[bflag:$0x0] =	sbarrier.arrive $0xFFFF  }
0x26d: {  	_ =	strace $0x9000004A  }
0x26e: {  	s0 =	stileid.u32;
	[bflag:$0x2] =	sbarrier.arrive $0xFFFF  }
0x26f: {  	p0 =	sne.s32 s0, $0x0;
	s0 =	rddreg [dreg:$0x4]  }
0x270: {  	s0 =	sadd.s32 @!p0 $0x100000, s0  }
0x271: {  	[sflag:s0] =	ssyncadd.tile.s32 @!p0 $0x1;
	_ =	shalt  }
.Lfunc_end2:
_tile_overlayer_lowered:
.L_overlay_start_2:
0x272: {  	(tag) =	ssettag $0x2  }
0x273: {  	s0 =	rddreg [dreg:$0x0];
	s2 =	stileid.u32  }
0x274: {  	s1 =	rddreg [dreg:$0x1];
	p0 =	sne.s32 s2, $0x0  }
0x275: {  	s3 =	rddreg [dreg:$0x2];
	[bflag:$0x3] =	sbarrier.arrive $0xFFFF;
	s2 =	simm.s32 @!p0 $0x1C09  }
0x276: {  	[timem:s3], [sflag:s2] =	dma.local @!p0 [hbm:s0], s1  }
0x277: {  	s0 =	simm.s32 @!p0 $0x9  }
0x278: {  	_ =	swait.ge @!p0 [sflag:s0], s1  }
0x279: {  	s1 =	ssub.s32 @!p0 $0x0, s1;
	[sflag:s0] =	ssyncset.done @!p0 $0x0  }
0x27a: {  	[sflag:s0] =	ssyncadd.s32 @!p0 s1  }
0x27b: {  	[bflag:$0x3] =	sbarrier.arrive $0xFFFF  }
0x27c: {  	_ =	shalt  }

</sc_bundles>
